<compile_context>
chip_gen: v7x
topology: tpu7x:2x2x1
jax: 0.10.2.dev20260603
libtpu: 0.0.44.dev20260713+nightly
codegen_flags: <defaults>
</compile_context>

<pallas_src>
import functools

import jax
import jax.numpy as jnp
from jax import lax
from jax.experimental import pallas as pl
from jax.experimental.pallas import tpu as pltpu
from jax.experimental.pallas import tpu_sc as plsc

C = 43
ALPHA = 0.25
B, O, H, W = 8, 50, 160, 160
OP = 64
HW = H * W
STRIDE = 640.0 / H
INV_STRIDE = 1.0 / STRIDE
LN2 = 0.6931471805599453



def _params_from(x1, y1, x2, y2, lab):
    cx = (x1 + x2) * 0.5
    cy = (y1 + y2) * 0.5
    bw = x2 - x1
    bh = y2 - y1
    ssum = x1 + y1 + x2 + y2
    valid = (lab >= 0) & (ssum > 0) & (bw > 0) & (bh > 0)
    gx = jnp.clip((cx * INV_STRIDE).astype(jnp.int32), 0, W - 1)
    gy = jnp.clip((cy * INV_STRIDE).astype(jnp.int32), 0, H - 1)
    return cx, cy, bw, bh, valid, gx, gy


def _fneg_tc(s):
    return -(1.0 - ALPHA) * s * s * jnp.log(1.0 - s)


def _fpos_tc(s):
    return -ALPHA * (1.0 - s) * (1.0 - s) * jnp.log(s)


def _heat_body(bbs_ref, labs_ref, ph_ref, pc_ref, acc_ref):
    b = pl.program_id(0)

    subl = lax.broadcasted_iota(jnp.int32, (B, OP), 0)
    bmask_s = subl == b

    def _rowsel(arr2d):
        return jnp.sum(jnp.where(bmask_s, arr2d, 0), axis=0, keepdims=True)

    x1r = _rowsel(bbs_ref[0])
    y1r = _rowsel(bbs_ref[1])
    x2r = _rowsel(bbs_ref[2])
    y2r = _rowsel(bbs_ref[3])
    labr = _rowsel(labs_ref[...])

    tr = lambda v: v.reshape(OP, 1)
    x1, y1, x2, y2, lab = tr(x1r), tr(y1r), tr(x2r), tr(y2r), tr(labr)
    _, _, bw, bh, valid, gx, gy = _params_from(x1, y1, x2, y2, lab)
    r = jnp.maximum(jnp.sqrt(bw * bh) * INV_STRIDE, 2.0)
    r = r.astype(jnp.int32).astype(jnp.float32)
    k = 0.5 / (r * 0.5 * (r * 0.5))
    bias = jnp.where(valid, 0.0, 1e9)

    xg = lax.broadcasted_iota(jnp.int32, (1, W), 1).astype(jnp.float32)
    yg = lax.broadcasted_iota(jnp.int32, (1, H), 1).astype(jnp.float32)
    tx = (xg - gx.astype(jnp.float32)) ** 2 * k + bias
    ty = (yg - gy.astype(jnp.float32)) ** 2 * k

    acc = None
    for a in range(OP // 16):
        txc = tx[a * 16:(a + 1) * 16, :]
        tyc = ty[a * 16:(a + 1) * 16, :]
        s3 = txc[:, None, :] + tyc[:, :, None]
        m = jnp.min(s3, axis=0)
        acc = m if acc is None else jnp.minimum(acc, m)
    hm = jnp.exp(-acc)

    p = jnp.clip(ph_ref[0, 0], 1e-7, 1.0 - 1e-7)
    pos = hm > 0.5
    pos_l = -ALPHA * (1.0 - p) * (1.0 - p) * jnp.log(p) * hm
    neg_l = -(1.0 - ALPHA) * p * p * jnp.log(1.0 - p) * (1.0 - hm)
    heat_sum = jnp.sum(jnp.where(pos, pos_l, neg_l))
    heat_cnt = jnp.sum(pos.astype(jnp.float32))

    _, _, _, _, validr, gxr, gyr = _params_from(x1r, y1r, x2r, y2r, labr)
    pixr = gyr * W + gxr
    pix_c = gy * W + gx

    same_p = pix_c == pixr
    same_l = lab == labr
    valid_c = valid
    ii = lax.broadcasted_iota(jnp.int32, (OP, OP), 0)
    jj = lax.broadcasted_iota(jnp.int32, (OP, OP), 1)
    egt = jnp.any(same_p & valid_c & (ii > jj), axis=0, keepdims=True)
    elt = jnp.any(same_p & same_l & valid_c & (ii < jj), axis=0, keepdims=True)
    win = jnp.where(validr & ~egt, 1.0, 0.0)
    fst = jnp.where(validr & ~elt, 1.0, 0.0)

    ohx = (lax.broadcasted_iota(jnp.int32, (W, OP), 0) == gxr).astype(jnp.float32)
    ohy = (lax.broadcasted_iota(jnp.int32, (H, OP), 0) == gyr).astype(jnp.float32)
    m1 = jax.lax.dot_general(pc_ref[0], ohx, (((1,), (0,)), ((), ())),
                             preferred_element_type=jnp.float32)
    m1r = m1.reshape(C, H, OP)
    gathc = jnp.sum(m1r * ohy[None], axis=1)

    s = jnp.clip(1.0 / (1.0 + jnp.exp(-gathc)), 1e-7, 1.0 - 1e-7)
    cls_neg = jnp.sum(win * _fneg_tc(s))
    ohlab = (lax.broadcasted_iota(jnp.int32, (C, OP), 0) == labr).astype(jnp.float32)
    xlab = jnp.sum(gathc * ohlab, axis=0, keepdims=True)
    sl = jnp.clip(1.0 / (1.0 + jnp.exp(-xlab)), 1e-7, 1.0 - 1e-7)
    cls_sum = cls_neg + jnp.sum(fst * (_fpos_tc(sl) - _fneg_tc(sl)))
    npc = jnp.sum(fst)

    @pl.when(b == 0)
    def _init():
        acc_ref[0, 0] = heat_sum
        acc_ref[0, 1] = heat_cnt
        acc_ref[0, 2] = cls_sum
        acc_ref[0, 3] = npc

    @pl.when(b > 0)
    def _accum():
        acc_ref[0, 0] += heat_sum
        acc_ref[0, 1] += heat_cnt
        acc_ref[0, 2] += cls_sum
        acc_ref[0, 3] += npc


def _heat_parts(bbt_sc, lab_sc, pred_heatmap, pc3, *, interpret=False):
    return pl.pallas_call(
        _heat_body,
        grid=(B,),
        in_specs=[
            pl.BlockSpec((4, B, OP), lambda b: (0, 0, 0)),
            pl.BlockSpec((B, OP), lambda b: (0, 0)),
            pl.BlockSpec((1, 1, H, W), lambda b: (b, 0, 0, 0)),
            pl.BlockSpec((1, C * H, W), lambda b: (b, 0, 0)),
        ],
        out_specs=[pl.BlockSpec(memory_space=pltpu.SMEM)],
        out_shape=[jax.ShapeDtypeStruct((1, 4), jnp.float32)],
        interpret=interpret,
    )(bbt_sc, lab_sc, pred_heatmap, pc3)[0]



def _logf(x):
    bits = lax.bitcast_convert_type(x, jnp.int32)
    e = ((bits >> 23) & 0xFF) - 127
    m = lax.bitcast_convert_type((bits & 0x007FFFFF) | 0x3F800000, jnp.float32)
    big = m > 1.4142135623730951
    m = jnp.where(big, m * 0.5, m)
    e = jnp.where(big, e + 1, e)
    z = (m - 1.0) / (m + 1.0)
    z2 = z * z
    poly = 2.0 * z * (1.0 + z2 * (1.0 / 3.0 + z2 * (0.2 + z2 * (1.0 / 7.0 + z2 * (1.0 / 9.0)))))
    return e.astype(jnp.float32) * LN2 + poly


def _sc_body(bbt_hbm, lab_hbm, pb_hbm, out_hbm,
             bb_v, lab_v, p_v, val_v, tgt_v, bidx_v, bgath_v, res_v, sem):
    wid = lax.axis_index("s") * 2 + lax.axis_index("c")
    b = lax.rem(wid, 8)

    pltpu.sync_copy(bbt_hbm, bb_v)
    pltpu.sync_copy(lab_hbm, lab_v)

    iota = jnp.arange(16, dtype=jnp.int32)

    for a in range(OP // 16):
        sl = pl.ds(a * 16, 16)
        x1 = bb_v[0, b, sl]
        y1 = bb_v[1, b, sl]
        x2 = bb_v[2, b, sl]
        y2 = bb_v[3, b, sl]
        lab = lab_v[b, sl]
        cx = (x1 + x2) * 0.5
        cy = (y1 + y2) * 0.5
        bw = x2 - x1
        bh = y2 - y1
        ssum = x1 + y1 + x2 + y2
        valid = (lab >= 0) & (ssum > 0) & (bw > 0) & (bh > 0)
        gx = jnp.clip((cx * INV_STRIDE).astype(jnp.int32), 0, W - 1)
        gy = jnp.clip((cy * INV_STRIDE).astype(jnp.int32), 0, H - 1)
        pix = gy * W + gx
        p_v[sl] = pix
        val_v[sl] = jnp.where(valid, 1, 0)
        tgt_v[0, sl] = cx * INV_STRIDE - gx.astype(jnp.float32) - 0.5
        tgt_v[1, sl] = cy * INV_STRIDE - gy.astype(jnp.float32) - 0.5
        tgt_v[2, sl] = _logf(bw * INV_STRIDE + 1e-6)
        tgt_v[3, sl] = _logf(bh * INV_STRIDE + 1e-6)
        bcb = b * (4 * HW) + pix
        for k4 in range(4):
            bidx_v[k4, sl] = bcb + k4 * HW

    copies = [pltpu.async_copy(pb_hbm.at[bidx_v.at[k4]], bgath_v.at[k4], sem)
              for k4 in range(4)]

    bfull = jnp.full((16,), b, jnp.int32)

    def body(j, carry):
        jfull = jnp.full((16,), j, jnp.int32)
        pj = plsc.load_gather(p_v, [jfull])
        vj = plsc.load_gather(val_v, [jfull])
        out = []
        for a in range(OP // 16):
            sl = pl.ds(a * 16, 16)
            pa = p_v[sl]
            gidx = iota + a * 16
            egt = jnp.maximum(
                carry[a], jnp.where((pa == pj) & (gidx < jfull), vj, 0))
            out.append(egt)
        return tuple(out)

    zero = jnp.zeros((16,), jnp.int32)
    flags = lax.fori_loop(0, O, body, (zero,) * (OP // 16))

    for cp in copies:
        cp.wait()

    acc_box = jnp.zeros((16,), jnp.float32)
    acc_npb = jnp.zeros((16,), jnp.float32)
    for a in range(OP // 16):
        sl = pl.ds(a * 16, 16)
        win = jnp.where((val_v[sl] > 0) & (flags[a] == 0), 1.0, 0.0)
        acc_npb = acc_npb + win
        for k4 in range(4):
            acc_box = acc_box + win * jnp.abs(bgath_v[k4, sl] - tgt_v[k4, sl])

    res_v[0, :] = acc_box
    res_v[1, :] = acc_npb
    pltpu.sync_copy(res_v, out_hbm.at[wid])


def _sc_parts(bbt_sc, lab_sc, pb_flat, *, interpret=False):
    mesh = plsc.VectorSubcoreMesh(core_axis_name="c", subcore_axis_name="s")
    fn = functools.partial(
        pl.kernel,
        out_type=jax.ShapeDtypeStruct((32, 2, 16), jnp.float32),
        mesh=mesh,
        scratch_types=[
            pltpu.VMEM((4, B, OP), jnp.float32),
            pltpu.VMEM((B, OP), jnp.int32),
            pltpu.VMEM((OP,), jnp.int32),
            pltpu.VMEM((OP,), jnp.int32),
            pltpu.VMEM((4, OP), jnp.float32),
            pltpu.VMEM((4, OP), jnp.int32),
            pltpu.VMEM((4, OP), jnp.float32),
            pltpu.VMEM((2, 16), jnp.float32),
            pltpu.SemaphoreType.DMA,
        ],
        compiler_params=pltpu.CompilerParams(needs_layout_passes=False),
        interpret=interpret,
    )(_sc_body)
    return fn(bbt_sc, lab_sc, pb_flat)



def kernel(pred_heatmap, pred_boxes, pred_classes, targets, bboxes, labels):
    del targets
    bbt = jnp.pad(jnp.transpose(bboxes, (2, 0, 1)), ((0, 0), (0, 0), (0, OP - O)))
    labp = jnp.pad(labels, ((0, 0), (0, OP - O)), constant_values=-1)
    pc3 = pred_classes.reshape(B, C * H, W)

    parts = _sc_parts(bbt, labp, pred_boxes.reshape(-1))
    acc = _heat_parts(bbt, labp, pred_heatmap, pc3)

    heat_loss = acc[0, 0] / jnp.maximum(acc[0, 1], 1.0)
    cls_sum = acc[0, 2]
    npc = acc[0, 3]
    box_sum = jnp.sum(parts[:, 0, :]) * 0.25
    npb = jnp.sum(parts[:, 1, :]) * 0.25

    num_pos = jnp.maximum(npb, 1.0)
    box_loss = jnp.where(num_pos > 1.0, box_sum / num_pos, 0.0)
    cls_loss = jnp.where(num_pos > 1.0, cls_sum / jnp.maximum(npc, 1.0), 0.0)
    return heat_loss + box_loss + cls_loss

# --- scband reference (transcript-rebuilt; emitter-appended) ---
"""Pipeline reference for scband-anchor-free-loss-63453846831417 (READ-ONLY COPY).

The authoritative reference and input builder live on the scoring server;
editing this copy changes nothing except your own understanding.
"""

import jax, jax.numpy as jnp
import numpy as np

NUM_CLASSES = 43
ALPHA = 0.25
GAMMA = 2.0
IMG_SIZE = 640.0


def focal_loss(pred, target):
    pred = jnp.clip(pred, 1e-07, 1 - 1e-07)
    pos_mask = (target > 0.5).astype(jnp.float32)
    neg_mask = (target <= 0.5).astype(jnp.float32)
    pos_loss = -ALPHA * jnp.power(1 - pred, GAMMA) * jnp.log(pred) * pos_mask * target
    neg_loss = -(1 - ALPHA) * jnp.power(pred, GAMMA) * jnp.log(1 - pred) * neg_mask * (1 - target)
    loss = pos_loss + neg_loss
    num_pos = jnp.maximum(pos_mask.sum(), 1.0)
    return loss.sum() / num_pos


def generate_heatmap(bboxes, labels, h, w):
    B, O = labels.shape
    stride = IMG_SIZE / h
    cx = (bboxes[..., 0] + bboxes[..., 2]) / 2
    cy = (bboxes[..., 1] + bboxes[..., 3]) / 2
    bw = bboxes[..., 2] - bboxes[..., 0]
    bh = bboxes[..., 3] - bboxes[..., 1]
    valid = (labels >= 0) & (bboxes.sum(axis=-1) > 0) & (bw > 0) & (bh > 0)
    grid_x = jnp.clip((cx / stride).astype(jnp.int32), 0, w - 1)
    grid_y = jnp.clip((cy / stride).astype(jnp.int32), 0, h - 1)
    radius = jnp.maximum(jnp.sqrt(bw * bh / stride / stride), 2.0).astype(jnp.int32)

    # vectorized gaussian splat: [B, O, h, w], max-reduced over objects
    gxf = grid_x.astype(jnp.float32)[..., None, None]
    gyf = grid_y.astype(jnp.float32)[..., None, None]
    xg = jnp.arange(w, dtype=jnp.float32)[None, None, None, :]
    yg = jnp.arange(h, dtype=jnp.float32)[None, None, :, None]
    dist_sq = (xg - gxf) ** 2 + (yg - gyf) ** 2
    r = radius.astype(jnp.float32)[..., None, None]
    sigma = r / 2.0
    gaussian = jnp.exp(-dist_sq / (2 * sigma * sigma))
    gaussian = gaussian * (dist_sq <= (2 * r) ** 2).astype(jnp.float32)
    gaussian = gaussian * valid[..., None, None].astype(jnp.float32)
    heatmap = jnp.max(gaussian, axis=1)[:, None]  # [B,1,h,w]

    grid_cx = (grid_x.astype(jnp.float32) + 0.5) * stride
    grid_cy = (grid_y.astype(jnp.float32) + 0.5) * stride
    dx = (cx - grid_cx) / stride
    dy = (cy - grid_cy) / stride
    dw = jnp.log(bw / stride + 1e-06)
    dh = jnp.log(bh / stride + 1e-06)

    b_idx = jnp.broadcast_to(jnp.arange(B)[:, None], (B, O))
    # invalid objects -> out-of-range row index, dropped by scatter
    gy_s = jnp.where(valid, grid_y, h)

    box_targets = jnp.zeros((B, 4, h, w), dtype=jnp.float32)
    box_targets = box_targets.at[b_idx, 0, gy_s, grid_x].set(dx, mode='drop')
    box_targets = box_targets.at[b_idx, 1, gy_s, grid_x].set(dy, mode='drop')
    box_targets = box_targets.at[b_idx, 2, gy_s, grid_x].set(dw, mode='drop')
    box_targets = box_targets.at[b_idx, 3, gy_s, grid_x].set(dh, mode='drop')

    class_targets = jnp.zeros((B, NUM_CLASSES, h, w), dtype=jnp.float32)
    class_targets = class_targets.at[b_idx, labels, gy_s, grid_x].set(1.0, mode='drop')

    mask = jnp.zeros((B, 1, h, w), dtype=jnp.float32)
    mask = mask.at[b_idx, 0, gy_s, grid_x].set(1.0, mode='drop')

    return heatmap, box_targets, class_targets, mask


def setup_inputs(seed: int = 0) -> dict:
    key = jax.random.key(seed)
    ks = jax.random.split(key, 6)
    B, C, H, W, O = 8, NUM_CLASSES, 160, 160, 50
    pred_heatmap = jax.random.uniform(ks[0], (B, 1, H, W), dtype=jnp.float32)
    pred_boxes = jax.random.normal(ks[1], (B, 4, H, W), dtype=jnp.float32)
    pred_classes = jax.random.normal(ks[2], (B, C, H, W), dtype=jnp.float32)
    x1y1 = jax.random.uniform(ks[3], (B, O, 2), minval=0.0, maxval=560.0)
    wh = jax.random.uniform(ks[4], (B, O, 2), minval=8.0, maxval=80.0)
    bboxes = jnp.concatenate([x1y1, jnp.clip(x1y1 + wh, 0.0, 640.0)], axis=-1)
    labels = jax.random.randint(ks[5], (B, O), 0, C, dtype=jnp.int32)
    targets = jnp.zeros((1,), dtype=jnp.float32)  # unused, kept for API compat
    return {"pred_heatmap": pred_heatmap, "pred_boxes": pred_boxes,
            "pred_classes": pred_classes, "targets": targets,
            "bboxes": bboxes, "labels": labels}


def reference(pred_heatmap, pred_boxes, pred_classes, targets, bboxes, labels):
    B = pred_heatmap.shape[0]
    h, w = pred_heatmap.shape[2], pred_heatmap.shape[3]
    target_heatmap, target_boxes, target_classes, mask = generate_heatmap(bboxes, labels, h, w)

    heat_loss = focal_loss(pred_heatmap, target_heatmap)

    num_pos = jnp.maximum(mask.sum(), 1.0)
    box_loss = jnp.sum(jnp.abs(pred_boxes * mask - target_boxes * mask)) / num_pos

    pred_classes_sig = jax.nn.sigmoid(pred_classes)
    class_mask = jnp.broadcast_to(mask, (B, NUM_CLASSES, h, w))
    cls_loss = focal_loss(pred_classes_sig * class_mask, target_classes * class_mask)

    box_loss = jnp.where(num_pos > 1, box_loss, 0.0)
    cls_loss = jnp.where(num_pos > 1, cls_loss, 0.0)

    total_loss = 1.0 * heat_loss + 1.0 * box_loss + 1.0 * cls_loss
    return total_loss

if __name__ == "__main__":
    import jax
    _d = setup_inputs()
    print(jax.jit(kernel)(*tuple(_d.values())))

</pallas_src>

<mosaic_0001>
#map = affine_map<(d0, d1) -> (0, 0, 0)>
#map1 = affine_map<(d0, d1) -> (0, 0)>
#map2 = affine_map<(d0, d1) -> (0)>
module attributes {stable_mosaic.version = 14 : i64} {
  func.func @_sc_body(%arg0: i32, %arg1: i32, %arg2: memref<4x8x64xf32, #tpu.memory_space<hbm>>, %arg3: memref<8x64xi32, #tpu.memory_space<hbm>>, %arg4: memref<819200xf32, #tpu.memory_space<hbm>>, %arg5: memref<32x2x16xf32, #tpu.memory_space<hbm>>, %arg6: memref<4x8x64xf32, #tpu.memory_space<vmem>>, %arg7: memref<8x64xi32, #tpu.memory_space<vmem>>, %arg8: memref<64xi32, #tpu.memory_space<vmem>>, %arg9: memref<64xi32, #tpu.memory_space<vmem>>, %arg10: memref<4x64xf32, #tpu.memory_space<vmem>>, %arg11: memref<4x64xi32, #tpu.memory_space<vmem>>, %arg12: memref<4x64xf32, #tpu.memory_space<vmem>>, %arg13: memref<2x16xf32, #tpu.memory_space<vmem>>, %arg14: memref<!tpu.dma_semaphore, #tpu.memory_space<semaphore_mem>>) attributes {dimension_semantics = [#tpu.dimension_semantics<core_parallel>, #tpu.dimension_semantics<subcore_parallel>], iteration_bounds = array<i64: 2, 16>, scalar_prefetch = 0 : i64, scratch_operands = 9 : i64, tpu.core_type = #tpu.core_type<sc_vector_subcore>, window_params = [{transform_indices = #map}, {transform_indices = #map1}, {transform_indices = #map2}, {transform_indices = #map}]} {
    %mul3A = arith.constant 2 : i32
    %mul3A_0 = arith.muli %arg1, %mul3A : i32
    %add3A = arith.addi %mul3A_0, %arg0 : i32
    %rem3A = arith.constant 8 : i32
    %rem3A_1 = arith.remsi %add3A, %rem3A : i32
    "tpu.region"() ({
      %run_scoped3A = tpu.sem_alloc : memref<!tpu.dma_semaphore, #tpu.memory_space<semaphore_mem>>
      tpu.enqueue_dma source(%arg2 : memref<4x8x64xf32, #tpu.memory_space<hbm>>) target(%arg6 : memref<4x8x64xf32, #tpu.memory_space<vmem>>) target_semaphore(%run_scoped3A : memref<!tpu.dma_semaphore, #tpu.memory_space<semaphore_mem>>)
      tpu.wait_dma2 semaphore(%run_scoped3A : memref<!tpu.dma_semaphore, #tpu.memory_space<semaphore_mem>>) src(%arg2 : memref<4x8x64xf32, #tpu.memory_space<hbm>>) dst(%arg6 : memref<4x8x64xf32, #tpu.memory_space<vmem>>)
      tpu.yield
    }) : () -> ()
    "tpu.region"() ({
      %run_scoped3A = tpu.sem_alloc : memref<!tpu.dma_semaphore, #tpu.memory_space<semaphore_mem>>
      tpu.enqueue_dma source(%arg3 : memref<8x64xi32, #tpu.memory_space<hbm>>) target(%arg7 : memref<8x64xi32, #tpu.memory_space<vmem>>) target_semaphore(%run_scoped3A : memref<!tpu.dma_semaphore, #tpu.memory_space<semaphore_mem>>)
      tpu.wait_dma2 semaphore(%run_scoped3A : memref<!tpu.dma_semaphore, #tpu.memory_space<semaphore_mem>>) src(%arg3 : memref<8x64xi32, #tpu.memory_space<hbm>>) dst(%arg7 : memref<8x64xi32, #tpu.memory_space<vmem>>)
      tpu.yield
    }) : () -> ()
    %iota3A = tpu.iota {dimensions = array<i32: 0>} : vector<16xi32>
    %get3A = arith.constant 0 : i32
    %get3A_2 = arith.index_cast %get3A : i32 to index
    %get3A_3 = arith.index_cast %rem3A_1 : i32 to index
    %get3A_4 = arith.constant 0 : index
    %get3A_5 = tpu.vector_load %arg6[%get3A_2, %get3A_3, %get3A_4] {strides = array<i32>} : memref<4x8x64xf32, #tpu.memory_space<vmem>>, vector<16xf32>,
    %get3A_6 = arith.constant 1 : i32
    %get3A_7 = arith.index_cast %get3A_6 : i32 to index
    %get3A_8 = arith.index_cast %rem3A_1 : i32 to index
    %get3A_9 = arith.constant 0 : index
    %get3A_10 = tpu.vector_load %arg6[%get3A_7, %get3A_8, %get3A_9] {strides = array<i32>} : memref<4x8x64xf32, #tpu.memory_space<vmem>>, vector<16xf32>,
    %get3A_11 = arith.constant 2 : i32
    %get3A_12 = arith.index_cast %get3A_11 : i32 to index
    %get3A_13 = arith.index_cast %rem3A_1 : i32 to index
    %get3A_14 = arith.constant 0 : index
    %get3A_15 = tpu.vector_load %arg6[%get3A_12, %get3A_13, %get3A_14] {strides = array<i32>} : memref<4x8x64xf32, #tpu.memory_space<vmem>>, vector<16xf32>,
    %get3A_16 = arith.constant 3 : i32
    %get3A_17 = arith.index_cast %get3A_16 : i32 to index
    %get3A_18 = arith.index_cast %rem3A_1 : i32 to index
    %get3A_19 = arith.constant 0 : index
    %get3A_20 = tpu.vector_load %arg6[%get3A_17, %get3A_18, %get3A_19] {strides = array<i32>} : memref<4x8x64xf32, #tpu.memory_space<vmem>>, vector<16xf32>,
    %get3A_21 = arith.index_cast %rem3A_1 : i32 to index
    %get3A_22 = arith.constant 0 : index
    %get3A_23 = tpu.vector_load %arg7[%get3A_21, %get3A_22] {strides = array<i32>} : memref<8x64xi32, #tpu.memory_space<vmem>>, vector<16xi32>,
    %add3A_24 = arith.addf %get3A_5, %get3A_15 : vector<16xf32>
    %mul3A_25 = arith.constant 5.000000e-01 : f32
    %mul3A_26 = vector.broadcast %mul3A_25 : f32 to vector<16xf32>
    %mul3A_27 = arith.mulf %add3A_24, %mul3A_26 : vector<16xf32>
    %add3A_28 = arith.addf %get3A_10, %get3A_20 : vector<16xf32>
    %mul3A_29 = arith.constant 5.000000e-01 : f32
    %mul3A_30 = vector.broadcast %mul3A_29 : f32 to vector<16xf32>
    %mul3A_31 = arith.mulf %add3A_28, %mul3A_30 : vector<16xf32>
    %sub3A = arith.subf %get3A_15, %get3A_5 : vector<16xf32>
    %sub3A_32 = arith.subf %get3A_20, %get3A_10 : vector<16xf32>
    %add3A_33 = arith.addf %get3A_5, %get3A_10 : vector<16xf32>
    %add3A_34 = arith.addf %add3A_33, %get3A_15 : vector<16xf32>
    %add3A_35 = arith.addf %add3A_34, %get3A_20 : vector<16xf32>
    %ge3A = arith.constant 0 : i32
    %ge3A_36 = vector.broadcast %ge3A : i32 to vector<16xi32>
    %ge3A_37 = arith.cmpi sge, %get3A_23, %ge3A_36 : vector<16xi32>
    %gt3A = arith.constant 0.000000e+00 : f32
    %gt3A_38 = vector.broadcast %gt3A : f32 to vector<16xf32>
    %gt3A_39 = arith.cmpf ogt, %add3A_35, %gt3A_38 : vector<16xf32>
    %and3A = arith.andi %ge3A_37, %gt3A_39 : vector<16xi1>
    %gt3A_40 = arith.constant 0.000000e+00 : f32
    %gt3A_41 = vector.broadcast %gt3A_40 : f32 to vector<16xf32>
    %gt3A_42 = arith.cmpf ogt, %sub3A, %gt3A_41 : vector<16xf32>
    %and3A_43 = arith.andi %and3A, %gt3A_42 : vector<16xi1>
    %gt3A_44 = arith.constant 0.000000e+00 : f32
    %gt3A_45 = vector.broadcast %gt3A_44 : f32 to vector<16xf32>
    %gt3A_46 = arith.cmpf ogt, %sub3A_32, %gt3A_45 : vector<16xf32>
    %and3A_47 = arith.andi %and3A_43, %gt3A_46 : vector<16xi1>
    %mul3A_48 = arith.constant 2.500000e-01 : f32
    %mul3A_49 = vector.broadcast %mul3A_48 : f32 to vector<16xf32>
    %mul3A_50 = arith.mulf %mul3A_27, %mul3A_49 : vector<16xf32>
    %convert_element_type3A = arith.fptosi %mul3A_50 : vector<16xf32> to vector<16xi32>
    %jit3A = arith.constant 0 : i32
    %jit3A_51 = arith.constant 159 : i32
    %max3A = vector.broadcast %jit3A : i32 to vector<16xi32>
    %max3A_52 = arith.maxsi %max3A, %convert_element_type3A : vector<16xi32>
    %min3A = vector.broadcast %jit3A_51 : i32 to vector<16xi32>
    %min3A_53 = arith.minsi %min3A, %max3A_52 : vector<16xi32>
    %mul3A_54 = arith.constant 2.500000e-01 : f32
    %mul3A_55 = vector.broadcast %mul3A_54 : f32 to vector<16xf32>
    %mul3A_56 = arith.mulf %mul3A_31, %mul3A_55 : vector<16xf32>
    %convert_element_type3A_57 = arith.fptosi %mul3A_56 : vector<16xf32> to vector<16xi32>
    %jit3A_58 = arith.constant 0 : i32
    %jit3A_59 = arith.constant 159 : i32
    %max3A_60 = vector.broadcast %jit3A_58 : i32 to vector<16xi32>
    %max3A_61 = arith.maxsi %max3A_60, %convert_element_type3A_57 : vector<16xi32>
    %min3A_62 = vector.broadcast %jit3A_59 : i32 to vector<16xi32>
    %min3A_63 = arith.minsi %min3A_62, %max3A_61 : vector<16xi32>
    %mul3A_64 = arith.constant 160 : i32
    %mul3A_65 = vector.broadcast %mul3A_64 : i32 to vector<16xi32>
    %mul3A_66 = arith.muli %min3A_63, %mul3A_65 : vector<16xi32>
    %add3A_67 = arith.addi %mul3A_66, %min3A_53 : vector<16xi32>
    %swap3A = arith.constant 0 : index
    %swap3A_68 = tpu.vector_load %arg8[%swap3A] {strides = array<i32>} : memref<64xi32, #tpu.memory_space<vmem>>, vector<16xi32>,
    tpu.vector_store %arg8[%swap3A], %add3A_67 {strides = array<i32>} : memref<64xi32, #tpu.memory_space<vmem>>, vector<16xi32>,
    %jit3A_69 = arith.constant 1 : i32
    %jit3A_70 = arith.constant 0 : i32
    %broadcast_in_dim3A = vector.broadcast %jit3A_69 : i32 to vector<16xi32>
    %broadcast_in_dim3A_71 = vector.broadcast %jit3A_70 : i32 to vector<16xi32>
    %select_n3A = arith.select %and3A_47, %broadcast_in_dim3A, %broadcast_in_dim3A_71 : vector<16xi1>, vector<16xi32>
    %swap3A_72 = arith.constant 0 : index
    %swap3A_73 = tpu.vector_load %arg9[%swap3A_72] {strides = array<i32>} : memref<64xi32, #tpu.memory_space<vmem>>, vector<16xi32>,
    tpu.vector_store %arg9[%swap3A_72], %select_n3A {strides = array<i32>} : memref<64xi32, #tpu.memory_space<vmem>>, vector<16xi32>,
    %mul3A_74 = arith.constant 2.500000e-01 : f32
    %mul3A_75 = vector.broadcast %mul3A_74 : f32 to vector<16xf32>
    %mul3A_76 = arith.mulf %mul3A_27, %mul3A_75 : vector<16xf32>
    %convert_element_type3A_77 = arith.sitofp %min3A_53 : vector<16xi32> to vector<16xf32>
    %sub3A_78 = arith.subf %mul3A_76, %convert_element_type3A_77 : vector<16xf32>
    %sub3A_79 = arith.constant 5.000000e-01 : f32
    %sub3A_80 = vector.broadcast %sub3A_79 : f32 to vector<16xf32>
    %sub3A_81 = arith.subf %sub3A_78, %sub3A_80 : vector<16xf32>
    %swap3A_82 = arith.constant 0 : i32
    %swap3A_83 = arith.index_cast %swap3A_82 : i32 to index
    %swap3A_84 = arith.constant 0 : index
    %swap3A_85 = tpu.vector_load %arg10[%swap3A_83, %swap3A_84] {strides = array<i32>} : memref<4x64xf32, #tpu.memory_space<vmem>>, vector<16xf32>,
    tpu.vector_store %arg10[%swap3A_83, %swap3A_84], %sub3A_81 {strides = array<i32>} : memref<4x64xf32, #tpu.memory_space<vmem>>, vector<16xf32>,
    %mul3A_86 = arith.constant 2.500000e-01 : f32
    %mul3A_87 = vector.broadcast %mul3A_86 : f32 to vector<16xf32>
    %mul3A_88 = arith.mulf %mul3A_31, %mul3A_87 : vector<16xf32>
    %convert_element_type3A_89 = arith.sitofp %min3A_63 : vector<16xi32> to vector<16xf32>
    %sub3A_90 = arith.subf %mul3A_88, %convert_element_type3A_89 : vector<16xf32>
    %sub3A_91 = arith.constant 5.000000e-01 : f32
    %sub3A_92 = vector.broadcast %sub3A_91 : f32 to vector<16xf32>
    %sub3A_93 = arith.subf %sub3A_90, %sub3A_92 : vector<16xf32>
    %swap3A_94 = arith.constant 1 : i32
    %swap3A_95 = arith.index_cast %swap3A_94 : i32 to index
    %swap3A_96 = arith.constant 0 : index
    %swap3A_97 = tpu.vector_load %arg10[%swap3A_95, %swap3A_96] {strides = array<i32>} : memref<4x64xf32, #tpu.memory_space<vmem>>, vector<16xf32>,
    tpu.vector_store %arg10[%swap3A_95, %swap3A_96], %sub3A_93 {strides = array<i32>} : memref<4x64xf32, #tpu.memory_space<vmem>>, vector<16xf32>,
    %mul3A_98 = arith.constant 2.500000e-01 : f32
    %mul3A_99 = vector.broadcast %mul3A_98 : f32 to vector<16xf32>
    %mul3A_100 = arith.mulf %sub3A, %mul3A_99 : vector<16xf32>
    %add3A_101 = arith.constant 9.99999997E-7 : f32
    %add3A_102 = vector.broadcast %add3A_101 : f32 to vector<16xf32>
    %add3A_103 = arith.addf %mul3A_100, %add3A_102 : vector<16xf32>
    %bitcast_convert_type3A = tpu.bitcast %add3A_103 : vector<16xf32> -> vector<16xi32>
    %shift_right_arithmetic3A = arith.constant 23 : i32
    %shift_right_arithmetic3A_104 = vector.broadcast %shift_right_arithmetic3A : i32 to vector<16xi32>
    %shift_right_arithmetic3A_105 = arith.shrsi %bitcast_convert_type3A, %shift_right_arithmetic3A_104 : vector<16xi32>
    %and3A_106 = arith.constant 255 : i32
    %and3A_107 = vector.broadcast %and3A_106 : i32 to vector<16xi32>
    %and3A_108 = arith.andi %shift_right_arithmetic3A_105, %and3A_107 : vector<16xi32>
    %sub3A_109 = arith.constant 127 : i32
    %sub3A_110 = vector.broadcast %sub3A_109 : i32 to vector<16xi32>
    %sub3A_111 = arith.subi %and3A_108, %sub3A_110 : vector<16xi32>
    %and3A_112 = arith.constant 8388607 : i32
    %and3A_113 = vector.broadcast %and3A_112 : i32 to vector<16xi32>
    %and3A_114 = arith.andi %bitcast_convert_type3A, %and3A_113 : vector<16xi32>
    %or3A = arith.constant 1065353216 : i32
    %or3A_115 = vector.broadcast %or3A : i32 to vector<16xi32>
    %or3A_116 = arith.ori %and3A_114, %or3A_115 : vector<16xi32>
    %bitcast_convert_type3A_117 = tpu.bitcast %or3A_116 : vector<16xi32> -> vector<16xf32>
    %gt3A_118 = arith.constant 1.41421354 : f32
    %gt3A_119 = vector.broadcast %gt3A_118 : f32 to vector<16xf32>
    %gt3A_120 = arith.cmpf ogt, %bitcast_convert_type3A_117, %gt3A_119 : vector<16xf32>
    %mul3A_121 = arith.constant 5.000000e-01 : f32
    %mul3A_122 = vector.broadcast %mul3A_121 : f32 to vector<16xf32>
    %mul3A_123 = arith.mulf %bitcast_convert_type3A_117, %mul3A_122 : vector<16xf32>
    %select_n3A_124 = arith.select %gt3A_120, %mul3A_123, %bitcast_convert_type3A_117 : vector<16xi1>, vector<16xf32>
    %add3A_125 = arith.constant 1 : i32
    %add3A_126 = vector.broadcast %add3A_125 : i32 to vector<16xi32>
    %add3A_127 = arith.addi %sub3A_111, %add3A_126 : vector<16xi32>
    %select_n3A_128 = arith.select %gt3A_120, %add3A_127, %sub3A_111 : vector<16xi1>, vector<16xi32>
    %sub3A_129 = arith.constant 1.000000e+00 : f32
    %sub3A_130 = vector.broadcast %sub3A_129 : f32 to vector<16xf32>
    %sub3A_131 = arith.subf %select_n3A_124, %sub3A_130 : vector<16xf32>
    %add3A_132 = arith.constant 1.000000e+00 : f32
    %add3A_133 = vector.broadcast %add3A_132 : f32 to vector<16xf32>
    %add3A_134 = arith.addf %select_n3A_124, %add3A_133 : vector<16xf32>
    %div3A = arith.divf %sub3A_131, %add3A_134 : vector<16xf32>
    %mul3A_135 = arith.mulf %div3A, %div3A : vector<16xf32>
    %mul3A_136 = arith.constant 2.000000e+00 : f32
    %mul3A_137 = vector.broadcast %mul3A_136 : f32 to vector<16xf32>
    %mul3A_138 = arith.mulf %mul3A_137, %div3A : vector<16xf32>
    %mul3A_139 = arith.constant 0.111111112 : f32
    %mul3A_140 = vector.broadcast %mul3A_139 : f32 to vector<16xf32>
    %mul3A_141 = arith.mulf %mul3A_135, %mul3A_140 : vector<16xf32>
    %add3A_142 = arith.constant 0.142857149 : f32
    %add3A_143 = vector.broadcast %add3A_142 : f32 to vector<16xf32>
    %add3A_144 = arith.addf %add3A_143, %mul3A_141 : vector<16xf32>
    %mul3A_145 = arith.mulf %mul3A_135, %add3A_144 : vector<16xf32>
    %add3A_146 = arith.constant 2.000000e-01 : f32
    %add3A_147 = vector.broadcast %add3A_146 : f32 to vector<16xf32>
    %add3A_148 = arith.addf %add3A_147, %mul3A_145 : vector<16xf32>
    %mul3A_149 = arith.mulf %mul3A_135, %add3A_148 : vector<16xf32>
    %add3A_150 = arith.constant 0.333333343 : f32
    %add3A_151 = vector.broadcast %add3A_150 : f32 to vector<16xf32>
    %add3A_152 = arith.addf %add3A_151, %mul3A_149 : vector<16xf32>
    %mul3A_153 = arith.mulf %mul3A_135, %add3A_152 : vector<16xf32>
    %add3A_154 = arith.constant 1.000000e+00 : f32
    %add3A_155 = vector.broadcast %add3A_154 : f32 to vector<16xf32>
    %add3A_156 = arith.addf %add3A_155, %mul3A_153 : vector<16xf32>
    %mul3A_157 = arith.mulf %mul3A_138, %add3A_156 : vector<16xf32>
    %convert_element_type3A_158 = arith.sitofp %select_n3A_128 : vector<16xi32> to vector<16xf32>
    %mul3A_159 = arith.constant 0.693147182 : f32
    %mul3A_160 = vector.broadcast %mul3A_159 : f32 to vector<16xf32>
    %mul3A_161 = arith.mulf %convert_element_type3A_158, %mul3A_160 : vector<16xf32>
    %add3A_162 = arith.addf %mul3A_161, %mul3A_157 : vector<16xf32>
    %swap3A_163 = arith.constant 2 : i32
    %swap3A_164 = arith.index_cast %swap3A_163 : i32 to index
    %swap3A_165 = arith.constant 0 : index
    %swap3A_166 = tpu.vector_load %arg10[%swap3A_164, %swap3A_165] {strides = array<i32>} : memref<4x64xf32, #tpu.memory_space<vmem>>, vector<16xf32>,
    tpu.vector_store %arg10[%swap3A_164, %swap3A_165], %add3A_162 {strides = array<i32>} : memref<4x64xf32, #tpu.memory_space<vmem>>, vector<16xf32>,
    %mul3A_167 = arith.constant 2.500000e-01 : f32
    %mul3A_168 = vector.broadcast %mul3A_167 : f32 to vector<16xf32>
    %mul3A_169 = arith.mulf %sub3A_32, %mul3A_168 : vector<16xf32>
    %add3A_170 = arith.constant 9.99999997E-7 : f32
    %add3A_171 = vector.broadcast %add3A_170 : f32 to vector<16xf32>
    %add3A_172 = arith.addf %mul3A_169, %add3A_171 : vector<16xf32>
    %bitcast_convert_type3A_173 = tpu.bitcast %add3A_172 : vector<16xf32> -> vector<16xi32>
    %shift_right_arithmetic3A_174 = arith.constant 23 : i32
    %shift_right_arithmetic3A_175 = vector.broadcast %shift_right_arithmetic3A_174 : i32 to vector<16xi32>
    %shift_right_arithmetic3A_176 = arith.shrsi %bitcast_convert_type3A_173, %shift_right_arithmetic3A_175 : vector<16xi32>
    %and3A_177 = arith.constant 255 : i32
    %and3A_178 = vector.broadcast %and3A_177 : i32 to vector<16xi32>
    %and3A_179 = arith.andi %shift_right_arithmetic3A_176, %and3A_178 : vector<16xi32>
    %sub3A_180 = arith.constant 127 : i32
    %sub3A_181 = vector.broadcast %sub3A_180 : i32 to vector<16xi32>
    %sub3A_182 = arith.subi %and3A_179, %sub3A_181 : vector<16xi32>
    %and3A_183 = arith.constant 8388607 : i32
    %and3A_184 = vector.broadcast %and3A_183 : i32 to vector<16xi32>
    %and3A_185 = arith.andi %bitcast_convert_type3A_173, %and3A_184 : vector<16xi32>
    %or3A_186 = arith.constant 1065353216 : i32
    %or3A_187 = vector.broadcast %or3A_186 : i32 to vector<16xi32>
    %or3A_188 = arith.ori %and3A_185, %or3A_187 : vector<16xi32>
    %bitcast_convert_type3A_189 = tpu.bitcast %or3A_188 : vector<16xi32> -> vector<16xf32>
    %gt3A_190 = arith.constant 1.41421354 : f32
    %gt3A_191 = vector.broadcast %gt3A_190 : f32 to vector<16xf32>
    %gt3A_192 = arith.cmpf ogt, %bitcast_convert_type3A_189, %gt3A_191 : vector<16xf32>
    %mul3A_193 = arith.constant 5.000000e-01 : f32
    %mul3A_194 = vector.broadcast %mul3A_193 : f32 to vector<16xf32>
    %mul3A_195 = arith.mulf %bitcast_convert_type3A_189, %mul3A_194 : vector<16xf32>
    %select_n3A_196 = arith.select %gt3A_192, %mul3A_195, %bitcast_convert_type3A_189 : vector<16xi1>, vector<16xf32>
    %add3A_197 = arith.constant 1 : i32
    %add3A_198 = vector.broadcast %add3A_197 : i32 to vector<16xi32>
    %add3A_199 = arith.addi %sub3A_182, %add3A_198 : vector<16xi32>
    %select_n3A_200 = arith.select %gt3A_192, %add3A_199, %sub3A_182 : vector<16xi1>, vector<16xi32>
    %sub3A_201 = arith.constant 1.000000e+00 : f32
    %sub3A_202 = vector.broadcast %sub3A_201 : f32 to vector<16xf32>
    %sub3A_203 = arith.subf %select_n3A_196, %sub3A_202 : vector<16xf32>
    %add3A_204 = arith.constant 1.000000e+00 : f32
    %add3A_205 = vector.broadcast %add3A_204 : f32 to vector<16xf32>
    %add3A_206 = arith.addf %select_n3A_196, %add3A_205 : vector<16xf32>
    %div3A_207 = arith.divf %sub3A_203, %add3A_206 : vector<16xf32>
    %mul3A_208 = arith.mulf %div3A_207, %div3A_207 : vector<16xf32>
    %mul3A_209 = arith.constant 2.000000e+00 : f32
    %mul3A_210 = vector.broadcast %mul3A_209 : f32 to vector<16xf32>
    %mul3A_211 = arith.mulf %mul3A_210, %div3A_207 : vector<16xf32>
    %mul3A_212 = arith.constant 0.111111112 : f32
    %mul3A_213 = vector.broadcast %mul3A_212 : f32 to vector<16xf32>
    %mul3A_214 = arith.mulf %mul3A_208, %mul3A_213 : vector<16xf32>
    %add3A_215 = arith.constant 0.142857149 : f32
    %add3A_216 = vector.broadcast %add3A_215 : f32 to vector<16xf32>
    %add3A_217 = arith.addf %add3A_216, %mul3A_214 : vector<16xf32>
    %mul3A_218 = arith.mulf %mul3A_208, %add3A_217 : vector<16xf32>
    %add3A_219 = arith.constant 2.000000e-01 : f32
    %add3A_220 = vector.broadcast %add3A_219 : f32 to vector<16xf32>
    %add3A_221 = arith.addf %add3A_220, %mul3A_218 : vector<16xf32>
    %mul3A_222 = arith.mulf %mul3A_208, %add3A_221 : vector<16xf32>
    %add3A_223 = arith.constant 0.333333343 : f32
    %add3A_224 = vector.broadcast %add3A_223 : f32 to vector<16xf32>
    %add3A_225 = arith.addf %add3A_224, %mul3A_222 : vector<16xf32>
    %mul3A_226 = arith.mulf %mul3A_208, %add3A_225 : vector<16xf32>
    %add3A_227 = arith.constant 1.000000e+00 : f32
    %add3A_228 = vector.broadcast %add3A_227 : f32 to vector<16xf32>
    %add3A_229 = arith.addf %add3A_228, %mul3A_226 : vector<16xf32>
    %mul3A_230 = arith.mulf %mul3A_211, %add3A_229 : vector<16xf32>
    %convert_element_type3A_231 = arith.sitofp %select_n3A_200 : vector<16xi32> to vector<16xf32>
    %mul3A_232 = arith.constant 0.693147182 : f32
    %mul3A_233 = vector.broadcast %mul3A_232 : f32 to vector<16xf32>
    %mul3A_234 = arith.mulf %convert_element_type3A_231, %mul3A_233 : vector<16xf32>
    %add3A_235 = arith.addf %mul3A_234, %mul3A_230 : vector<16xf32>
    %swap3A_236 = arith.constant 3 : i32
    %swap3A_237 = arith.index_cast %swap3A_236 : i32 to index
    %swap3A_238 = arith.constant 0 : index
    %swap3A_239 = tpu.vector_load %arg10[%swap3A_237, %swap3A_238] {strides = array<i32>} : memref<4x64xf32, #tpu.memory_space<vmem>>, vector<16xf32>,
    tpu.vector_store %arg10[%swap3A_237, %swap3A_238], %add3A_235 {strides = array<i32>} : memref<4x64xf32, #tpu.memory_space<vmem>>, vector<16xf32>,
    %mul3A_240 = arith.constant 102400 : i32
    %mul3A_241 = arith.muli %rem3A_1, %mul3A_240 : i32
    %add3A_242 = vector.broadcast %mul3A_241 : i32 to vector<16xi32>
    %add3A_243 = arith.addi %add3A_242, %add3A_67 : vector<16xi32>
    %add3A_244 = arith.constant 0 : i32
    %add3A_245 = vector.broadcast %add3A_244 : i32 to vector<16xi32>
    %add3A_246 = arith.addi %add3A_243, %add3A_245 : vector<16xi32>
    %swap3A_247 = arith.constant 0 : i32
    %swap3A_248 = arith.index_cast %swap3A_247 : i32 to index
    %swap3A_249 = arith.constant 0 : index
    %swap3A_250 = tpu.vector_load %arg11[%swap3A_248, %swap3A_249] {strides = array<i32>} : memref<4x64xi32, #tpu.memory_space<vmem>>, vector<16xi32>,
    tpu.vector_store %arg11[%swap3A_248, %swap3A_249], %add3A_246 {strides = array<i32>} : memref<4x64xi32, #tpu.memory_space<vmem>>, vector<16xi32>,
    %add3A_251 = arith.constant 25600 : i32
    %add3A_252 = vector.broadcast %add3A_251 : i32 to vector<16xi32>
    %add3A_253 = arith.addi %add3A_243, %add3A_252 : vector<16xi32>
    %swap3A_254 = arith.constant 1 : i32
    %swap3A_255 = arith.index_cast %swap3A_254 : i32 to index
    %swap3A_256 = arith.constant 0 : index
    %swap3A_257 = tpu.vector_load %arg11[%swap3A_255, %swap3A_256] {strides = array<i32>} : memref<4x64xi32, #tpu.memory_space<vmem>>, vector<16xi32>,
    tpu.vector_store %arg11[%swap3A_255, %swap3A_256], %add3A_253 {strides = array<i32>} : memref<4x64xi32, #tpu.memory_space<vmem>>, vector<16xi32>,
    %add3A_258 = arith.constant 51200 : i32
    %add3A_259 = vector.broadcast %add3A_258 : i32 to vector<16xi32>
    %add3A_260 = arith.addi %add3A_243, %add3A_259 : vector<16xi32>
    %swap3A_261 = arith.constant 2 : i32
    %swap3A_262 = arith.index_cast %swap3A_261 : i32 to index
    %swap3A_263 = arith.constant 0 : index
    %swap3A_264 = tpu.vector_load %arg11[%swap3A_262, %swap3A_263] {strides = array<i32>} : memref<4x64xi32, #tpu.memory_space<vmem>>, vector<16xi32>,
    tpu.vector_store %arg11[%swap3A_262, %swap3A_263], %add3A_260 {strides = array<i32>} : memref<4x64xi32, #tpu.memory_space<vmem>>, vector<16xi32>,
    %add3A_265 = arith.constant 76800 : i32
    %add3A_266 = vector.broadcast %add3A_265 : i32 to vector<16xi32>
    %add3A_267 = arith.addi %add3A_243, %add3A_266 : vector<16xi32>
    %swap3A_268 = arith.constant 3 : i32
    %swap3A_269 = arith.index_cast %swap3A_268 : i32 to index
    %swap3A_270 = arith.constant 0 : index
    %swap3A_271 = tpu.vector_load %arg11[%swap3A_269, %swap3A_270] {strides = array<i32>} : memref<4x64xi32, #tpu.memory_space<vmem>>, vector<16xi32>,
    tpu.vector_store %arg11[%swap3A_269, %swap3A_270], %add3A_267 {strides = array<i32>} : memref<4x64xi32, #tpu.memory_space<vmem>>, vector<16xi32>,
    %get3A_272 = arith.constant 0 : i32
    %get3A_273 = arith.index_cast %get3A_272 : i32 to index
    %get3A_274 = arith.index_cast %rem3A_1 : i32 to index
    %get3A_275 = arith.constant 16 : index
    %get3A_276 = tpu.vector_load %arg6[%get3A_273, %get3A_274, %get3A_275] {strides = array<i32>} : memref<4x8x64xf32, #tpu.memory_space<vmem>>, vector<16xf32>,
    %get3A_277 = arith.constant 1 : i32
    %get3A_278 = arith.index_cast %get3A_277 : i32 to index
    %get3A_279 = arith.index_cast %rem3A_1 : i32 to index
    %get3A_280 = arith.constant 16 : index
    %get3A_281 = tpu.vector_load %arg6[%get3A_278, %get3A_279, %get3A_280] {strides = array<i32>} : memref<4x8x64xf32, #tpu.memory_space<vmem>>, vector<16xf32>,
    %get3A_282 = arith.constant 2 : i32
    %get3A_283 = arith.index_cast %get3A_282 : i32 to index
    %get3A_284 = arith.index_cast %rem3A_1 : i32 to index
    %get3A_285 = arith.constant 16 : index
    %get3A_286 = tpu.vector_load %arg6[%get3A_283, %get3A_284, %get3A_285] {strides = array<i32>} : memref<4x8x64xf32, #tpu.memory_space<vmem>>, vector<16xf32>,
    %get3A_287 = arith.constant 3 : i32
    %get3A_288 = arith.index_cast %get3A_287 : i32 to index
    %get3A_289 = arith.index_cast %rem3A_1 : i32 to index
    %get3A_290 = arith.constant 16 : index
    %get3A_291 = tpu.vector_load %arg6[%get3A_288, %get3A_289, %get3A_290] {strides = array<i32>} : memref<4x8x64xf32, #tpu.memory_space<vmem>>, vector<16xf32>,
    %get3A_292 = arith.index_cast %rem3A_1 : i32 to index
    %get3A_293 = arith.constant 16 : index
    %get3A_294 = tpu.vector_load %arg7[%get3A_292, %get3A_293] {strides = array<i32>} : memref<8x64xi32, #tpu.memory_space<vmem>>, vector<16xi32>,
    %add3A_295 = arith.addf %get3A_276, %get3A_286 : vector<16xf32>
    %mul3A_296 = arith.constant 5.000000e-01 : f32
    %mul3A_297 = vector.broadcast %mul3A_296 : f32 to vector<16xf32>
    %mul3A_298 = arith.mulf %add3A_295, %mul3A_297 : vector<16xf32>
    %add3A_299 = arith.addf %get3A_281, %get3A_291 : vector<16xf32>
    %mul3A_300 = arith.constant 5.000000e-01 : f32
    %mul3A_301 = vector.broadcast %mul3A_300 : f32 to vector<16xf32>
    %mul3A_302 = arith.mulf %add3A_299, %mul3A_301 : vector<16xf32>
    %sub3A_303 = arith.subf %get3A_286, %get3A_276 : vector<16xf32>
    %sub3A_304 = arith.subf %get3A_291, %get3A_281 : vector<16xf32>
    %add3A_305 = arith.addf %get3A_276, %get3A_281 : vector<16xf32>
    %add3A_306 = arith.addf %add3A_305, %get3A_286 : vector<16xf32>
    %add3A_307 = arith.addf %add3A_306, %get3A_291 : vector<16xf32>
    %ge3A_308 = arith.constant 0 : i32
    %ge3A_309 = vector.broadcast %ge3A_308 : i32 to vector<16xi32>
    %ge3A_310 = arith.cmpi sge, %get3A_294, %ge3A_309 : vector<16xi32>
    %gt3A_311 = arith.constant 0.000000e+00 : f32
    %gt3A_312 = vector.broadcast %gt3A_311 : f32 to vector<16xf32>
    %gt3A_313 = arith.cmpf ogt, %add3A_307, %gt3A_312 : vector<16xf32>
    %and3A_314 = arith.andi %ge3A_310, %gt3A_313 : vector<16xi1>
    %gt3A_315 = arith.constant 0.000000e+00 : f32
    %gt3A_316 = vector.broadcast %gt3A_315 : f32 to vector<16xf32>
    %gt3A_317 = arith.cmpf ogt, %sub3A_303, %gt3A_316 : vector<16xf32>
    %and3A_318 = arith.andi %and3A_314, %gt3A_317 : vector<16xi1>
    %gt3A_319 = arith.constant 0.000000e+00 : f32
    %gt3A_320 = vector.broadcast %gt3A_319 : f32 to vector<16xf32>
    %gt3A_321 = arith.cmpf ogt, %sub3A_304, %gt3A_320 : vector<16xf32>
    %and3A_322 = arith.andi %and3A_318, %gt3A_321 : vector<16xi1>
    %mul3A_323 = arith.constant 2.500000e-01 : f32
    %mul3A_324 = vector.broadcast %mul3A_323 : f32 to vector<16xf32>
    %mul3A_325 = arith.mulf %mul3A_298, %mul3A_324 : vector<16xf32>
    %convert_element_type3A_326 = arith.fptosi %mul3A_325 : vector<16xf32> to vector<16xi32>
    %jit3A_327 = arith.constant 0 : i32
    %jit3A_328 = arith.constant 159 : i32
    %max3A_329 = vector.broadcast %jit3A_327 : i32 to vector<16xi32>
    %max3A_330 = arith.maxsi %max3A_329, %convert_element_type3A_326 : vector<16xi32>
    %min3A_331 = vector.broadcast %jit3A_328 : i32 to vector<16xi32>
    %min3A_332 = arith.minsi %min3A_331, %max3A_330 : vector<16xi32>
    %mul3A_333 = arith.constant 2.500000e-01 : f32
    %mul3A_334 = vector.broadcast %mul3A_333 : f32 to vector<16xf32>
    %mul3A_335 = arith.mulf %mul3A_302, %mul3A_334 : vector<16xf32>
    %convert_element_type3A_336 = arith.fptosi %mul3A_335 : vector<16xf32> to vector<16xi32>
    %jit3A_337 = arith.constant 0 : i32
    %jit3A_338 = arith.constant 159 : i32
    %max3A_339 = vector.broadcast %jit3A_337 : i32 to vector<16xi32>
    %max3A_340 = arith.maxsi %max3A_339, %convert_element_type3A_336 : vector<16xi32>
    %min3A_341 = vector.broadcast %jit3A_338 : i32 to vector<16xi32>
    %min3A_342 = arith.minsi %min3A_341, %max3A_340 : vector<16xi32>
    %mul3A_343 = arith.constant 160 : i32
    %mul3A_344 = vector.broadcast %mul3A_343 : i32 to vector<16xi32>
    %mul3A_345 = arith.muli %min3A_342, %mul3A_344 : vector<16xi32>
    %add3A_346 = arith.addi %mul3A_345, %min3A_332 : vector<16xi32>
    %swap3A_347 = arith.constant 16 : index
    %swap3A_348 = tpu.vector_load %arg8[%swap3A_347] {strides = array<i32>} : memref<64xi32, #tpu.memory_space<vmem>>, vector<16xi32>,
    tpu.vector_store %arg8[%swap3A_347], %add3A_346 {strides = array<i32>} : memref<64xi32, #tpu.memory_space<vmem>>, vector<16xi32>,
    %jit3A_349 = arith.constant 1 : i32
    %jit3A_350 = arith.constant 0 : i32
    %broadcast_in_dim3A_351 = vector.broadcast %jit3A_349 : i32 to vector<16xi32>
    %broadcast_in_dim3A_352 = vector.broadcast %jit3A_350 : i32 to vector<16xi32>
    %select_n3A_353 = arith.select %and3A_322, %broadcast_in_dim3A_351, %broadcast_in_dim3A_352 : vector<16xi1>, vector<16xi32>
    %swap3A_354 = arith.constant 16 : index
    %swap3A_355 = tpu.vector_load %arg9[%swap3A_354] {strides = array<i32>} : memref<64xi32, #tpu.memory_space<vmem>>, vector<16xi32>,
    tpu.vector_store %arg9[%swap3A_354], %select_n3A_353 {strides = array<i32>} : memref<64xi32, #tpu.memory_space<vmem>>, vector<16xi32>,
    %mul3A_356 = arith.constant 2.500000e-01 : f32
    %mul3A_357 = vector.broadcast %mul3A_356 : f32 to vector<16xf32>
    %mul3A_358 = arith.mulf %mul3A_298, %mul3A_357 : vector<16xf32>
    %convert_element_type3A_359 = arith.sitofp %min3A_332 : vector<16xi32> to vector<16xf32>
    %sub3A_360 = arith.subf %mul3A_358, %convert_element_type3A_359 : vector<16xf32>
    %sub3A_361 = arith.constant 5.000000e-01 : f32
    %sub3A_362 = vector.broadcast %sub3A_361 : f32 to vector<16xf32>
    %sub3A_363 = arith.subf %sub3A_360, %sub3A_362 : vector<16xf32>
    %swap3A_364 = arith.constant 0 : i32
    %swap3A_365 = arith.index_cast %swap3A_364 : i32 to index
    %swap3A_366 = arith.constant 16 : index
    %swap3A_367 = tpu.vector_load %arg10[%swap3A_365, %swap3A_366] {strides = array<i32>} : memref<4x64xf32, #tpu.memory_space<vmem>>, vector<16xf32>,
    tpu.vector_store %arg10[%swap3A_365, %swap3A_366], %sub3A_363 {strides = array<i32>} : memref<4x64xf32, #tpu.memory_space<vmem>>, vector<16xf32>,
    %mul3A_368 = arith.constant 2.500000e-01 : f32
    %mul3A_369 = vector.broadcast %mul3A_368 : f32 to vector<16xf32>
    %mul3A_370 = arith.mulf %mul3A_302, %mul3A_369 : vector<16xf32>
    %convert_element_type3A_371 = arith.sitofp %min3A_342 : vector<16xi32> to vector<16xf32>
    %sub3A_372 = arith.subf %mul3A_370, %convert_element_type3A_371 : vector<16xf32>
    %sub3A_373 = arith.constant 5.000000e-01 : f32
    %sub3A_374 = vector.broadcast %sub3A_373 : f32 to vector<16xf32>
    %sub3A_375 = arith.subf %sub3A_372, %sub3A_374 : vector<16xf32>
    %swap3A_376 = arith.constant 1 : i32
    %swap3A_377 = arith.index_cast %swap3A_376 : i32 to index
    %swap3A_378 = arith.constant 16 : index
    %swap3A_379 = tpu.vector_load %arg10[%swap3A_377, %swap3A_378] {strides = array<i32>} : memref<4x64xf32, #tpu.memory_space<vmem>>, vector<16xf32>,
    tpu.vector_store %arg10[%swap3A_377, %swap3A_378], %sub3A_375 {strides = array<i32>} : memref<4x64xf32, #tpu.memory_space<vmem>>, vector<16xf32>,
    %mul3A_380 = arith.constant 2.500000e-01 : f32
    %mul3A_381 = vector.broadcast %mul3A_380 : f32 to vector<16xf32>
    %mul3A_382 = arith.mulf %sub3A_303, %mul3A_381 : vector<16xf32>
    %add3A_383 = arith.constant 9.99999997E-7 : f32
    %add3A_384 = vector.broadcast %add3A_383 : f32 to vector<16xf32>
    %add3A_385 = arith.addf %mul3A_382, %add3A_384 : vector<16xf32>
    %bitcast_convert_type3A_386 = tpu.bitcast %add3A_385 : vector<16xf32> -> vector<16xi32>
    %shift_right_arithmetic3A_387 = arith.constant 23 : i32
    %shift_right_arithmetic3A_388 = vector.broadcast %shift_right_arithmetic3A_387 : i32 to vector<16xi32>
    %shift_right_arithmetic3A_389 = arith.shrsi %bitcast_convert_type3A_386, %shift_right_arithmetic3A_388 : vector<16xi32>
    %and3A_390 = arith.constant 255 : i32
    %and3A_391 = vector.broadcast %and3A_390 : i32 to vector<16xi32>
    %and3A_392 = arith.andi %shift_right_arithmetic3A_389, %and3A_391 : vector<16xi32>
    %sub3A_393 = arith.constant 127 : i32
    %sub3A_394 = vector.broadcast %sub3A_393 : i32 to vector<16xi32>
    %sub3A_395 = arith.subi %and3A_392, %sub3A_394 : vector<16xi32>
    %and3A_396 = arith.constant 8388607 : i32
    %and3A_397 = vector.broadcast %and3A_396 : i32 to vector<16xi32>
    %and3A_398 = arith.andi %bitcast_convert_type3A_386, %and3A_397 : vector<16xi32>
    %or3A_399 = arith.constant 1065353216 : i32
    %or3A_400 = vector.broadcast %or3A_399 : i32 to vector<16xi32>
    %or3A_401 = arith.ori %and3A_398, %or3A_400 : vector<16xi32>
    %bitcast_convert_type3A_402 = tpu.bitcast %or3A_401 : vector<16xi32> -> vector<16xf32>
    %gt3A_403 = arith.constant 1.41421354 : f32
    %gt3A_404 = vector.broadcast %gt3A_403 : f32 to vector<16xf32>
    %gt3A_405 = arith.cmpf ogt, %bitcast_convert_type3A_402, %gt3A_404 : vector<16xf32>
    %mul3A_406 = arith.constant 5.000000e-01 : f32
    %mul3A_407 = vector.broadcast %mul3A_406 : f32 to vector<16xf32>
    %mul3A_408 = arith.mulf %bitcast_convert_type3A_402, %mul3A_407 : vector<16xf32>
    %select_n3A_409 = arith.select %gt3A_405, %mul3A_408, %bitcast_convert_type3A_402 : vector<16xi1>, vector<16xf32>
    %add3A_410 = arith.constant 1 : i32
    %add3A_411 = vector.broadcast %add3A_410 : i32 to vector<16xi32>
    %add3A_412 = arith.addi %sub3A_395, %add3A_411 : vector<16xi32>
    %select_n3A_413 = arith.select %gt3A_405, %add3A_412, %sub3A_395 : vector<16xi1>, vector<16xi32>
    %sub3A_414 = arith.constant 1.000000e+00 : f32
    %sub3A_415 = vector.broadcast %sub3A_414 : f32 to vector<16xf32>
    %sub3A_416 = arith.subf %select_n3A_409, %sub3A_415 : vector<16xf32>
    %add3A_417 = arith.constant 1.000000e+00 : f32
    %add3A_418 = vector.broadcast %add3A_417 : f32 to vector<16xf32>
    %add3A_419 = arith.addf %select_n3A_409, %add3A_418 : vector<16xf32>
    %div3A_420 = arith.divf %sub3A_416, %add3A_419 : vector<16xf32>
    %mul3A_421 = arith.mulf %div3A_420, %div3A_420 : vector<16xf32>
    %mul3A_422 = arith.constant 2.000000e+00 : f32
    %mul3A_423 = vector.broadcast %mul3A_422 : f32 to vector<16xf32>
    %mul3A_424 = arith.mulf %mul3A_423, %div3A_420 : vector<16xf32>
    %mul3A_425 = arith.constant 0.111111112 : f32
    %mul3A_426 = vector.broadcast %mul3A_425 : f32 to vector<16xf32>
    %mul3A_427 = arith.mulf %mul3A_421, %mul3A_426 : vector<16xf32>
    %add3A_428 = arith.constant 0.142857149 : f32
    %add3A_429 = vector.broadcast %add3A_428 : f32 to vector<16xf32>
    %add3A_430 = arith.addf %add3A_429, %mul3A_427 : vector<16xf32>
    %mul3A_431 = arith.mulf %mul3A_421, %add3A_430 : vector<16xf32>
    %add3A_432 = arith.constant 2.000000e-01 : f32
    %add3A_433 = vector.broadcast %add3A_432 : f32 to vector<16xf32>
    %add3A_434 = arith.addf %add3A_433, %mul3A_431 : vector<16xf32>
    %mul3A_435 = arith.mulf %mul3A_421, %add3A_434 : vector<16xf32>
    %add3A_436 = arith.constant 0.333333343 : f32
    %add3A_437 = vector.broadcast %add3A_436 : f32 to vector<16xf32>
    %add3A_438 = arith.addf %add3A_437, %mul3A_435 : vector<16xf32>
    %mul3A_439 = arith.mulf %mul3A_421, %add3A_438 : vector<16xf32>
    %add3A_440 = arith.constant 1.000000e+00 : f32
    %add3A_441 = vector.broadcast %add3A_440 : f32 to vector<16xf32>
    %add3A_442 = arith.addf %add3A_441, %mul3A_439 : vector<16xf32>
    %mul3A_443 = arith.mulf %mul3A_424, %add3A_442 : vector<16xf32>
    %convert_element_type3A_444 = arith.sitofp %select_n3A_413 : vector<16xi32> to vector<16xf32>
    %mul3A_445 = arith.constant 0.693147182 : f32
    %mul3A_446 = vector.broadcast %mul3A_445 : f32 to vector<16xf32>
    %mul3A_447 = arith.mulf %convert_element_type3A_444, %mul3A_446 : vector<16xf32>
    %add3A_448 = arith.addf %mul3A_447, %mul3A_443 : vector<16xf32>
    %swap3A_449 = arith.constant 2 : i32
    %swap3A_450 = arith.index_cast %swap3A_449 : i32 to index
    %swap3A_451 = arith.constant 16 : index
    %swap3A_452 = tpu.vector_load %arg10[%swap3A_450, %swap3A_451] {strides = array<i32>} : memref<4x64xf32, #tpu.memory_space<vmem>>, vector<16xf32>,
    tpu.vector_store %arg10[%swap3A_450, %swap3A_451], %add3A_448 {strides = array<i32>} : memref<4x64xf32, #tpu.memory_space<vmem>>, vector<16xf32>,
    %mul3A_453 = arith.constant 2.500000e-01 : f32
    %mul3A_454 = vector.broadcast %mul3A_453 : f32 to vector<16xf32>
    %mul3A_455 = arith.mulf %sub3A_304, %mul3A_454 : vector<16xf32>
    %add3A_456 = arith.constant 9.99999997E-7 : f32
    %add3A_457 = vector.broadcast %add3A_456 : f32 to vector<16xf32>
    %add3A_458 = arith.addf %mul3A_455, %add3A_457 : vector<16xf32>
    %bitcast_convert_type3A_459 = tpu.bitcast %add3A_458 : vector<16xf32> -> vector<16xi32>
    %shift_right_arithmetic3A_460 = arith.constant 23 : i32
    %shift_right_arithmetic3A_461 = vector.broadcast %shift_right_arithmetic3A_460 : i32 to vector<16xi32>
    %shift_right_arithmetic3A_462 = arith.shrsi %bitcast_convert_type3A_459, %shift_right_arithmetic3A_461 : vector<16xi32>
    %and3A_463 = arith.constant 255 : i32
    %and3A_464 = vector.broadcast %and3A_463 : i32 to vector<16xi32>
    %and3A_465 = arith.andi %shift_right_arithmetic3A_462, %and3A_464 : vector<16xi32>
    %sub3A_466 = arith.constant 127 : i32
    %sub3A_467 = vector.broadcast %sub3A_466 : i32 to vector<16xi32>
    %sub3A_468 = arith.subi %and3A_465, %sub3A_467 : vector<16xi32>
    %and3A_469 = arith.constant 8388607 : i32
    %and3A_470 = vector.broadcast %and3A_469 : i32 to vector<16xi32>
    %and3A_471 = arith.andi %bitcast_convert_type3A_459, %and3A_470 : vector<16xi32>
    %or3A_472 = arith.constant 1065353216 : i32
    %or3A_473 = vector.broadcast %or3A_472 : i32 to vector<16xi32>
    %or3A_474 = arith.ori %and3A_471, %or3A_473 : vector<16xi32>
    %bitcast_convert_type3A_475 = tpu.bitcast %or3A_474 : vector<16xi32> -> vector<16xf32>
    %gt3A_476 = arith.constant 1.41421354 : f32
    %gt3A_477 = vector.broadcast %gt3A_476 : f32 to vector<16xf32>
    %gt3A_478 = arith.cmpf ogt, %bitcast_convert_type3A_475, %gt3A_477 : vector<16xf32>
    %mul3A_479 = arith.constant 5.000000e-01 : f32
    %mul3A_480 = vector.broadcast %mul3A_479 : f32 to vector<16xf32>
    %mul3A_481 = arith.mulf %bitcast_convert_type3A_475, %mul3A_480 : vector<16xf32>
    %select_n3A_482 = arith.select %gt3A_478, %mul3A_481, %bitcast_convert_type3A_475 : vector<16xi1>, vector<16xf32>
    %add3A_483 = arith.constant 1 : i32
    %add3A_484 = vector.broadcast %add3A_483 : i32 to vector<16xi32>
    %add3A_485 = arith.addi %sub3A_468, %add3A_484 : vector<16xi32>
    %select_n3A_486 = arith.select %gt3A_478, %add3A_485, %sub3A_468 : vector<16xi1>, vector<16xi32>
    %sub3A_487 = arith.constant 1.000000e+00 : f32
    %sub3A_488 = vector.broadcast %sub3A_487 : f32 to vector<16xf32>
    %sub3A_489 = arith.subf %select_n3A_482, %sub3A_488 : vector<16xf32>
    %add3A_490 = arith.constant 1.000000e+00 : f32
    %add3A_491 = vector.broadcast %add3A_490 : f32 to vector<16xf32>
    %add3A_492 = arith.addf %select_n3A_482, %add3A_491 : vector<16xf32>
    %div3A_493 = arith.divf %sub3A_489, %add3A_492 : vector<16xf32>
    %mul3A_494 = arith.mulf %div3A_493, %div3A_493 : vector<16xf32>
    %mul3A_495 = arith.constant 2.000000e+00 : f32
    %mul3A_496 = vector.broadcast %mul3A_495 : f32 to vector<16xf32>
    %mul3A_497 = arith.mulf %mul3A_496, %div3A_493 : vector<16xf32>
    %mul3A_498 = arith.constant 0.111111112 : f32
    %mul3A_499 = vector.broadcast %mul3A_498 : f32 to vector<16xf32>
    %mul3A_500 = arith.mulf %mul3A_494, %mul3A_499 : vector<16xf32>
    %add3A_501 = arith.constant 0.142857149 : f32
    %add3A_502 = vector.broadcast %add3A_501 : f32 to vector<16xf32>
    %add3A_503 = arith.addf %add3A_502, %mul3A_500 : vector<16xf32>
    %mul3A_504 = arith.mulf %mul3A_494, %add3A_503 : vector<16xf32>
    %add3A_505 = arith.constant 2.000000e-01 : f32
    %add3A_506 = vector.broadcast %add3A_505 : f32 to vector<16xf32>
    %add3A_507 = arith.addf %add3A_506, %mul3A_504 : vector<16xf32>
    %mul3A_508 = arith.mulf %mul3A_494, %add3A_507 : vector<16xf32>
    %add3A_509 = arith.constant 0.333333343 : f32
    %add3A_510 = vector.broadcast %add3A_509 : f32 to vector<16xf32>
    %add3A_511 = arith.addf %add3A_510, %mul3A_508 : vector<16xf32>
    %mul3A_512 = arith.mulf %mul3A_494, %add3A_511 : vector<16xf32>
    %add3A_513 = arith.constant 1.000000e+00 : f32
    %add3A_514 = vector.broadcast %add3A_513 : f32 to vector<16xf32>
    %add3A_515 = arith.addf %add3A_514, %mul3A_512 : vector<16xf32>
    %mul3A_516 = arith.mulf %mul3A_497, %add3A_515 : vector<16xf32>
    %convert_element_type3A_517 = arith.sitofp %select_n3A_486 : vector<16xi32> to vector<16xf32>
    %mul3A_518 = arith.constant 0.693147182 : f32
    %mul3A_519 = vector.broadcast %mul3A_518 : f32 to vector<16xf32>
    %mul3A_520 = arith.mulf %convert_element_type3A_517, %mul3A_519 : vector<16xf32>
    %add3A_521 = arith.addf %mul3A_520, %mul3A_516 : vector<16xf32>
    %swap3A_522 = arith.constant 3 : i32
    %swap3A_523 = arith.index_cast %swap3A_522 : i32 to index
    %swap3A_524 = arith.constant 16 : index
    %swap3A_525 = tpu.vector_load %arg10[%swap3A_523, %swap3A_524] {strides = array<i32>} : memref<4x64xf32, #tpu.memory_space<vmem>>, vector<16xf32>,
    tpu.vector_store %arg10[%swap3A_523, %swap3A_524], %add3A_521 {strides = array<i32>} : memref<4x64xf32, #tpu.memory_space<vmem>>, vector<16xf32>,
    %mul3A_526 = arith.constant 102400 : i32
    %mul3A_527 = arith.muli %rem3A_1, %mul3A_526 : i32
    %add3A_528 = vector.broadcast %mul3A_527 : i32 to vector<16xi32>
    %add3A_529 = arith.addi %add3A_528, %add3A_346 : vector<16xi32>
    %add3A_530 = arith.constant 0 : i32
    %add3A_531 = vector.broadcast %add3A_530 : i32 to vector<16xi32>
    %add3A_532 = arith.addi %add3A_529, %add3A_531 : vector<16xi32>
    %swap3A_533 = arith.constant 0 : i32
    %swap3A_534 = arith.index_cast %swap3A_533 : i32 to index
    %swap3A_535 = arith.constant 16 : index
    %swap3A_536 = tpu.vector_load %arg11[%swap3A_534, %swap3A_535] {strides = array<i32>} : memref<4x64xi32, #tpu.memory_space<vmem>>, vector<16xi32>,
    tpu.vector_store %arg11[%swap3A_534, %swap3A_535], %add3A_532 {strides = array<i32>} : memref<4x64xi32, #tpu.memory_space<vmem>>, vector<16xi32>,
    %add3A_537 = arith.constant 25600 : i32
    %add3A_538 = vector.broadcast %add3A_537 : i32 to vector<16xi32>
    %add3A_539 = arith.addi %add3A_529, %add3A_538 : vector<16xi32>
    %swap3A_540 = arith.constant 1 : i32
    %swap3A_541 = arith.index_cast %swap3A_540 : i32 to index
    %swap3A_542 = arith.constant 16 : index
    %swap3A_543 = tpu.vector_load %arg11[%swap3A_541, %swap3A_542] {strides = array<i32>} : memref<4x64xi32, #tpu.memory_space<vmem>>, vector<16xi32>,
    tpu.vector_store %arg11[%swap3A_541, %swap3A_542], %add3A_539 {strides = array<i32>} : memref<4x64xi32, #tpu.memory_space<vmem>>, vector<16xi32>,
    %add3A_544 = arith.constant 51200 : i32
    %add3A_545 = vector.broadcast %add3A_544 : i32 to vector<16xi32>
    %add3A_546 = arith.addi %add3A_529, %add3A_545 : vector<16xi32>
    %swap3A_547 = arith.constant 2 : i32
    %swap3A_548 = arith.index_cast %swap3A_547 : i32 to index
    %swap3A_549 = arith.constant 16 : index
    %swap3A_550 = tpu.vector_load %arg11[%swap3A_548, %swap3A_549] {strides = array<i32>} : memref<4x64xi32, #tpu.memory_space<vmem>>, vector<16xi32>,
    tpu.vector_store %arg11[%swap3A_548, %swap3A_549], %add3A_546 {strides = array<i32>} : memref<4x64xi32, #tpu.memory_space<vmem>>, vector<16xi32>,
    %add3A_551 = arith.constant 76800 : i32
    %add3A_552 = vector.broadcast %add3A_551 : i32 to vector<16xi32>
    %add3A_553 = arith.addi %add3A_529, %add3A_552 : vector<16xi32>
    %swap3A_554 = arith.constant 3 : i32
    %swap3A_555 = arith.index_cast %swap3A_554 : i32 to index
    %swap3A_556 = arith.constant 16 : index
    %swap3A_557 = tpu.vector_load %arg11[%swap3A_555, %swap3A_556] {strides = array<i32>} : memref<4x64xi32, #tpu.memory_space<vmem>>, vector<16xi32>,
    tpu.vector_store %arg11[%swap3A_555, %swap3A_556], %add3A_553 {strides = array<i32>} : memref<4x64xi32, #tpu.memory_space<vmem>>, vector<16xi32>,
    %get3A_558 = arith.constant 0 : i32
    %get3A_559 = arith.index_cast %get3A_558 : i32 to index
    %get3A_560 = arith.index_cast %rem3A_1 : i32 to index
    %get3A_561 = arith.constant 32 : index
    %get3A_562 = tpu.vector_load %arg6[%get3A_559, %get3A_560, %get3A_561] {strides = array<i32>} : memref<4x8x64xf32, #tpu.memory_space<vmem>>, vector<16xf32>,
    %get3A_563 = arith.constant 1 : i32
    %get3A_564 = arith.index_cast %get3A_563 : i32 to index
    %get3A_565 = arith.index_cast %rem3A_1 : i32 to index
    %get3A_566 = arith.constant 32 : index
    %get3A_567 = tpu.vector_load %arg6[%get3A_564, %get3A_565, %get3A_566] {strides = array<i32>} : memref<4x8x64xf32, #tpu.memory_space<vmem>>, vector<16xf32>,
    %get3A_568 = arith.constant 2 : i32
    %get3A_569 = arith.index_cast %get3A_568 : i32 to index
    %get3A_570 = arith.index_cast %rem3A_1 : i32 to index
    %get3A_571 = arith.constant 32 : index
    %get3A_572 = tpu.vector_load %arg6[%get3A_569, %get3A_570, %get3A_571] {strides = array<i32>} : memref<4x8x64xf32, #tpu.memory_space<vmem>>, vector<16xf32>,
    %get3A_573 = arith.constant 3 : i32
    %get3A_574 = arith.index_cast %get3A_573 : i32 to index
    %get3A_575 = arith.index_cast %rem3A_1 : i32 to index
    %get3A_576 = arith.constant 32 : index
    %get3A_577 = tpu.vector_load %arg6[%get3A_574, %get3A_575, %get3A_576] {strides = array<i32>} : memref<4x8x64xf32, #tpu.memory_space<vmem>>, vector<16xf32>,
    %get3A_578 = arith.index_cast %rem3A_1 : i32 to index
    %get3A_579 = arith.constant 32 : index
    %get3A_580 = tpu.vector_load %arg7[%get3A_578, %get3A_579] {strides = array<i32>} : memref<8x64xi32, #tpu.memory_space<vmem>>, vector<16xi32>,
    %add3A_581 = arith.addf %get3A_562, %get3A_572 : vector<16xf32>
    %mul3A_582 = arith.constant 5.000000e-01 : f32
    %mul3A_583 = vector.broadcast %mul3A_582 : f32 to vector<16xf32>
    %mul3A_584 = arith.mulf %add3A_581, %mul3A_583 : vector<16xf32>
    %add3A_585 = arith.addf %get3A_567, %get3A_577 : vector<16xf32>
    %mul3A_586 = arith.constant 5.000000e-01 : f32
    %mul3A_587 = vector.broadcast %mul3A_586 : f32 to vector<16xf32>
    %mul3A_588 = arith.mulf %add3A_585, %mul3A_587 : vector<16xf32>
    %sub3A_589 = arith.subf %get3A_572, %get3A_562 : vector<16xf32>
    %sub3A_590 = arith.subf %get3A_577, %get3A_567 : vector<16xf32>
    %add3A_591 = arith.addf %get3A_562, %get3A_567 : vector<16xf32>
    %add3A_592 = arith.addf %add3A_591, %get3A_572 : vector<16xf32>
    %add3A_593 = arith.addf %add3A_592, %get3A_577 : vector<16xf32>
    %ge3A_594 = arith.constant 0 : i32
    %ge3A_595 = vector.broadcast %ge3A_594 : i32 to vector<16xi32>
    %ge3A_596 = arith.cmpi sge, %get3A_580, %ge3A_595 : vector<16xi32>
    %gt3A_597 = arith.constant 0.000000e+00 : f32
    %gt3A_598 = vector.broadcast %gt3A_597 : f32 to vector<16xf32>
    %gt3A_599 = arith.cmpf ogt, %add3A_593, %gt3A_598 : vector<16xf32>
    %and3A_600 = arith.andi %ge3A_596, %gt3A_599 : vector<16xi1>
    %gt3A_601 = arith.constant 0.000000e+00 : f32
    %gt3A_602 = vector.broadcast %gt3A_601 : f32 to vector<16xf32>
    %gt3A_603 = arith.cmpf ogt, %sub3A_589, %gt3A_602 : vector<16xf32>
    %and3A_604 = arith.andi %and3A_600, %gt3A_603 : vector<16xi1>
    %gt3A_605 = arith.constant 0.000000e+00 : f32
    %gt3A_606 = vector.broadcast %gt3A_605 : f32 to vector<16xf32>
    %gt3A_607 = arith.cmpf ogt, %sub3A_590, %gt3A_606 : vector<16xf32>
    %and3A_608 = arith.andi %and3A_604, %gt3A_607 : vector<16xi1>
    %mul3A_609 = arith.constant 2.500000e-01 : f32
    %mul3A_610 = vector.broadcast %mul3A_609 : f32 to vector<16xf32>
    %mul3A_611 = arith.mulf %mul3A_584, %mul3A_610 : vector<16xf32>
    %convert_element_type3A_612 = arith.fptosi %mul3A_611 : vector<16xf32> to vector<16xi32>
    %jit3A_613 = arith.constant 0 : i32
    %jit3A_614 = arith.constant 159 : i32
    %max3A_615 = vector.broadcast %jit3A_613 : i32 to vector<16xi32>
    %max3A_616 = arith.maxsi %max3A_615, %convert_element_type3A_612 : vector<16xi32>
    %min3A_617 = vector.broadcast %jit3A_614 : i32 to vector<16xi32>
    %min3A_618 = arith.minsi %min3A_617, %max3A_616 : vector<16xi32>
    %mul3A_619 = arith.constant 2.500000e-01 : f32
    %mul3A_620 = vector.broadcast %mul3A_619 : f32 to vector<16xf32>
    %mul3A_621 = arith.mulf %mul3A_588, %mul3A_620 : vector<16xf32>
    %convert_element_type3A_622 = arith.fptosi %mul3A_621 : vector<16xf32> to vector<16xi32>
    %jit3A_623 = arith.constant 0 : i32
    %jit3A_624 = arith.constant 159 : i32
    %max3A_625 = vector.broadcast %jit3A_623 : i32 to vector<16xi32>
    %max3A_626 = arith.maxsi %max3A_625, %convert_element_type3A_622 : vector<16xi32>
    %min3A_627 = vector.broadcast %jit3A_624 : i32 to vector<16xi32>
    %min3A_628 = arith.minsi %min3A_627, %max3A_626 : vector<16xi32>
    %mul3A_629 = arith.constant 160 : i32
    %mul3A_630 = vector.broadcast %mul3A_629 : i32 to vector<16xi32>
    %mul3A_631 = arith.muli %min3A_628, %mul3A_630 : vector<16xi32>
    %add3A_632 = arith.addi %mul3A_631, %min3A_618 : vector<16xi32>
    %swap3A_633 = arith.constant 32 : index
    %swap3A_634 = tpu.vector_load %arg8[%swap3A_633] {strides = array<i32>} : memref<64xi32, #tpu.memory_space<vmem>>, vector<16xi32>,
    tpu.vector_store %arg8[%swap3A_633], %add3A_632 {strides = array<i32>} : memref<64xi32, #tpu.memory_space<vmem>>, vector<16xi32>,
    %jit3A_635 = arith.constant 1 : i32
    %jit3A_636 = arith.constant 0 : i32
    %broadcast_in_dim3A_637 = vector.broadcast %jit3A_635 : i32 to vector<16xi32>
    %broadcast_in_dim3A_638 = vector.broadcast %jit3A_636 : i32 to vector<16xi32>
    %select_n3A_639 = arith.select %and3A_608, %broadcast_in_dim3A_637, %broadcast_in_dim3A_638 : vector<16xi1>, vector<16xi32>
    %swap3A_640 = arith.constant 32 : index
    %swap3A_641 = tpu.vector_load %arg9[%swap3A_640] {strides = array<i32>} : memref<64xi32, #tpu.memory_space<vmem>>, vector<16xi32>,
    tpu.vector_store %arg9[%swap3A_640], %select_n3A_639 {strides = array<i32>} : memref<64xi32, #tpu.memory_space<vmem>>, vector<16xi32>,
    %mul3A_642 = arith.constant 2.500000e-01 : f32
    %mul3A_643 = vector.broadcast %mul3A_642 : f32 to vector<16xf32>
    %mul3A_644 = arith.mulf %mul3A_584, %mul3A_643 : vector<16xf32>
    %convert_element_type3A_645 = arith.sitofp %min3A_618 : vector<16xi32> to vector<16xf32>
    %sub3A_646 = arith.subf %mul3A_644, %convert_element_type3A_645 : vector<16xf32>
    %sub3A_647 = arith.constant 5.000000e-01 : f32
    %sub3A_648 = vector.broadcast %sub3A_647 : f32 to vector<16xf32>
    %sub3A_649 = arith.subf %sub3A_646, %sub3A_648 : vector<16xf32>
    %swap3A_650 = arith.constant 0 : i32
    %swap3A_651 = arith.index_cast %swap3A_650 : i32 to index
    %swap3A_652 = arith.constant 32 : index
    %swap3A_653 = tpu.vector_load %arg10[%swap3A_651, %swap3A_652] {strides = array<i32>} : memref<4x64xf32, #tpu.memory_space<vmem>>, vector<16xf32>,
    tpu.vector_store %arg10[%swap3A_651, %swap3A_652], %sub3A_649 {strides = array<i32>} : memref<4x64xf32, #tpu.memory_space<vmem>>, vector<16xf32>,
    %mul3A_654 = arith.constant 2.500000e-01 : f32
    %mul3A_655 = vector.broadcast %mul3A_654 : f32 to vector<16xf32>
    %mul3A_656 = arith.mulf %mul3A_588, %mul3A_655 : vector<16xf32>
    %convert_element_type3A_657 = arith.sitofp %min3A_628 : vector<16xi32> to vector<16xf32>
    %sub3A_658 = arith.subf %mul3A_656, %convert_element_type3A_657 : vector<16xf32>
    %sub3A_659 = arith.constant 5.000000e-01 : f32
    %sub3A_660 = vector.broadcast %sub3A_659 : f32 to vector<16xf32>
    %sub3A_661 = arith.subf %sub3A_658, %sub3A_660 : vector<16xf32>
    %swap3A_662 = arith.constant 1 : i32
    %swap3A_663 = arith.index_cast %swap3A_662 : i32 to index
    %swap3A_664 = arith.constant 32 : index
    %swap3A_665 = tpu.vector_load %arg10[%swap3A_663, %swap3A_664] {strides = array<i32>} : memref<4x64xf32, #tpu.memory_space<vmem>>, vector<16xf32>,
    tpu.vector_store %arg10[%swap3A_663, %swap3A_664], %sub3A_661 {strides = array<i32>} : memref<4x64xf32, #tpu.memory_space<vmem>>, vector<16xf32>,
    %mul3A_666 = arith.constant 2.500000e-01 : f32
    %mul3A_667 = vector.broadcast %mul3A_666 : f32 to vector<16xf32>
    %mul3A_668 = arith.mulf %sub3A_589, %mul3A_667 : vector<16xf32>
    %add3A_669 = arith.constant 9.99999997E-7 : f32
    %add3A_670 = vector.broadcast %add3A_669 : f32 to vector<16xf32>
    %add3A_671 = arith.addf %mul3A_668, %add3A_670 : vector<16xf32>
    %bitcast_convert_type3A_672 = tpu.bitcast %add3A_671 : vector<16xf32> -> vector<16xi32>
    %shift_right_arithmetic3A_673 = arith.constant 23 : i32
    %shift_right_arithmetic3A_674 = vector.broadcast %shift_right_arithmetic3A_673 : i32 to vector<16xi32>
    %shift_right_arithmetic3A_675 = arith.shrsi %bitcast_convert_type3A_672, %shift_right_arithmetic3A_674 : vector<16xi32>
    %and3A_676 = arith.constant 255 : i32
    %and3A_677 = vector.broadcast %and3A_676 : i32 to vector<16xi32>
    %and3A_678 = arith.andi %shift_right_arithmetic3A_675, %and3A_677 : vector<16xi32>
    %sub3A_679 = arith.constant 127 : i32
    %sub3A_680 = vector.broadcast %sub3A_679 : i32 to vector<16xi32>
    %sub3A_681 = arith.subi %and3A_678, %sub3A_680 : vector<16xi32>
    %and3A_682 = arith.constant 8388607 : i32
    %and3A_683 = vector.broadcast %and3A_682 : i32 to vector<16xi32>
    %and3A_684 = arith.andi %bitcast_convert_type3A_672, %and3A_683 : vector<16xi32>
    %or3A_685 = arith.constant 1065353216 : i32
    %or3A_686 = vector.broadcast %or3A_685 : i32 to vector<16xi32>
    %or3A_687 = arith.ori %and3A_684, %or3A_686 : vector<16xi32>
    %bitcast_convert_type3A_688 = tpu.bitcast %or3A_687 : vector<16xi32> -> vector<16xf32>
    %gt3A_689 = arith.constant 1.41421354 : f32
    %gt3A_690 = vector.broadcast %gt3A_689 : f32 to vector<16xf32>
    %gt3A_691 = arith.cmpf ogt, %bitcast_convert_type3A_688, %gt3A_690 : vector<16xf32>
    %mul3A_692 = arith.constant 5.000000e-01 : f32
    %mul3A_693 = vector.broadcast %mul3A_692 : f32 to vector<16xf32>
    %mul3A_694 = arith.mulf %bitcast_convert_type3A_688, %mul3A_693 : vector<16xf32>
    %select_n3A_695 = arith.select %gt3A_691, %mul3A_694, %bitcast_convert_type3A_688 : vector<16xi1>, vector<16xf32>
    %add3A_696 = arith.constant 1 : i32
    %add3A_697 = vector.broadcast %add3A_696 : i32 to vector<16xi32>
    %add3A_698 = arith.addi %sub3A_681, %add3A_697 : vector<16xi32>
    %select_n3A_699 = arith.select %gt3A_691, %add3A_698, %sub3A_681 : vector<16xi1>, vector<16xi32>
    %sub3A_700 = arith.constant 1.000000e+00 : f32
    %sub3A_701 = vector.broadcast %sub3A_700 : f32 to vector<16xf32>
    %sub3A_702 = arith.subf %select_n3A_695, %sub3A_701 : vector<16xf32>
    %add3A_703 = arith.constant 1.000000e+00 : f32
    %add3A_704 = vector.broadcast %add3A_703 : f32 to vector<16xf32>
    %add3A_705 = arith.addf %select_n3A_695, %add3A_704 : vector<16xf32>
    %div3A_706 = arith.divf %sub3A_702, %add3A_705 : vector<16xf32>
    %mul3A_707 = arith.mulf %div3A_706, %div3A_706 : vector<16xf32>
    %mul3A_708 = arith.constant 2.000000e+00 : f32
    %mul3A_709 = vector.broadcast %mul3A_708 : f32 to vector<16xf32>
    %mul3A_710 = arith.mulf %mul3A_709, %div3A_706 : vector<16xf32>
    %mul3A_711 = arith.constant 0.111111112 : f32
    %mul3A_712 = vector.broadcast %mul3A_711 : f32 to vector<16xf32>
    %mul3A_713 = arith.mulf %mul3A_707, %mul3A_712 : vector<16xf32>
    %add3A_714 = arith.constant 0.142857149 : f32
    %add3A_715 = vector.broadcast %add3A_714 : f32 to vector<16xf32>
    %add3A_716 = arith.addf %add3A_715, %mul3A_713 : vector<16xf32>
    %mul3A_717 = arith.mulf %mul3A_707, %add3A_716 : vector<16xf32>
    %add3A_718 = arith.constant 2.000000e-01 : f32
    %add3A_719 = vector.broadcast %add3A_718 : f32 to vector<16xf32>
    %add3A_720 = arith.addf %add3A_719, %mul3A_717 : vector<16xf32>
    %mul3A_721 = arith.mulf %mul3A_707, %add3A_720 : vector<16xf32>
    %add3A_722 = arith.constant 0.333333343 : f32
    %add3A_723 = vector.broadcast %add3A_722 : f32 to vector<16xf32>
    %add3A_724 = arith.addf %add3A_723, %mul3A_721 : vector<16xf32>
    %mul3A_725 = arith.mulf %mul3A_707, %add3A_724 : vector<16xf32>
    %add3A_726 = arith.constant 1.000000e+00 : f32
    %add3A_727 = vector.broadcast %add3A_726 : f32 to vector<16xf32>
    %add3A_728 = arith.addf %add3A_727, %mul3A_725 : vector<16xf32>
    %mul3A_729 = arith.mulf %mul3A_710, %add3A_728 : vector<16xf32>
    %convert_element_type3A_730 = arith.sitofp %select_n3A_699 : vector<16xi32> to vector<16xf32>
    %mul3A_731 = arith.constant 0.693147182 : f32
    %mul3A_732 = vector.broadcast %mul3A_731 : f32 to vector<16xf32>
    %mul3A_733 = arith.mulf %convert_element_type3A_730, %mul3A_732 : vector<16xf32>
    %add3A_734 = arith.addf %mul3A_733, %mul3A_729 : vector<16xf32>
    %swap3A_735 = arith.constant 2 : i32
    %swap3A_736 = arith.index_cast %swap3A_735 : i32 to index
    %swap3A_737 = arith.constant 32 : index
    %swap3A_738 = tpu.vector_load %arg10[%swap3A_736, %swap3A_737] {strides = array<i32>} : memref<4x64xf32, #tpu.memory_space<vmem>>, vector<16xf32>,
    tpu.vector_store %arg10[%swap3A_736, %swap3A_737], %add3A_734 {strides = array<i32>} : memref<4x64xf32, #tpu.memory_space<vmem>>, vector<16xf32>,
    %mul3A_739 = arith.constant 2.500000e-01 : f32
    %mul3A_740 = vector.broadcast %mul3A_739 : f32 to vector<16xf32>
    %mul3A_741 = arith.mulf %sub3A_590, %mul3A_740 : vector<16xf32>
    %add3A_742 = arith.constant 9.99999997E-7 : f32
    %add3A_743 = vector.broadcast %add3A_742 : f32 to vector<16xf32>
    %add3A_744 = arith.addf %mul3A_741, %add3A_743 : vector<16xf32>
    %bitcast_convert_type3A_745 = tpu.bitcast %add3A_744 : vector<16xf32> -> vector<16xi32>
    %shift_right_arithmetic3A_746 = arith.constant 23 : i32
    %shift_right_arithmetic3A_747 = vector.broadcast %shift_right_arithmetic3A_746 : i32 to vector<16xi32>
    %shift_right_arithmetic3A_748 = arith.shrsi %bitcast_convert_type3A_745, %shift_right_arithmetic3A_747 : vector<16xi32>
    %and3A_749 = arith.constant 255 : i32
    %and3A_750 = vector.broadcast %and3A_749 : i32 to vector<16xi32>
    %and3A_751 = arith.andi %shift_right_arithmetic3A_748, %and3A_750 : vector<16xi32>
    %sub3A_752 = arith.constant 127 : i32
    %sub3A_753 = vector.broadcast %sub3A_752 : i32 to vector<16xi32>
    %sub3A_754 = arith.subi %and3A_751, %sub3A_753 : vector<16xi32>
    %and3A_755 = arith.constant 8388607 : i32
    %and3A_756 = vector.broadcast %and3A_755 : i32 to vector<16xi32>
    %and3A_757 = arith.andi %bitcast_convert_type3A_745, %and3A_756 : vector<16xi32>
    %or3A_758 = arith.constant 1065353216 : i32
    %or3A_759 = vector.broadcast %or3A_758 : i32 to vector<16xi32>
    %or3A_760 = arith.ori %and3A_757, %or3A_759 : vector<16xi32>
    %bitcast_convert_type3A_761 = tpu.bitcast %or3A_760 : vector<16xi32> -> vector<16xf32>
    %gt3A_762 = arith.constant 1.41421354 : f32
    %gt3A_763 = vector.broadcast %gt3A_762 : f32 to vector<16xf32>
    %gt3A_764 = arith.cmpf ogt, %bitcast_convert_type3A_761, %gt3A_763 : vector<16xf32>
    %mul3A_765 = arith.constant 5.000000e-01 : f32
    %mul3A_766 = vector.broadcast %mul3A_765 : f32 to vector<16xf32>
    %mul3A_767 = arith.mulf %bitcast_convert_type3A_761, %mul3A_766 : vector<16xf32>
    %select_n3A_768 = arith.select %gt3A_764, %mul3A_767, %bitcast_convert_type3A_761 : vector<16xi1>, vector<16xf32>
    %add3A_769 = arith.constant 1 : i32
    %add3A_770 = vector.broadcast %add3A_769 : i32 to vector<16xi32>
    %add3A_771 = arith.addi %sub3A_754, %add3A_770 : vector<16xi32>
    %select_n3A_772 = arith.select %gt3A_764, %add3A_771, %sub3A_754 : vector<16xi1>, vector<16xi32>
    %sub3A_773 = arith.constant 1.000000e+00 : f32
    %sub3A_774 = vector.broadcast %sub3A_773 : f32 to vector<16xf32>
    %sub3A_775 = arith.subf %select_n3A_768, %sub3A_774 : vector<16xf32>
    %add3A_776 = arith.constant 1.000000e+00 : f32
    %add3A_777 = vector.broadcast %add3A_776 : f32 to vector<16xf32>
    %add3A_778 = arith.addf %select_n3A_768, %add3A_777 : vector<16xf32>
    %div3A_779 = arith.divf %sub3A_775, %add3A_778 : vector<16xf32>
    %mul3A_780 = arith.mulf %div3A_779, %div3A_779 : vector<16xf32>
    %mul3A_781 = arith.constant 2.000000e+00 : f32
    %mul3A_782 = vector.broadcast %mul3A_781 : f32 to vector<16xf32>
    %mul3A_783 = arith.mulf %mul3A_782, %div3A_779 : vector<16xf32>
    %mul3A_784 = arith.constant 0.111111112 : f32
    %mul3A_785 = vector.broadcast %mul3A_784 : f32 to vector<16xf32>
    %mul3A_786 = arith.mulf %mul3A_780, %mul3A_785 : vector<16xf32>
    %add3A_787 = arith.constant 0.142857149 : f32
    %add3A_788 = vector.broadcast %add3A_787 : f32 to vector<16xf32>
    %add3A_789 = arith.addf %add3A_788, %mul3A_786 : vector<16xf32>
    %mul3A_790 = arith.mulf %mul3A_780, %add3A_789 : vector<16xf32>
    %add3A_791 = arith.constant 2.000000e-01 : f32
    %add3A_792 = vector.broadcast %add3A_791 : f32 to vector<16xf32>
    %add3A_793 = arith.addf %add3A_792, %mul3A_790 : vector<16xf32>
    %mul3A_794 = arith.mulf %mul3A_780, %add3A_793 : vector<16xf32>
    %add3A_795 = arith.constant 0.333333343 : f32
    %add3A_796 = vector.broadcast %add3A_795 : f32 to vector<16xf32>
    %add3A_797 = arith.addf %add3A_796, %mul3A_794 : vector<16xf32>
    %mul3A_798 = arith.mulf %mul3A_780, %add3A_797 : vector<16xf32>
    %add3A_799 = arith.constant 1.000000e+00 : f32
    %add3A_800 = vector.broadcast %add3A_799 : f32 to vector<16xf32>
    %add3A_801 = arith.addf %add3A_800, %mul3A_798 : vector<16xf32>
    %mul3A_802 = arith.mulf %mul3A_783, %add3A_801 : vector<16xf32>
    %convert_element_type3A_803 = arith.sitofp %select_n3A_772 : vector<16xi32> to vector<16xf32>
    %mul3A_804 = arith.constant 0.693147182 : f32
    %mul3A_805 = vector.broadcast %mul3A_804 : f32 to vector<16xf32>
    %mul3A_806 = arith.mulf %convert_element_type3A_803, %mul3A_805 : vector<16xf32>
    %add3A_807 = arith.addf %mul3A_806, %mul3A_802 : vector<16xf32>
    %swap3A_808 = arith.constant 3 : i32
    %swap3A_809 = arith.index_cast %swap3A_808 : i32 to index
    %swap3A_810 = arith.constant 32 : index
    %swap3A_811 = tpu.vector_load %arg10[%swap3A_809, %swap3A_810] {strides = array<i32>} : memref<4x64xf32, #tpu.memory_space<vmem>>, vector<16xf32>,
    tpu.vector_store %arg10[%swap3A_809, %swap3A_810], %add3A_807 {strides = array<i32>} : memref<4x64xf32, #tpu.memory_space<vmem>>, vector<16xf32>,
    %mul3A_812 = arith.constant 102400 : i32
    %mul3A_813 = arith.muli %rem3A_1, %mul3A_812 : i32
    %add3A_814 = vector.broadcast %mul3A_813 : i32 to vector<16xi32>
    %add3A_815 = arith.addi %add3A_814, %add3A_632 : vector<16xi32>
    %add3A_816 = arith.constant 0 : i32
    %add3A_817 = vector.broadcast %add3A_816 : i32 to vector<16xi32>
    %add3A_818 = arith.addi %add3A_815, %add3A_817 : vector<16xi32>
    %swap3A_819 = arith.constant 0 : i32
    %swap3A_820 = arith.index_cast %swap3A_819 : i32 to index
    %swap3A_821 = arith.constant 32 : index
    %swap3A_822 = tpu.vector_load %arg11[%swap3A_820, %swap3A_821] {strides = array<i32>} : memref<4x64xi32, #tpu.memory_space<vmem>>, vector<16xi32>,
    tpu.vector_store %arg11[%swap3A_820, %swap3A_821], %add3A_818 {strides = array<i32>} : memref<4x64xi32, #tpu.memory_space<vmem>>, vector<16xi32>,
    %add3A_823 = arith.constant 25600 : i32
    %add3A_824 = vector.broadcast %add3A_823 : i32 to vector<16xi32>
    %add3A_825 = arith.addi %add3A_815, %add3A_824 : vector<16xi32>
    %swap3A_826 = arith.constant 1 : i32
    %swap3A_827 = arith.index_cast %swap3A_826 : i32 to index
    %swap3A_828 = arith.constant 32 : index
    %swap3A_829 = tpu.vector_load %arg11[%swap3A_827, %swap3A_828] {strides = array<i32>} : memref<4x64xi32, #tpu.memory_space<vmem>>, vector<16xi32>,
    tpu.vector_store %arg11[%swap3A_827, %swap3A_828], %add3A_825 {strides = array<i32>} : memref<4x64xi32, #tpu.memory_space<vmem>>, vector<16xi32>,
    %add3A_830 = arith.constant 51200 : i32
    %add3A_831 = vector.broadcast %add3A_830 : i32 to vector<16xi32>
    %add3A_832 = arith.addi %add3A_815, %add3A_831 : vector<16xi32>
    %swap3A_833 = arith.constant 2 : i32
    %swap3A_834 = arith.index_cast %swap3A_833 : i32 to index
    %swap3A_835 = arith.constant 32 : index
    %swap3A_836 = tpu.vector_load %arg11[%swap3A_834, %swap3A_835] {strides = array<i32>} : memref<4x64xi32, #tpu.memory_space<vmem>>, vector<16xi32>,
    tpu.vector_store %arg11[%swap3A_834, %swap3A_835], %add3A_832 {strides = array<i32>} : memref<4x64xi32, #tpu.memory_space<vmem>>, vector<16xi32>,
    %add3A_837 = arith.constant 76800 : i32
    %add3A_838 = vector.broadcast %add3A_837 : i32 to vector<16xi32>
    %add3A_839 = arith.addi %add3A_815, %add3A_838 : vector<16xi32>
    %swap3A_840 = arith.constant 3 : i32
    %swap3A_841 = arith.index_cast %swap3A_840 : i32 to index
    %swap3A_842 = arith.constant 32 : index
    %swap3A_843 = tpu.vector_load %arg11[%swap3A_841, %swap3A_842] {strides = array<i32>} : memref<4x64xi32, #tpu.memory_space<vmem>>, vector<16xi32>,
    tpu.vector_store %arg11[%swap3A_841, %swap3A_842], %add3A_839 {strides = array<i32>} : memref<4x64xi32, #tpu.memory_space<vmem>>, vector<16xi32>,
    %get3A_844 = arith.constant 0 : i32
    %get3A_845 = arith.index_cast %get3A_844 : i32 to index
    %get3A_846 = arith.index_cast %rem3A_1 : i32 to index
    %get3A_847 = arith.constant 48 : index
    %get3A_848 = tpu.vector_load %arg6[%get3A_845, %get3A_846, %get3A_847] {strides = array<i32>} : memref<4x8x64xf32, #tpu.memory_space<vmem>>, vector<16xf32>,
    %get3A_849 = arith.constant 1 : i32
    %get3A_850 = arith.index_cast %get3A_849 : i32 to index
    %get3A_851 = arith.index_cast %rem3A_1 : i32 to index
    %get3A_852 = arith.constant 48 : index
    %get3A_853 = tpu.vector_load %arg6[%get3A_850, %get3A_851, %get3A_852] {strides = array<i32>} : memref<4x8x64xf32, #tpu.memory_space<vmem>>, vector<16xf32>,
    %get3A_854 = arith.constant 2 : i32
    %get3A_855 = arith.index_cast %get3A_854 : i32 to index
    %get3A_856 = arith.index_cast %rem3A_1 : i32 to index
    %get3A_857 = arith.constant 48 : index
    %get3A_858 = tpu.vector_load %arg6[%get3A_855, %get3A_856, %get3A_857] {strides = array<i32>} : memref<4x8x64xf32, #tpu.memory_space<vmem>>, vector<16xf32>,
    %get3A_859 = arith.constant 3 : i32
    %get3A_860 = arith.index_cast %get3A_859 : i32 to index
    %get3A_861 = arith.index_cast %rem3A_1 : i32 to index
    %get3A_862 = arith.constant 48 : index
    %get3A_863 = tpu.vector_load %arg6[%get3A_860, %get3A_861, %get3A_862] {strides = array<i32>} : memref<4x8x64xf32, #tpu.memory_space<vmem>>, vector<16xf32>,
    %get3A_864 = arith.index_cast %rem3A_1 : i32 to index
    %get3A_865 = arith.constant 48 : index
    %get3A_866 = tpu.vector_load %arg7[%get3A_864, %get3A_865] {strides = array<i32>} : memref<8x64xi32, #tpu.memory_space<vmem>>, vector<16xi32>,
    %add3A_867 = arith.addf %get3A_848, %get3A_858 : vector<16xf32>
    %mul3A_868 = arith.constant 5.000000e-01 : f32
    %mul3A_869 = vector.broadcast %mul3A_868 : f32 to vector<16xf32>
    %mul3A_870 = arith.mulf %add3A_867, %mul3A_869 : vector<16xf32>
    %add3A_871 = arith.addf %get3A_853, %get3A_863 : vector<16xf32>
    %mul3A_872 = arith.constant 5.000000e-01 : f32
    %mul3A_873 = vector.broadcast %mul3A_872 : f32 to vector<16xf32>
    %mul3A_874 = arith.mulf %add3A_871, %mul3A_873 : vector<16xf32>
    %sub3A_875 = arith.subf %get3A_858, %get3A_848 : vector<16xf32>
    %sub3A_876 = arith.subf %get3A_863, %get3A_853 : vector<16xf32>
    %add3A_877 = arith.addf %get3A_848, %get3A_853 : vector<16xf32>
    %add3A_878 = arith.addf %add3A_877, %get3A_858 : vector<16xf32>
    %add3A_879 = arith.addf %add3A_878, %get3A_863 : vector<16xf32>
    %ge3A_880 = arith.constant 0 : i32
    %ge3A_881 = vector.broadcast %ge3A_880 : i32 to vector<16xi32>
    %ge3A_882 = arith.cmpi sge, %get3A_866, %ge3A_881 : vector<16xi32>
    %gt3A_883 = arith.constant 0.000000e+00 : f32
    %gt3A_884 = vector.broadcast %gt3A_883 : f32 to vector<16xf32>
    %gt3A_885 = arith.cmpf ogt, %add3A_879, %gt3A_884 : vector<16xf32>
    %and3A_886 = arith.andi %ge3A_882, %gt3A_885 : vector<16xi1>
    %gt3A_887 = arith.constant 0.000000e+00 : f32
    %gt3A_888 = vector.broadcast %gt3A_887 : f32 to vector<16xf32>
    %gt3A_889 = arith.cmpf ogt, %sub3A_875, %gt3A_888 : vector<16xf32>
    %and3A_890 = arith.andi %and3A_886, %gt3A_889 : vector<16xi1>
    %gt3A_891 = arith.constant 0.000000e+00 : f32
    %gt3A_892 = vector.broadcast %gt3A_891 : f32 to vector<16xf32>
    %gt3A_893 = arith.cmpf ogt, %sub3A_876, %gt3A_892 : vector<16xf32>
    %and3A_894 = arith.andi %and3A_890, %gt3A_893 : vector<16xi1>
    %mul3A_895 = arith.constant 2.500000e-01 : f32
    %mul3A_896 = vector.broadcast %mul3A_895 : f32 to vector<16xf32>
    %mul3A_897 = arith.mulf %mul3A_870, %mul3A_896 : vector<16xf32>
    %convert_element_type3A_898 = arith.fptosi %mul3A_897 : vector<16xf32> to vector<16xi32>
    %jit3A_899 = arith.constant 0 : i32
    %jit3A_900 = arith.constant 159 : i32
    %max3A_901 = vector.broadcast %jit3A_899 : i32 to vector<16xi32>
    %max3A_902 = arith.maxsi %max3A_901, %convert_element_type3A_898 : vector<16xi32>
    %min3A_903 = vector.broadcast %jit3A_900 : i32 to vector<16xi32>
    %min3A_904 = arith.minsi %min3A_903, %max3A_902 : vector<16xi32>
    %mul3A_905 = arith.constant 2.500000e-01 : f32
    %mul3A_906 = vector.broadcast %mul3A_905 : f32 to vector<16xf32>
    %mul3A_907 = arith.mulf %mul3A_874, %mul3A_906 : vector<16xf32>
    %convert_element_type3A_908 = arith.fptosi %mul3A_907 : vector<16xf32> to vector<16xi32>
    %jit3A_909 = arith.constant 0 : i32
    %jit3A_910 = arith.constant 159 : i32
    %max3A_911 = vector.broadcast %jit3A_909 : i32 to vector<16xi32>
    %max3A_912 = arith.maxsi %max3A_911, %convert_element_type3A_908 : vector<16xi32>
    %min3A_913 = vector.broadcast %jit3A_910 : i32 to vector<16xi32>
    %min3A_914 = arith.minsi %min3A_913, %max3A_912 : vector<16xi32>
    %mul3A_915 = arith.constant 160 : i32
    %mul3A_916 = vector.broadcast %mul3A_915 : i32 to vector<16xi32>
    %mul3A_917 = arith.muli %min3A_914, %mul3A_916 : vector<16xi32>
    %add3A_918 = arith.addi %mul3A_917, %min3A_904 : vector<16xi32>
    %swap3A_919 = arith.constant 48 : index
    %swap3A_920 = tpu.vector_load %arg8[%swap3A_919] {strides = array<i32>} : memref<64xi32, #tpu.memory_space<vmem>>, vector<16xi32>,
    tpu.vector_store %arg8[%swap3A_919], %add3A_918 {strides = array<i32>} : memref<64xi32, #tpu.memory_space<vmem>>, vector<16xi32>,
    %jit3A_921 = arith.constant 1 : i32
    %jit3A_922 = arith.constant 0 : i32
    %broadcast_in_dim3A_923 = vector.broadcast %jit3A_921 : i32 to vector<16xi32>
    %broadcast_in_dim3A_924 = vector.broadcast %jit3A_922 : i32 to vector<16xi32>
    %select_n3A_925 = arith.select %and3A_894, %broadcast_in_dim3A_923, %broadcast_in_dim3A_924 : vector<16xi1>, vector<16xi32>
    %swap3A_926 = arith.constant 48 : index
    %swap3A_927 = tpu.vector_load %arg9[%swap3A_926] {strides = array<i32>} : memref<64xi32, #tpu.memory_space<vmem>>, vector<16xi32>,
    tpu.vector_store %arg9[%swap3A_926], %select_n3A_925 {strides = array<i32>} : memref<64xi32, #tpu.memory_space<vmem>>, vector<16xi32>,
    %mul3A_928 = arith.constant 2.500000e-01 : f32
    %mul3A_929 = vector.broadcast %mul3A_928 : f32 to vector<16xf32>
    %mul3A_930 = arith.mulf %mul3A_870, %mul3A_929 : vector<16xf32>
    %convert_element_type3A_931 = arith.sitofp %min3A_904 : vector<16xi32> to vector<16xf32>
    %sub3A_932 = arith.subf %mul3A_930, %convert_element_type3A_931 : vector<16xf32>
    %sub3A_933 = arith.constant 5.000000e-01 : f32
    %sub3A_934 = vector.broadcast %sub3A_933 : f32 to vector<16xf32>
    %sub3A_935 = arith.subf %sub3A_932, %sub3A_934 : vector<16xf32>
    %swap3A_936 = arith.constant 0 : i32
    %swap3A_937 = arith.index_cast %swap3A_936 : i32 to index
    %swap3A_938 = arith.constant 48 : index
    %swap3A_939 = tpu.vector_load %arg10[%swap3A_937, %swap3A_938] {strides = array<i32>} : memref<4x64xf32, #tpu.memory_space<vmem>>, vector<16xf32>,
    tpu.vector_store %arg10[%swap3A_937, %swap3A_938], %sub3A_935 {strides = array<i32>} : memref<4x64xf32, #tpu.memory_space<vmem>>, vector<16xf32>,
    %mul3A_940 = arith.constant 2.500000e-01 : f32
    %mul3A_941 = vector.broadcast %mul3A_940 : f32 to vector<16xf32>
    %mul3A_942 = arith.mulf %mul3A_874, %mul3A_941 : vector<16xf32>
    %convert_element_type3A_943 = arith.sitofp %min3A_914 : vector<16xi32> to vector<16xf32>
    %sub3A_944 = arith.subf %mul3A_942, %convert_element_type3A_943 : vector<16xf32>
    %sub3A_945 = arith.constant 5.000000e-01 : f32
    %sub3A_946 = vector.broadcast %sub3A_945 : f32 to vector<16xf32>
    %sub3A_947 = arith.subf %sub3A_944, %sub3A_946 : vector<16xf32>
    %swap3A_948 = arith.constant 1 : i32
    %swap3A_949 = arith.index_cast %swap3A_948 : i32 to index
    %swap3A_950 = arith.constant 48 : index
    %swap3A_951 = tpu.vector_load %arg10[%swap3A_949, %swap3A_950] {strides = array<i32>} : memref<4x64xf32, #tpu.memory_space<vmem>>, vector<16xf32>,
    tpu.vector_store %arg10[%swap3A_949, %swap3A_950], %sub3A_947 {strides = array<i32>} : memref<4x64xf32, #tpu.memory_space<vmem>>, vector<16xf32>,
    %mul3A_952 = arith.constant 2.500000e-01 : f32
    %mul3A_953 = vector.broadcast %mul3A_952 : f32 to vector<16xf32>
    %mul3A_954 = arith.mulf %sub3A_875, %mul3A_953 : vector<16xf32>
    %add3A_955 = arith.constant 9.99999997E-7 : f32
    %add3A_956 = vector.broadcast %add3A_955 : f32 to vector<16xf32>
    %add3A_957 = arith.addf %mul3A_954, %add3A_956 : vector<16xf32>
    %bitcast_convert_type3A_958 = tpu.bitcast %add3A_957 : vector<16xf32> -> vector<16xi32>
    %shift_right_arithmetic3A_959 = arith.constant 23 : i32
    %shift_right_arithmetic3A_960 = vector.broadcast %shift_right_arithmetic3A_959 : i32 to vector<16xi32>
    %shift_right_arithmetic3A_961 = arith.shrsi %bitcast_convert_type3A_958, %shift_right_arithmetic3A_960 : vector<16xi32>
    %and3A_962 = arith.constant 255 : i32
    %and3A_963 = vector.broadcast %and3A_962 : i32 to vector<16xi32>
    %and3A_964 = arith.andi %shift_right_arithmetic3A_961, %and3A_963 : vector<16xi32>
    %sub3A_965 = arith.constant 127 : i32
    %sub3A_966 = vector.broadcast %sub3A_965 : i32 to vector<16xi32>
    %sub3A_967 = arith.subi %and3A_964, %sub3A_966 : vector<16xi32>
    %and3A_968 = arith.constant 8388607 : i32
    %and3A_969 = vector.broadcast %and3A_968 : i32 to vector<16xi32>
    %and3A_970 = arith.andi %bitcast_convert_type3A_958, %and3A_969 : vector<16xi32>
    %or3A_971 = arith.constant 1065353216 : i32
    %or3A_972 = vector.broadcast %or3A_971 : i32 to vector<16xi32>
    %or3A_973 = arith.ori %and3A_970, %or3A_972 : vector<16xi32>
    %bitcast_convert_type3A_974 = tpu.bitcast %or3A_973 : vector<16xi32> -> vector<16xf32>
    %gt3A_975 = arith.constant 1.41421354 : f32
    %gt3A_976 = vector.broadcast %gt3A_975 : f32 to vector<16xf32>
    %gt3A_977 = arith.cmpf ogt, %bitcast_convert_type3A_974, %gt3A_976 : vector<16xf32>
    %mul3A_978 = arith.constant 5.000000e-01 : f32
    %mul3A_979 = vector.broadcast %mul3A_978 : f32 to vector<16xf32>
    %mul3A_980 = arith.mulf %bitcast_convert_type3A_974, %mul3A_979 : vector<16xf32>
    %select_n3A_981 = arith.select %gt3A_977, %mul3A_980, %bitcast_convert_type3A_974 : vector<16xi1>, vector<16xf32>
    %add3A_982 = arith.constant 1 : i32
    %add3A_983 = vector.broadcast %add3A_982 : i32 to vector<16xi32>
    %add3A_984 = arith.addi %sub3A_967, %add3A_983 : vector<16xi32>
    %select_n3A_985 = arith.select %gt3A_977, %add3A_984, %sub3A_967 : vector<16xi1>, vector<16xi32>
    %sub3A_986 = arith.constant 1.000000e+00 : f32
    %sub3A_987 = vector.broadcast %sub3A_986 : f32 to vector<16xf32>
    %sub3A_988 = arith.subf %select_n3A_981, %sub3A_987 : vector<16xf32>
    %add3A_989 = arith.constant 1.000000e+00 : f32
    %add3A_990 = vector.broadcast %add3A_989 : f32 to vector<16xf32>
    %add3A_991 = arith.addf %select_n3A_981, %add3A_990 : vector<16xf32>
    %div3A_992 = arith.divf %sub3A_988, %add3A_991 : vector<16xf32>
    %mul3A_993 = arith.mulf %div3A_992, %div3A_992 : vector<16xf32>
    %mul3A_994 = arith.constant 2.000000e+00 : f32
    %mul3A_995 = vector.broadcast %mul3A_994 : f32 to vector<16xf32>
    %mul3A_996 = arith.mulf %mul3A_995, %div3A_992 : vector<16xf32>
    %mul3A_997 = arith.constant 0.111111112 : f32
    %mul3A_998 = vector.broadcast %mul3A_997 : f32 to vector<16xf32>
    %mul3A_999 = arith.mulf %mul3A_993, %mul3A_998 : vector<16xf32>
    %add3A_1000 = arith.constant 0.142857149 : f32
    %add3A_1001 = vector.broadcast %add3A_1000 : f32 to vector<16xf32>
    %add3A_1002 = arith.addf %add3A_1001, %mul3A_999 : vector<16xf32>
    %mul3A_1003 = arith.mulf %mul3A_993, %add3A_1002 : vector<16xf32>
    %add3A_1004 = arith.constant 2.000000e-01 : f32
    %add3A_1005 = vector.broadcast %add3A_1004 : f32 to vector<16xf32>
    %add3A_1006 = arith.addf %add3A_1005, %mul3A_1003 : vector<16xf32>
    %mul3A_1007 = arith.mulf %mul3A_993, %add3A_1006 : vector<16xf32>
    %add3A_1008 = arith.constant 0.333333343 : f32
    %add3A_1009 = vector.broadcast %add3A_1008 : f32 to vector<16xf32>
    %add3A_1010 = arith.addf %add3A_1009, %mul3A_1007 : vector<16xf32>
    %mul3A_1011 = arith.mulf %mul3A_993, %add3A_1010 : vector<16xf32>
    %add3A_1012 = arith.constant 1.000000e+00 : f32
    %add3A_1013 = vector.broadcast %add3A_1012 : f32 to vector<16xf32>
    %add3A_1014 = arith.addf %add3A_1013, %mul3A_1011 : vector<16xf32>
    %mul3A_1015 = arith.mulf %mul3A_996, %add3A_1014 : vector<16xf32>
    %convert_element_type3A_1016 = arith.sitofp %select_n3A_985 : vector<16xi32> to vector<16xf32>
    %mul3A_1017 = arith.constant 0.693147182 : f32
    %mul3A_1018 = vector.broadcast %mul3A_1017 : f32 to vector<16xf32>
    %mul3A_1019 = arith.mulf %convert_element_type3A_1016, %mul3A_1018 : vector<16xf32>
    %add3A_1020 = arith.addf %mul3A_1019, %mul3A_1015 : vector<16xf32>
    %swap3A_1021 = arith.constant 2 : i32
    %swap3A_1022 = arith.index_cast %swap3A_1021 : i32 to index
    %swap3A_1023 = arith.constant 48 : index
    %swap3A_1024 = tpu.vector_load %arg10[%swap3A_1022, %swap3A_1023] {strides = array<i32>} : memref<4x64xf32, #tpu.memory_space<vmem>>, vector<16xf32>,
    tpu.vector_store %arg10[%swap3A_1022, %swap3A_1023], %add3A_1020 {strides = array<i32>} : memref<4x64xf32, #tpu.memory_space<vmem>>, vector<16xf32>,
    %mul3A_1025 = arith.constant 2.500000e-01 : f32
    %mul3A_1026 = vector.broadcast %mul3A_1025 : f32 to vector<16xf32>
    %mul3A_1027 = arith.mulf %sub3A_876, %mul3A_1026 : vector<16xf32>
    %add3A_1028 = arith.constant 9.99999997E-7 : f32
    %add3A_1029 = vector.broadcast %add3A_1028 : f32 to vector<16xf32>
    %add3A_1030 = arith.addf %mul3A_1027, %add3A_1029 : vector<16xf32>
    %bitcast_convert_type3A_1031 = tpu.bitcast %add3A_1030 : vector<16xf32> -> vector<16xi32>
    %shift_right_arithmetic3A_1032 = arith.constant 23 : i32
    %shift_right_arithmetic3A_1033 = vector.broadcast %shift_right_arithmetic3A_1032 : i32 to vector<16xi32>
    %shift_right_arithmetic3A_1034 = arith.shrsi %bitcast_convert_type3A_1031, %shift_right_arithmetic3A_1033 : vector<16xi32>
    %and3A_1035 = arith.constant 255 : i32
    %and3A_1036 = vector.broadcast %and3A_1035 : i32 to vector<16xi32>
    %and3A_1037 = arith.andi %shift_right_arithmetic3A_1034, %and3A_1036 : vector<16xi32>
    %sub3A_1038 = arith.constant 127 : i32
    %sub3A_1039 = vector.broadcast %sub3A_1038 : i32 to vector<16xi32>
    %sub3A_1040 = arith.subi %and3A_1037, %sub3A_1039 : vector<16xi32>
    %and3A_1041 = arith.constant 8388607 : i32
    %and3A_1042 = vector.broadcast %and3A_1041 : i32 to vector<16xi32>
    %and3A_1043 = arith.andi %bitcast_convert_type3A_1031, %and3A_1042 : vector<16xi32>
    %or3A_1044 = arith.constant 1065353216 : i32
    %or3A_1045 = vector.broadcast %or3A_1044 : i32 to vector<16xi32>
    %or3A_1046 = arith.ori %and3A_1043, %or3A_1045 : vector<16xi32>
    %bitcast_convert_type3A_1047 = tpu.bitcast %or3A_1046 : vector<16xi32> -> vector<16xf32>
    %gt3A_1048 = arith.constant 1.41421354 : f32
    %gt3A_1049 = vector.broadcast %gt3A_1048 : f32 to vector<16xf32>
    %gt3A_1050 = arith.cmpf ogt, %bitcast_convert_type3A_1047, %gt3A_1049 : vector<16xf32>
    %mul3A_1051 = arith.constant 5.000000e-01 : f32
    %mul3A_1052 = vector.broadcast %mul3A_1051 : f32 to vector<16xf32>
    %mul3A_1053 = arith.mulf %bitcast_convert_type3A_1047, %mul3A_1052 : vector<16xf32>
    %select_n3A_1054 = arith.select %gt3A_1050, %mul3A_1053, %bitcast_convert_type3A_1047 : vector<16xi1>, vector<16xf32>
    %add3A_1055 = arith.constant 1 : i32
    %add3A_1056 = vector.broadcast %add3A_1055 : i32 to vector<16xi32>
    %add3A_1057 = arith.addi %sub3A_1040, %add3A_1056 : vector<16xi32>
    %select_n3A_1058 = arith.select %gt3A_1050, %add3A_1057, %sub3A_1040 : vector<16xi1>, vector<16xi32>
    %sub3A_1059 = arith.constant 1.000000e+00 : f32
    %sub3A_1060 = vector.broadcast %sub3A_1059 : f32 to vector<16xf32>
    %sub3A_1061 = arith.subf %select_n3A_1054, %sub3A_1060 : vector<16xf32>
    %add3A_1062 = arith.constant 1.000000e+00 : f32
    %add3A_1063 = vector.broadcast %add3A_1062 : f32 to vector<16xf32>
    %add3A_1064 = arith.addf %select_n3A_1054, %add3A_1063 : vector<16xf32>
    %div3A_1065 = arith.divf %sub3A_1061, %add3A_1064 : vector<16xf32>
    %mul3A_1066 = arith.mulf %div3A_1065, %div3A_1065 : vector<16xf32>
    %mul3A_1067 = arith.constant 2.000000e+00 : f32
    %mul3A_1068 = vector.broadcast %mul3A_1067 : f32 to vector<16xf32>
    %mul3A_1069 = arith.mulf %mul3A_1068, %div3A_1065 : vector<16xf32>
    %mul3A_1070 = arith.constant 0.111111112 : f32
    %mul3A_1071 = vector.broadcast %mul3A_1070 : f32 to vector<16xf32>
    %mul3A_1072 = arith.mulf %mul3A_1066, %mul3A_1071 : vector<16xf32>
    %add3A_1073 = arith.constant 0.142857149 : f32
    %add3A_1074 = vector.broadcast %add3A_1073 : f32 to vector<16xf32>
    %add3A_1075 = arith.addf %add3A_1074, %mul3A_1072 : vector<16xf32>
    %mul3A_1076 = arith.mulf %mul3A_1066, %add3A_1075 : vector<16xf32>
    %add3A_1077 = arith.constant 2.000000e-01 : f32
    %add3A_1078 = vector.broadcast %add3A_1077 : f32 to vector<16xf32>
    %add3A_1079 = arith.addf %add3A_1078, %mul3A_1076 : vector<16xf32>
    %mul3A_1080 = arith.mulf %mul3A_1066, %add3A_1079 : vector<16xf32>
    %add3A_1081 = arith.constant 0.333333343 : f32
    %add3A_1082 = vector.broadcast %add3A_1081 : f32 to vector<16xf32>
    %add3A_1083 = arith.addf %add3A_1082, %mul3A_1080 : vector<16xf32>
    %mul3A_1084 = arith.mulf %mul3A_1066, %add3A_1083 : vector<16xf32>
    %add3A_1085 = arith.constant 1.000000e+00 : f32
    %add3A_1086 = vector.broadcast %add3A_1085 : f32 to vector<16xf32>
    %add3A_1087 = arith.addf %add3A_1086, %mul3A_1084 : vector<16xf32>
    %mul3A_1088 = arith.mulf %mul3A_1069, %add3A_1087 : vector<16xf32>
    %convert_element_type3A_1089 = arith.sitofp %select_n3A_1058 : vector<16xi32> to vector<16xf32>
    %mul3A_1090 = arith.constant 0.693147182 : f32
    %mul3A_1091 = vector.broadcast %mul3A_1090 : f32 to vector<16xf32>
    %mul3A_1092 = arith.mulf %convert_element_type3A_1089, %mul3A_1091 : vector<16xf32>
    %add3A_1093 = arith.addf %mul3A_1092, %mul3A_1088 : vector<16xf32>
    %swap3A_1094 = arith.constant 3 : i32
    %swap3A_1095 = arith.index_cast %swap3A_1094 : i32 to index
    %swap3A_1096 = arith.constant 48 : index
    %swap3A_1097 = tpu.vector_load %arg10[%swap3A_1095, %swap3A_1096] {strides = array<i32>} : memref<4x64xf32, #tpu.memory_space<vmem>>, vector<16xf32>,
    tpu.vector_store %arg10[%swap3A_1095, %swap3A_1096], %add3A_1093 {strides = array<i32>} : memref<4x64xf32, #tpu.memory_space<vmem>>, vector<16xf32>,
    %mul3A_1098 = arith.constant 102400 : i32
    %mul3A_1099 = arith.muli %rem3A_1, %mul3A_1098 : i32
    %add3A_1100 = vector.broadcast %mul3A_1099 : i32 to vector<16xi32>
    %add3A_1101 = arith.addi %add3A_1100, %add3A_918 : vector<16xi32>
    %add3A_1102 = arith.constant 0 : i32
    %add3A_1103 = vector.broadcast %add3A_1102 : i32 to vector<16xi32>
    %add3A_1104 = arith.addi %add3A_1101, %add3A_1103 : vector<16xi32>
    %swap3A_1105 = arith.constant 0 : i32
    %swap3A_1106 = arith.index_cast %swap3A_1105 : i32 to index
    %swap3A_1107 = arith.constant 48 : index
    %swap3A_1108 = tpu.vector_load %arg11[%swap3A_1106, %swap3A_1107] {strides = array<i32>} : memref<4x64xi32, #tpu.memory_space<vmem>>, vector<16xi32>,
    tpu.vector_store %arg11[%swap3A_1106, %swap3A_1107], %add3A_1104 {strides = array<i32>} : memref<4x64xi32, #tpu.memory_space<vmem>>, vector<16xi32>,
    %add3A_1109 = arith.constant 25600 : i32
    %add3A_1110 = vector.broadcast %add3A_1109 : i32 to vector<16xi32>
    %add3A_1111 = arith.addi %add3A_1101, %add3A_1110 : vector<16xi32>
    %swap3A_1112 = arith.constant 1 : i32
    %swap3A_1113 = arith.index_cast %swap3A_1112 : i32 to index
    %swap3A_1114 = arith.constant 48 : index
    %swap3A_1115 = tpu.vector_load %arg11[%swap3A_1113, %swap3A_1114] {strides = array<i32>} : memref<4x64xi32, #tpu.memory_space<vmem>>, vector<16xi32>,
    tpu.vector_store %arg11[%swap3A_1113, %swap3A_1114], %add3A_1111 {strides = array<i32>} : memref<4x64xi32, #tpu.memory_space<vmem>>, vector<16xi32>,
    %add3A_1116 = arith.constant 51200 : i32
    %add3A_1117 = vector.broadcast %add3A_1116 : i32 to vector<16xi32>
    %add3A_1118 = arith.addi %add3A_1101, %add3A_1117 : vector<16xi32>
    %swap3A_1119 = arith.constant 2 : i32
    %swap3A_1120 = arith.index_cast %swap3A_1119 : i32 to index
    %swap3A_1121 = arith.constant 48 : index
    %swap3A_1122 = tpu.vector_load %arg11[%swap3A_1120, %swap3A_1121] {strides = array<i32>} : memref<4x64xi32, #tpu.memory_space<vmem>>, vector<16xi32>,
    tpu.vector_store %arg11[%swap3A_1120, %swap3A_1121], %add3A_1118 {strides = array<i32>} : memref<4x64xi32, #tpu.memory_space<vmem>>, vector<16xi32>,
    %add3A_1123 = arith.constant 76800 : i32
    %add3A_1124 = vector.broadcast %add3A_1123 : i32 to vector<16xi32>
    %add3A_1125 = arith.addi %add3A_1101, %add3A_1124 : vector<16xi32>
    %swap3A_1126 = arith.constant 3 : i32
    %swap3A_1127 = arith.index_cast %swap3A_1126 : i32 to index
    %swap3A_1128 = arith.constant 48 : index
    %swap3A_1129 = tpu.vector_load %arg11[%swap3A_1127, %swap3A_1128] {strides = array<i32>} : memref<4x64xi32, #tpu.memory_space<vmem>>, vector<16xi32>,
    tpu.vector_store %arg11[%swap3A_1127, %swap3A_1128], %add3A_1125 {strides = array<i32>} : memref<4x64xi32, #tpu.memory_space<vmem>>, vector<16xi32>,
    %dma_start3A = arith.constant 0 : i32
    %dma_start3A_1130 = arith.constant 0 : i32
    %dma_start3A_1131 = arith.constant 0 : i32
    %dma_start3A_1132 = tpu.memref_slice %arg12[%dma_start3A_1130, %dma_start3A_1131] : memref<4x64xf32, #tpu.memory_space<vmem>> -> memref<1x64xf32, #tpu.memory_space<vmem>>
    %dma_start3A_1133 = tpu.memref_squeeze %dma_start3A_1132 : memref<1x64xf32, #tpu.memory_space<vmem>> -> memref<64xf32, #tpu.memory_space<vmem>>
    %dma_start3A_1134 = arith.constant 0 : i32
    %dma_start3A_1135 = tpu.memref_slice %arg11[%dma_start3A, %dma_start3A_1134] : memref<4x64xi32, #tpu.memory_space<vmem>> -> memref<1x64xi32, #tpu.memory_space<vmem>>
    %dma_start3A_1136 = tpu.memref_squeeze %dma_start3A_1135 : memref<1x64xi32, #tpu.memory_space<vmem>> -> memref<64xi32, #tpu.memory_space<vmem>>
    %dma_start3A_1137 = arith.constant 0 : i32
    %dma_start3A_1138 = tpu.memref_slice %arg4[%dma_start3A_1137] : memref<819200xf32, #tpu.memory_space<hbm>> -> memref<819200xf32, #tpu.memory_space<hbm>>
    tpu.enqueue_indirect_dma source(%dma_start3A_1138 : memref<819200xf32, #tpu.memory_space<hbm>>) target(%dma_start3A_1133 : memref<64xf32, #tpu.memory_space<vmem>>) offsets(%dma_start3A_1136 : memref<64xi32, #tpu.memory_space<vmem>>) semaphore(%arg14 : memref<!tpu.dma_semaphore, #tpu.memory_space<semaphore_mem>>)
    %dma_start3A_1139 = arith.constant 1 : i32
    %dma_start3A_1140 = arith.constant 1 : i32
    %dma_start3A_1141 = arith.constant 0 : i32
    %dma_start3A_1142 = tpu.memref_slice %arg12[%dma_start3A_1140, %dma_start3A_1141] : memref<4x64xf32, #tpu.memory_space<vmem>> -> memref<1x64xf32, #tpu.memory_space<vmem>>
    %dma_start3A_1143 = tpu.memref_squeeze %dma_start3A_1142 : memref<1x64xf32, #tpu.memory_space<vmem>> -> memref<64xf32, #tpu.memory_space<vmem>>
    %dma_start3A_1144 = arith.constant 0 : i32
    %dma_start3A_1145 = tpu.memref_slice %arg11[%dma_start3A_1139, %dma_start3A_1144] : memref<4x64xi32, #tpu.memory_space<vmem>> -> memref<1x64xi32, #tpu.memory_space<vmem>>
    %dma_start3A_1146 = tpu.memref_squeeze %dma_start3A_1145 : memref<1x64xi32, #tpu.memory_space<vmem>> -> memref<64xi32, #tpu.memory_space<vmem>>
    %dma_start3A_1147 = arith.constant 0 : i32
    %dma_start3A_1148 = tpu.memref_slice %arg4[%dma_start3A_1147] : memref<819200xf32, #tpu.memory_space<hbm>> -> memref<819200xf32, #tpu.memory_space<hbm>>
    tpu.enqueue_indirect_dma source(%dma_start3A_1148 : memref<819200xf32, #tpu.memory_space<hbm>>) target(%dma_start3A_1143 : memref<64xf32, #tpu.memory_space<vmem>>) offsets(%dma_start3A_1146 : memref<64xi32, #tpu.memory_space<vmem>>) semaphore(%arg14 : memref<!tpu.dma_semaphore, #tpu.memory_space<semaphore_mem>>)
    %dma_start3A_1149 = arith.constant 2 : i32
    %dma_start3A_1150 = arith.constant 2 : i32
    %dma_start3A_1151 = arith.constant 0 : i32
    %dma_start3A_1152 = tpu.memref_slice %arg12[%dma_start3A_1150, %dma_start3A_1151] : memref<4x64xf32, #tpu.memory_space<vmem>> -> memref<1x64xf32, #tpu.memory_space<vmem>>
    %dma_start3A_1153 = tpu.memref_squeeze %dma_start3A_1152 : memref<1x64xf32, #tpu.memory_space<vmem>> -> memref<64xf32, #tpu.memory_space<vmem>>
    %dma_start3A_1154 = arith.constant 0 : i32
    %dma_start3A_1155 = tpu.memref_slice %arg11[%dma_start3A_1149, %dma_start3A_1154] : memref<4x64xi32, #tpu.memory_space<vmem>> -> memref<1x64xi32, #tpu.memory_space<vmem>>
    %dma_start3A_1156 = tpu.memref_squeeze %dma_start3A_1155 : memref<1x64xi32, #tpu.memory_space<vmem>> -> memref<64xi32, #tpu.memory_space<vmem>>
    %dma_start3A_1157 = arith.constant 0 : i32
    %dma_start3A_1158 = tpu.memref_slice %arg4[%dma_start3A_1157] : memref<819200xf32, #tpu.memory_space<hbm>> -> memref<819200xf32, #tpu.memory_space<hbm>>
    tpu.enqueue_indirect_dma source(%dma_start3A_1158 : memref<819200xf32, #tpu.memory_space<hbm>>) target(%dma_start3A_1153 : memref<64xf32, #tpu.memory_space<vmem>>) offsets(%dma_start3A_1156 : memref<64xi32, #tpu.memory_space<vmem>>) semaphore(%arg14 : memref<!tpu.dma_semaphore, #tpu.memory_space<semaphore_mem>>)
    %dma_start3A_1159 = arith.constant 3 : i32
    %dma_start3A_1160 = arith.constant 3 : i32
    %dma_start3A_1161 = arith.constant 0 : i32
    %dma_start3A_1162 = tpu.memref_slice %arg12[%dma_start3A_1160, %dma_start3A_1161] : memref<4x64xf32, #tpu.memory_space<vmem>> -> memref<1x64xf32, #tpu.memory_space<vmem>>
    %dma_start3A_1163 = tpu.memref_squeeze %dma_start3A_1162 : memref<1x64xf32, #tpu.memory_space<vmem>> -> memref<64xf32, #tpu.memory_space<vmem>>
    %dma_start3A_1164 = arith.constant 0 : i32
    %dma_start3A_1165 = tpu.memref_slice %arg11[%dma_start3A_1159, %dma_start3A_1164] : memref<4x64xi32, #tpu.memory_space<vmem>> -> memref<1x64xi32, #tpu.memory_space<vmem>>
    %dma_start3A_1166 = tpu.memref_squeeze %dma_start3A_1165 : memref<1x64xi32, #tpu.memory_space<vmem>> -> memref<64xi32, #tpu.memory_space<vmem>>
    %dma_start3A_1167 = arith.constant 0 : i32
    %dma_start3A_1168 = tpu.memref_slice %arg4[%dma_start3A_1167] : memref<819200xf32, #tpu.memory_space<hbm>> -> memref<819200xf32, #tpu.memory_space<hbm>>
    tpu.enqueue_indirect_dma source(%dma_start3A_1168 : memref<819200xf32, #tpu.memory_space<hbm>>) target(%dma_start3A_1163 : memref<64xf32, #tpu.memory_space<vmem>>) offsets(%dma_start3A_1166 : memref<64xi32, #tpu.memory_space<vmem>>) semaphore(%arg14 : memref<!tpu.dma_semaphore, #tpu.memory_space<semaphore_mem>>)
    %broadcast_in_dim3A_1169 = vector.broadcast %rem3A_1 : i32 to vector<16xi32>
    %broadcast_in_dim3A_1170 = arith.constant 0 : i32
    %broadcast_in_dim3A_1171 = vector.broadcast %broadcast_in_dim3A_1170 : i32 to vector<16xi32>
    %scan3A = arith.constant 0 : i32
    %scan3A_1172 = arith.constant 50 : i32
    %scan3A_1173 = arith.addi %scan3A, %scan3A_1172 : i32
    %scan3A_1174 = arith.constant 1 : i32
    %scan3A_1175:4 = scf.for %scan3A_1478 = %scan3A to %scan3A_1173 step %scan3A_1174 iter_args(%scan3A_1479 = %broadcast_in_dim3A_1171, %scan3A_1480 = %broadcast_in_dim3A_1171, %scan3A_1481 = %broadcast_in_dim3A_1171, %scan3A_1482 = %broadcast_in_dim3A_1171) -> (vector<16xi32>, vector<16xi32>, vector<16xi32>, vector<16xi32>)  : i32 {
      %broadcast_in_dim3A_1483 = vector.broadcast %scan3A_1478 : i32 to vector<16xi32>
      %gather3A = tpu.vector_load_idx %arg8[%broadcast_in_dim3A_1483] : memref<64xi32, #tpu.memory_space<vmem>>[vector<16xi32>], vector<16xi32>,
      %gather3A_1484 = tpu.vector_load_idx %arg9[%broadcast_in_dim3A_1483] : memref<64xi32, #tpu.memory_space<vmem>>[vector<16xi32>], vector<16xi32>,
      %get3A_1485 = arith.constant 0 : index
      %get3A_1486 = tpu.vector_load %arg8[%get3A_1485] {strides = array<i32>} : memref<64xi32, #tpu.memory_space<vmem>>, vector<16xi32>,
      %add3A_1487 = arith.constant 0 : i32
      %add3A_1488 = vector.broadcast %add3A_1487 : i32 to vector<16xi32>
      %add3A_1489 = arith.addi %iota3A, %add3A_1488 : vector<16xi32>
      %eq3A_1490 = arith.cmpi eq, %get3A_1486, %gather3A : vector<16xi32>
      %lt3A = arith.cmpi slt, %add3A_1489, %broadcast_in_dim3A_1483 : vector<16xi32>
      %and3A_1491 = arith.andi %eq3A_1490, %lt3A : vector<16xi1>
      %jit3A_1492 = arith.constant 0 : i32
      %broadcast_in_dim3A_1493 = vector.broadcast %jit3A_1492 : i32 to vector<16xi32>
      %select_n3A_1494 = arith.select %and3A_1491, %gather3A_1484, %broadcast_in_dim3A_1493 : vector<16xi1>, vector<16xi32>
      %max3A_1495 = arith.maxsi %scan3A_1479, %select_n3A_1494 : vector<16xi32>
      %get3A_1496 = arith.constant 16 : index
      %get3A_1497 = tpu.vector_load %arg8[%get3A_1496] {strides = array<i32>} : memref<64xi32, #tpu.memory_space<vmem>>, vector<16xi32>,
      %add3A_1498 = arith.constant 16 : i32
      %add3A_1499 = vector.broadcast %add3A_1498 : i32 to vector<16xi32>
      %add3A_1500 = arith.addi %iota3A, %add3A_1499 : vector<16xi32>
      %eq3A_1501 = arith.cmpi eq, %get3A_1497, %gather3A : vector<16xi32>
      %lt3A_1502 = arith.cmpi slt, %add3A_1500, %broadcast_in_dim3A_1483 : vector<16xi32>
      %and3A_1503 = arith.andi %eq3A_1501, %lt3A_1502 : vector<16xi1>
      %jit3A_1504 = arith.constant 0 : i32
      %broadcast_in_dim3A_1505 = vector.broadcast %jit3A_1504 : i32 to vector<16xi32>
      %select_n3A_1506 = arith.select %and3A_1503, %gather3A_1484, %broadcast_in_dim3A_1505 : vector<16xi1>, vector<16xi32>
      %max3A_1507 = arith.maxsi %scan3A_1480, %select_n3A_1506 : vector<16xi32>
      %get3A_1508 = arith.constant 32 : index
      %get3A_1509 = tpu.vector_load %arg8[%get3A_1508] {strides = array<i32>} : memref<64xi32, #tpu.memory_space<vmem>>, vector<16xi32>,
      %add3A_1510 = arith.constant 32 : i32
      %add3A_1511 = vector.broadcast %add3A_1510 : i32 to vector<16xi32>
      %add3A_1512 = arith.addi %iota3A, %add3A_1511 : vector<16xi32>
      %eq3A_1513 = arith.cmpi eq, %get3A_1509, %gather3A : vector<16xi32>
      %lt3A_1514 = arith.cmpi slt, %add3A_1512, %broadcast_in_dim3A_1483 : vector<16xi32>
      %and3A_1515 = arith.andi %eq3A_1513, %lt3A_1514 : vector<16xi1>
      %jit3A_1516 = arith.constant 0 : i32
      %broadcast_in_dim3A_1517 = vector.broadcast %jit3A_1516 : i32 to vector<16xi32>
      %select_n3A_1518 = arith.select %and3A_1515, %gather3A_1484, %broadcast_in_dim3A_1517 : vector<16xi1>, vector<16xi32>
      %max3A_1519 = arith.maxsi %scan3A_1481, %select_n3A_1518 : vector<16xi32>
      %get3A_1520 = arith.constant 48 : index
      %get3A_1521 = tpu.vector_load %arg8[%get3A_1520] {strides = array<i32>} : memref<64xi32, #tpu.memory_space<vmem>>, vector<16xi32>,
      %add3A_1522 = arith.constant 48 : i32
      %add3A_1523 = vector.broadcast %add3A_1522 : i32 to vector<16xi32>
      %add3A_1524 = arith.addi %iota3A, %add3A_1523 : vector<16xi32>
      %eq3A_1525 = arith.cmpi eq, %get3A_1521, %gather3A : vector<16xi32>
      %lt3A_1526 = arith.cmpi slt, %add3A_1524, %broadcast_in_dim3A_1483 : vector<16xi32>
      %and3A_1527 = arith.andi %eq3A_1525, %lt3A_1526 : vector<16xi1>
      %jit3A_1528 = arith.constant 0 : i32
      %broadcast_in_dim3A_1529 = vector.broadcast %jit3A_1528 : i32 to vector<16xi32>
      %select_n3A_1530 = arith.select %and3A_1527, %gather3A_1484, %broadcast_in_dim3A_1529 : vector<16xi1>, vector<16xi32>
      %max3A_1531 = arith.maxsi %scan3A_1482, %select_n3A_1530 : vector<16xi32>
      scf.yield %max3A_1495, %max3A_1507, %max3A_1519, %max3A_1531 : vector<16xi32>, vector<16xi32>, vector<16xi32>, vector<16xi32>
    }
    %scan3A_1176 = arith.constant 50 : i32
    %dma_wait3A = arith.constant 0 : i32
    %dma_wait3A_1177 = arith.constant 0 : i32
    %dma_wait3A_1178 = arith.constant 0 : i32
    %dma_wait3A_1179 = tpu.memref_slice %arg12[%dma_wait3A_1177, %dma_wait3A_1178] : memref<4x64xf32, #tpu.memory_space<vmem>> -> memref<1x64xf32, #tpu.memory_space<vmem>>
    %dma_wait3A_1180 = tpu.memref_squeeze %dma_wait3A_1179 : memref<1x64xf32, #tpu.memory_space<vmem>> -> memref<64xf32, #tpu.memory_space<vmem>>
    %dma_wait3A_1181 = arith.constant 0 : i32
    %dma_wait3A_1182 = tpu.memref_slice %arg11[%dma_wait3A, %dma_wait3A_1181] : memref<4x64xi32, #tpu.memory_space<vmem>> -> memref<1x64xi32, #tpu.memory_space<vmem>>
    %dma_wait3A_1183 = tpu.memref_squeeze %dma_wait3A_1182 : memref<1x64xi32, #tpu.memory_space<vmem>> -> memref<64xi32, #tpu.memory_space<vmem>>
    %dma_wait3A_1184 = arith.constant 0 : i32
    %dma_wait3A_1185 = tpu.memref_slice %arg4[%dma_wait3A_1184] : memref<819200xf32, #tpu.memory_space<hbm>> -> memref<819200xf32, #tpu.memory_space<hbm>>
    tpu.wait_indirect_dma semaphore(%arg14 : memref<!tpu.dma_semaphore, #tpu.memory_space<semaphore_mem>>) src(%dma_wait3A_1185 : memref<819200xf32, #tpu.memory_space<hbm>>) dst(%dma_wait3A_1180 : memref<64xf32, #tpu.memory_space<vmem>>)
    %dma_wait3A_1186 = arith.constant 1 : i32
    %dma_wait3A_1187 = arith.constant 1 : i32
    %dma_wait3A_1188 = arith.constant 0 : i32
    %dma_wait3A_1189 = tpu.memref_slice %arg12[%dma_wait3A_1187, %dma_wait3A_1188] : memref<4x64xf32, #tpu.memory_space<vmem>> -> memref<1x64xf32, #tpu.memory_space<vmem>>
    %dma_wait3A_1190 = tpu.memref_squeeze %dma_wait3A_1189 : memref<1x64xf32, #tpu.memory_space<vmem>> -> memref<64xf32, #tpu.memory_space<vmem>>
    %dma_wait3A_1191 = arith.constant 0 : i32
    %dma_wait3A_1192 = tpu.memref_slice %arg11[%dma_wait3A_1186, %dma_wait3A_1191] : memref<4x64xi32, #tpu.memory_space<vmem>> -> memref<1x64xi32, #tpu.memory_space<vmem>>
    %dma_wait3A_1193 = tpu.memref_squeeze %dma_wait3A_1192 : memref<1x64xi32, #tpu.memory_space<vmem>> -> memref<64xi32, #tpu.memory_space<vmem>>
    %dma_wait3A_1194 = arith.constant 0 : i32
    %dma_wait3A_1195 = tpu.memref_slice %arg4[%dma_wait3A_1194] : memref<819200xf32, #tpu.memory_space<hbm>> -> memref<819200xf32, #tpu.memory_space<hbm>>
    tpu.wait_indirect_dma semaphore(%arg14 : memref<!tpu.dma_semaphore, #tpu.memory_space<semaphore_mem>>) src(%dma_wait3A_1195 : memref<819200xf32, #tpu.memory_space<hbm>>) dst(%dma_wait3A_1190 : memref<64xf32, #tpu.memory_space<vmem>>)
    %dma_wait3A_1196 = arith.constant 2 : i32
    %dma_wait3A_1197 = arith.constant 2 : i32
    %dma_wait3A_1198 = arith.constant 0 : i32
    %dma_wait3A_1199 = tpu.memref_slice %arg12[%dma_wait3A_1197, %dma_wait3A_1198] : memref<4x64xf32, #tpu.memory_space<vmem>> -> memref<1x64xf32, #tpu.memory_space<vmem>>
    %dma_wait3A_1200 = tpu.memref_squeeze %dma_wait3A_1199 : memref<1x64xf32, #tpu.memory_space<vmem>> -> memref<64xf32, #tpu.memory_space<vmem>>
    %dma_wait3A_1201 = arith.constant 0 : i32
    %dma_wait3A_1202 = tpu.memref_slice %arg11[%dma_wait3A_1196, %dma_wait3A_1201] : memref<4x64xi32, #tpu.memory_space<vmem>> -> memref<1x64xi32, #tpu.memory_space<vmem>>
    %dma_wait3A_1203 = tpu.memref_squeeze %dma_wait3A_1202 : memref<1x64xi32, #tpu.memory_space<vmem>> -> memref<64xi32, #tpu.memory_space<vmem>>
    %dma_wait3A_1204 = arith.constant 0 : i32
    %dma_wait3A_1205 = tpu.memref_slice %arg4[%dma_wait3A_1204] : memref<819200xf32, #tpu.memory_space<hbm>> -> memref<819200xf32, #tpu.memory_space<hbm>>
    tpu.wait_indirect_dma semaphore(%arg14 : memref<!tpu.dma_semaphore, #tpu.memory_space<semaphore_mem>>) src(%dma_wait3A_1205 : memref<819200xf32, #tpu.memory_space<hbm>>) dst(%dma_wait3A_1200 : memref<64xf32, #tpu.memory_space<vmem>>)
    %dma_wait3A_1206 = arith.constant 3 : i32
    %dma_wait3A_1207 = arith.constant 3 : i32
    %dma_wait3A_1208 = arith.constant 0 : i32
    %dma_wait3A_1209 = tpu.memref_slice %arg12[%dma_wait3A_1207, %dma_wait3A_1208] : memref<4x64xf32, #tpu.memory_space<vmem>> -> memref<1x64xf32, #tpu.memory_space<vmem>>
    %dma_wait3A_1210 = tpu.memref_squeeze %dma_wait3A_1209 : memref<1x64xf32, #tpu.memory_space<vmem>> -> memref<64xf32, #tpu.memory_space<vmem>>
    %dma_wait3A_1211 = arith.constant 0 : i32
    %dma_wait3A_1212 = tpu.memref_slice %arg11[%dma_wait3A_1206, %dma_wait3A_1211] : memref<4x64xi32, #tpu.memory_space<vmem>> -> memref<1x64xi32, #tpu.memory_space<vmem>>
    %dma_wait3A_1213 = tpu.memref_squeeze %dma_wait3A_1212 : memref<1x64xi32, #tpu.memory_space<vmem>> -> memref<64xi32, #tpu.memory_space<vmem>>
    %dma_wait3A_1214 = arith.constant 0 : i32
    %dma_wait3A_1215 = tpu.memref_slice %arg4[%dma_wait3A_1214] : memref<819200xf32, #tpu.memory_space<hbm>> -> memref<819200xf32, #tpu.memory_space<hbm>>
    tpu.wait_indirect_dma semaphore(%arg14 : memref<!tpu.dma_semaphore, #tpu.memory_space<semaphore_mem>>) src(%dma_wait3A_1215 : memref<819200xf32, #tpu.memory_space<hbm>>) dst(%dma_wait3A_1210 : memref<64xf32, #tpu.memory_space<vmem>>)
    %broadcast_in_dim3A_1216 = arith.constant 0.000000e+00 : f32
    %broadcast_in_dim3A_1217 = vector.broadcast %broadcast_in_dim3A_1216 : f32 to vector<16xf32>
    %broadcast_in_dim3A_1218 = arith.constant 0.000000e+00 : f32
    %broadcast_in_dim3A_1219 = vector.broadcast %broadcast_in_dim3A_1218 : f32 to vector<16xf32>
    %get3A_1220 = arith.constant 0 : index
    %get3A_1221 = tpu.vector_load %arg9[%get3A_1220] {strides = array<i32>} : memref<64xi32, #tpu.memory_space<vmem>>, vector<16xi32>,
    %gt3A_1222 = arith.constant 0 : i32
    %gt3A_1223 = vector.broadcast %gt3A_1222 : i32 to vector<16xi32>
    %gt3A_1224 = arith.cmpi sgt, %get3A_1221, %gt3A_1223 : vector<16xi32>
    %eq3A = arith.constant 0 : i32
    %eq3A_1225 = vector.broadcast %eq3A : i32 to vector<16xi32>
    %eq3A_1226 = arith.cmpi eq, %scan3A_1175#0, %eq3A_1225 : vector<16xi32>
    %and3A_1227 = arith.andi %gt3A_1224, %eq3A_1226 : vector<16xi1>
    %jit3A_1228 = arith.constant 1.000000e+00 : f32
    %jit3A_1229 = arith.constant 0.000000e+00 : f32
    %broadcast_in_dim3A_1230 = vector.broadcast %jit3A_1228 : f32 to vector<16xf32>
    %broadcast_in_dim3A_1231 = vector.broadcast %jit3A_1229 : f32 to vector<16xf32>
    %select_n3A_1232 = arith.select %and3A_1227, %broadcast_in_dim3A_1230, %broadcast_in_dim3A_1231 : vector<16xi1>, vector<16xf32>
    %add3A_1233 = arith.addf %broadcast_in_dim3A_1219, %select_n3A_1232 : vector<16xf32>
    %get3A_1234 = arith.constant 0 : i32
    %get3A_1235 = arith.index_cast %get3A_1234 : i32 to index
    %get3A_1236 = arith.constant 0 : index
    %get3A_1237 = tpu.vector_load %arg12[%get3A_1235, %get3A_1236] {strides = array<i32>} : memref<4x64xf32, #tpu.memory_space<vmem>>, vector<16xf32>,
    %get3A_1238 = arith.constant 0 : i32
    %get3A_1239 = arith.index_cast %get3A_1238 : i32 to index
    %get3A_1240 = arith.constant 0 : index
    %get3A_1241 = tpu.vector_load %arg10[%get3A_1239, %get3A_1240] {strides = array<i32>} : memref<4x64xf32, #tpu.memory_space<vmem>>, vector<16xf32>,
    %sub3A_1242 = arith.subf %get3A_1237, %get3A_1241 : vector<16xf32>
    %abs3A = math.absf %sub3A_1242 : vector<16xf32>
    %mul3A_1243 = arith.mulf %select_n3A_1232, %abs3A : vector<16xf32>
    %add3A_1244 = arith.addf %broadcast_in_dim3A_1217, %mul3A_1243 : vector<16xf32>
    %get3A_1245 = arith.constant 1 : i32
    %get3A_1246 = arith.index_cast %get3A_1245 : i32 to index
    %get3A_1247 = arith.constant 0 : index
    %get3A_1248 = tpu.vector_load %arg12[%get3A_1246, %get3A_1247] {strides = array<i32>} : memref<4x64xf32, #tpu.memory_space<vmem>>, vector<16xf32>,
    %get3A_1249 = arith.constant 1 : i32
    %get3A_1250 = arith.index_cast %get3A_1249 : i32 to index
    %get3A_1251 = arith.constant 0 : index
    %get3A_1252 = tpu.vector_load %arg10[%get3A_1250, %get3A_1251] {strides = array<i32>} : memref<4x64xf32, #tpu.memory_space<vmem>>, vector<16xf32>,
    %sub3A_1253 = arith.subf %get3A_1248, %get3A_1252 : vector<16xf32>
    %abs3A_1254 = math.absf %sub3A_1253 : vector<16xf32>
    %mul3A_1255 = arith.mulf %select_n3A_1232, %abs3A_1254 : vector<16xf32>
    %add3A_1256 = arith.addf %add3A_1244, %mul3A_1255 : vector<16xf32>
    %get3A_1257 = arith.constant 2 : i32
    %get3A_1258 = arith.index_cast %get3A_1257 : i32 to index
    %get3A_1259 = arith.constant 0 : index
    %get3A_1260 = tpu.vector_load %arg12[%get3A_1258, %get3A_1259] {strides = array<i32>} : memref<4x64xf32, #tpu.memory_space<vmem>>, vector<16xf32>,
    %get3A_1261 = arith.constant 2 : i32
    %get3A_1262 = arith.index_cast %get3A_1261 : i32 to index
    %get3A_1263 = arith.constant 0 : index
    %get3A_1264 = tpu.vector_load %arg10[%get3A_1262, %get3A_1263] {strides = array<i32>} : memref<4x64xf32, #tpu.memory_space<vmem>>, vector<16xf32>,
    %sub3A_1265 = arith.subf %get3A_1260, %get3A_1264 : vector<16xf32>
    %abs3A_1266 = math.absf %sub3A_1265 : vector<16xf32>
    %mul3A_1267 = arith.mulf %select_n3A_1232, %abs3A_1266 : vector<16xf32>
    %add3A_1268 = arith.addf %add3A_1256, %mul3A_1267 : vector<16xf32>
    %get3A_1269 = arith.constant 3 : i32
    %get3A_1270 = arith.index_cast %get3A_1269 : i32 to index
    %get3A_1271 = arith.constant 0 : index
    %get3A_1272 = tpu.vector_load %arg12[%get3A_1270, %get3A_1271] {strides = array<i32>} : memref<4x64xf32, #tpu.memory_space<vmem>>, vector<16xf32>,
    %get3A_1273 = arith.constant 3 : i32
    %get3A_1274 = arith.index_cast %get3A_1273 : i32 to index
    %get3A_1275 = arith.constant 0 : index
    %get3A_1276 = tpu.vector_load %arg10[%get3A_1274, %get3A_1275] {strides = array<i32>} : memref<4x64xf32, #tpu.memory_space<vmem>>, vector<16xf32>,
    %sub3A_1277 = arith.subf %get3A_1272, %get3A_1276 : vector<16xf32>
    %abs3A_1278 = math.absf %sub3A_1277 : vector<16xf32>
    %mul3A_1279 = arith.mulf %select_n3A_1232, %abs3A_1278 : vector<16xf32>
    %add3A_1280 = arith.addf %add3A_1268, %mul3A_1279 : vector<16xf32>
    %get3A_1281 = arith.constant 16 : index
    %get3A_1282 = tpu.vector_load %arg9[%get3A_1281] {strides = array<i32>} : memref<64xi32, #tpu.memory_space<vmem>>, vector<16xi32>,
    %gt3A_1283 = arith.constant 0 : i32
    %gt3A_1284 = vector.broadcast %gt3A_1283 : i32 to vector<16xi32>
    %gt3A_1285 = arith.cmpi sgt, %get3A_1282, %gt3A_1284 : vector<16xi32>
    %eq3A_1286 = arith.constant 0 : i32
    %eq3A_1287 = vector.broadcast %eq3A_1286 : i32 to vector<16xi32>
    %eq3A_1288 = arith.cmpi eq, %scan3A_1175#1, %eq3A_1287 : vector<16xi32>
    %and3A_1289 = arith.andi %gt3A_1285, %eq3A_1288 : vector<16xi1>
    %jit3A_1290 = arith.constant 1.000000e+00 : f32
    %jit3A_1291 = arith.constant 0.000000e+00 : f32
    %broadcast_in_dim3A_1292 = vector.broadcast %jit3A_1290 : f32 to vector<16xf32>
    %broadcast_in_dim3A_1293 = vector.broadcast %jit3A_1291 : f32 to vector<16xf32>
    %select_n3A_1294 = arith.select %and3A_1289, %broadcast_in_dim3A_1292, %broadcast_in_dim3A_1293 : vector<16xi1>, vector<16xf32>
    %add3A_1295 = arith.addf %add3A_1233, %select_n3A_1294 : vector<16xf32>
    %get3A_1296 = arith.constant 0 : i32
    %get3A_1297 = arith.index_cast %get3A_1296 : i32 to index
    %get3A_1298 = arith.constant 16 : index
    %get3A_1299 = tpu.vector_load %arg12[%get3A_1297, %get3A_1298] {strides = array<i32>} : memref<4x64xf32, #tpu.memory_space<vmem>>, vector<16xf32>,
    %get3A_1300 = arith.constant 0 : i32
    %get3A_1301 = arith.index_cast %get3A_1300 : i32 to index
    %get3A_1302 = arith.constant 16 : index
    %get3A_1303 = tpu.vector_load %arg10[%get3A_1301, %get3A_1302] {strides = array<i32>} : memref<4x64xf32, #tpu.memory_space<vmem>>, vector<16xf32>,
    %sub3A_1304 = arith.subf %get3A_1299, %get3A_1303 : vector<16xf32>
    %abs3A_1305 = math.absf %sub3A_1304 : vector<16xf32>
    %mul3A_1306 = arith.mulf %select_n3A_1294, %abs3A_1305 : vector<16xf32>
    %add3A_1307 = arith.addf %add3A_1280, %mul3A_1306 : vector<16xf32>
    %get3A_1308 = arith.constant 1 : i32
    %get3A_1309 = arith.index_cast %get3A_1308 : i32 to index
    %get3A_1310 = arith.constant 16 : index
    %get3A_1311 = tpu.vector_load %arg12[%get3A_1309, %get3A_1310] {strides = array<i32>} : memref<4x64xf32, #tpu.memory_space<vmem>>, vector<16xf32>,
    %get3A_1312 = arith.constant 1 : i32
    %get3A_1313 = arith.index_cast %get3A_1312 : i32 to index
    %get3A_1314 = arith.constant 16 : index
    %get3A_1315 = tpu.vector_load %arg10[%get3A_1313, %get3A_1314] {strides = array<i32>} : memref<4x64xf32, #tpu.memory_space<vmem>>, vector<16xf32>,
    %sub3A_1316 = arith.subf %get3A_1311, %get3A_1315 : vector<16xf32>
    %abs3A_1317 = math.absf %sub3A_1316 : vector<16xf32>
    %mul3A_1318 = arith.mulf %select_n3A_1294, %abs3A_1317 : vector<16xf32>
    %add3A_1319 = arith.addf %add3A_1307, %mul3A_1318 : vector<16xf32>
    %get3A_1320 = arith.constant 2 : i32
    %get3A_1321 = arith.index_cast %get3A_1320 : i32 to index
    %get3A_1322 = arith.constant 16 : index
    %get3A_1323 = tpu.vector_load %arg12[%get3A_1321, %get3A_1322] {strides = array<i32>} : memref<4x64xf32, #tpu.memory_space<vmem>>, vector<16xf32>,
    %get3A_1324 = arith.constant 2 : i32
    %get3A_1325 = arith.index_cast %get3A_1324 : i32 to index
    %get3A_1326 = arith.constant 16 : index
    %get3A_1327 = tpu.vector_load %arg10[%get3A_1325, %get3A_1326] {strides = array<i32>} : memref<4x64xf32, #tpu.memory_space<vmem>>, vector<16xf32>,
    %sub3A_1328 = arith.subf %get3A_1323, %get3A_1327 : vector<16xf32>
    %abs3A_1329 = math.absf %sub3A_1328 : vector<16xf32>
    %mul3A_1330 = arith.mulf %select_n3A_1294, %abs3A_1329 : vector<16xf32>
    %add3A_1331 = arith.addf %add3A_1319, %mul3A_1330 : vector<16xf32>
    %get3A_1332 = arith.constant 3 : i32
    %get3A_1333 = arith.index_cast %get3A_1332 : i32 to index
    %get3A_1334 = arith.constant 16 : index
    %get3A_1335 = tpu.vector_load %arg12[%get3A_1333, %get3A_1334] {strides = array<i32>} : memref<4x64xf32, #tpu.memory_space<vmem>>, vector<16xf32>,
    %get3A_1336 = arith.constant 3 : i32
    %get3A_1337 = arith.index_cast %get3A_1336 : i32 to index
    %get3A_1338 = arith.constant 16 : index
    %get3A_1339 = tpu.vector_load %arg10[%get3A_1337, %get3A_1338] {strides = array<i32>} : memref<4x64xf32, #tpu.memory_space<vmem>>, vector<16xf32>,
    %sub3A_1340 = arith.subf %get3A_1335, %get3A_1339 : vector<16xf32>
    %abs3A_1341 = math.absf %sub3A_1340 : vector<16xf32>
    %mul3A_1342 = arith.mulf %select_n3A_1294, %abs3A_1341 : vector<16xf32>
    %add3A_1343 = arith.addf %add3A_1331, %mul3A_1342 : vector<16xf32>
    %get3A_1344 = arith.constant 32 : index
    %get3A_1345 = tpu.vector_load %arg9[%get3A_1344] {strides = array<i32>} : memref<64xi32, #tpu.memory_space<vmem>>, vector<16xi32>,
    %gt3A_1346 = arith.constant 0 : i32
    %gt3A_1347 = vector.broadcast %gt3A_1346 : i32 to vector<16xi32>
    %gt3A_1348 = arith.cmpi sgt, %get3A_1345, %gt3A_1347 : vector<16xi32>
    %eq3A_1349 = arith.constant 0 : i32
    %eq3A_1350 = vector.broadcast %eq3A_1349 : i32 to vector<16xi32>
    %eq3A_1351 = arith.cmpi eq, %scan3A_1175#2, %eq3A_1350 : vector<16xi32>
    %and3A_1352 = arith.andi %gt3A_1348, %eq3A_1351 : vector<16xi1>
    %jit3A_1353 = arith.constant 1.000000e+00 : f32
    %jit3A_1354 = arith.constant 0.000000e+00 : f32
    %broadcast_in_dim3A_1355 = vector.broadcast %jit3A_1353 : f32 to vector<16xf32>
    %broadcast_in_dim3A_1356 = vector.broadcast %jit3A_1354 : f32 to vector<16xf32>
    %select_n3A_1357 = arith.select %and3A_1352, %broadcast_in_dim3A_1355, %broadcast_in_dim3A_1356 : vector<16xi1>, vector<16xf32>
    %add3A_1358 = arith.addf %add3A_1295, %select_n3A_1357 : vector<16xf32>
    %get3A_1359 = arith.constant 0 : i32
    %get3A_1360 = arith.index_cast %get3A_1359 : i32 to index
    %get3A_1361 = arith.constant 32 : index
    %get3A_1362 = tpu.vector_load %arg12[%get3A_1360, %get3A_1361] {strides = array<i32>} : memref<4x64xf32, #tpu.memory_space<vmem>>, vector<16xf32>,
    %get3A_1363 = arith.constant 0 : i32
    %get3A_1364 = arith.index_cast %get3A_1363 : i32 to index
    %get3A_1365 = arith.constant 32 : index
    %get3A_1366 = tpu.vector_load %arg10[%get3A_1364, %get3A_1365] {strides = array<i32>} : memref<4x64xf32, #tpu.memory_space<vmem>>, vector<16xf32>,
    %sub3A_1367 = arith.subf %get3A_1362, %get3A_1366 : vector<16xf32>
    %abs3A_1368 = math.absf %sub3A_1367 : vector<16xf32>
    %mul3A_1369 = arith.mulf %select_n3A_1357, %abs3A_1368 : vector<16xf32>
    %add3A_1370 = arith.addf %add3A_1343, %mul3A_1369 : vector<16xf32>
    %get3A_1371 = arith.constant 1 : i32
    %get3A_1372 = arith.index_cast %get3A_1371 : i32 to index
    %get3A_1373 = arith.constant 32 : index
    %get3A_1374 = tpu.vector_load %arg12[%get3A_1372, %get3A_1373] {strides = array<i32>} : memref<4x64xf32, #tpu.memory_space<vmem>>, vector<16xf32>,
    %get3A_1375 = arith.constant 1 : i32
    %get3A_1376 = arith.index_cast %get3A_1375 : i32 to index
    %get3A_1377 = arith.constant 32 : index
    %get3A_1378 = tpu.vector_load %arg10[%get3A_1376, %get3A_1377] {strides = array<i32>} : memref<4x64xf32, #tpu.memory_space<vmem>>, vector<16xf32>,
    %sub3A_1379 = arith.subf %get3A_1374, %get3A_1378 : vector<16xf32>
    %abs3A_1380 = math.absf %sub3A_1379 : vector<16xf32>
    %mul3A_1381 = arith.mulf %select_n3A_1357, %abs3A_1380 : vector<16xf32>
    %add3A_1382 = arith.addf %add3A_1370, %mul3A_1381 : vector<16xf32>
    %get3A_1383 = arith.constant 2 : i32
    %get3A_1384 = arith.index_cast %get3A_1383 : i32 to index
    %get3A_1385 = arith.constant 32 : index
    %get3A_1386 = tpu.vector_load %arg12[%get3A_1384, %get3A_1385] {strides = array<i32>} : memref<4x64xf32, #tpu.memory_space<vmem>>, vector<16xf32>,
    %get3A_1387 = arith.constant 2 : i32
    %get3A_1388 = arith.index_cast %get3A_1387 : i32 to index
    %get3A_1389 = arith.constant 32 : index
    %get3A_1390 = tpu.vector_load %arg10[%get3A_1388, %get3A_1389] {strides = array<i32>} : memref<4x64xf32, #tpu.memory_space<vmem>>, vector<16xf32>,
    %sub3A_1391 = arith.subf %get3A_1386, %get3A_1390 : vector<16xf32>
    %abs3A_1392 = math.absf %sub3A_1391 : vector<16xf32>
    %mul3A_1393 = arith.mulf %select_n3A_1357, %abs3A_1392 : vector<16xf32>
    %add3A_1394 = arith.addf %add3A_1382, %mul3A_1393 : vector<16xf32>
    %get3A_1395 = arith.constant 3 : i32
    %get3A_1396 = arith.index_cast %get3A_1395 : i32 to index
    %get3A_1397 = arith.constant 32 : index
    %get3A_1398 = tpu.vector_load %arg12[%get3A_1396, %get3A_1397] {strides = array<i32>} : memref<4x64xf32, #tpu.memory_space<vmem>>, vector<16xf32>,
    %get3A_1399 = arith.constant 3 : i32
    %get3A_1400 = arith.index_cast %get3A_1399 : i32 to index
    %get3A_1401 = arith.constant 32 : index
    %get3A_1402 = tpu.vector_load %arg10[%get3A_1400, %get3A_1401] {strides = array<i32>} : memref<4x64xf32, #tpu.memory_space<vmem>>, vector<16xf32>,
    %sub3A_1403 = arith.subf %get3A_1398, %get3A_1402 : vector<16xf32>
    %abs3A_1404 = math.absf %sub3A_1403 : vector<16xf32>
    %mul3A_1405 = arith.mulf %select_n3A_1357, %abs3A_1404 : vector<16xf32>
    %add3A_1406 = arith.addf %add3A_1394, %mul3A_1405 : vector<16xf32>
    %get3A_1407 = arith.constant 48 : index
    %get3A_1408 = tpu.vector_load %arg9[%get3A_1407] {strides = array<i32>} : memref<64xi32, #tpu.memory_space<vmem>>, vector<16xi32>,
    %gt3A_1409 = arith.constant 0 : i32
    %gt3A_1410 = vector.broadcast %gt3A_1409 : i32 to vector<16xi32>
    %gt3A_1411 = arith.cmpi sgt, %get3A_1408, %gt3A_1410 : vector<16xi32>
    %eq3A_1412 = arith.constant 0 : i32
    %eq3A_1413 = vector.broadcast %eq3A_1412 : i32 to vector<16xi32>
    %eq3A_1414 = arith.cmpi eq, %scan3A_1175#3, %eq3A_1413 : vector<16xi32>
    %and3A_1415 = arith.andi %gt3A_1411, %eq3A_1414 : vector<16xi1>
    %jit3A_1416 = arith.constant 1.000000e+00 : f32
    %jit3A_1417 = arith.constant 0.000000e+00 : f32
    %broadcast_in_dim3A_1418 = vector.broadcast %jit3A_1416 : f32 to vector<16xf32>
    %broadcast_in_dim3A_1419 = vector.broadcast %jit3A_1417 : f32 to vector<16xf32>
    %select_n3A_1420 = arith.select %and3A_1415, %broadcast_in_dim3A_1418, %broadcast_in_dim3A_1419 : vector<16xi1>, vector<16xf32>
    %add3A_1421 = arith.addf %add3A_1358, %select_n3A_1420 : vector<16xf32>
    %get3A_1422 = arith.constant 0 : i32
    %get3A_1423 = arith.index_cast %get3A_1422 : i32 to index
    %get3A_1424 = arith.constant 48 : index
    %get3A_1425 = tpu.vector_load %arg12[%get3A_1423, %get3A_1424] {strides = array<i32>} : memref<4x64xf32, #tpu.memory_space<vmem>>, vector<16xf32>,
    %get3A_1426 = arith.constant 0 : i32
    %get3A_1427 = arith.index_cast %get3A_1426 : i32 to index
    %get3A_1428 = arith.constant 48 : index
    %get3A_1429 = tpu.vector_load %arg10[%get3A_1427, %get3A_1428] {strides = array<i32>} : memref<4x64xf32, #tpu.memory_space<vmem>>, vector<16xf32>,
    %sub3A_1430 = arith.subf %get3A_1425, %get3A_1429 : vector<16xf32>
    %abs3A_1431 = math.absf %sub3A_1430 : vector<16xf32>
    %mul3A_1432 = arith.mulf %select_n3A_1420, %abs3A_1431 : vector<16xf32>
    %add3A_1433 = arith.addf %add3A_1406, %mul3A_1432 : vector<16xf32>
    %get3A_1434 = arith.constant 1 : i32
    %get3A_1435 = arith.index_cast %get3A_1434 : i32 to index
    %get3A_1436 = arith.constant 48 : index
    %get3A_1437 = tpu.vector_load %arg12[%get3A_1435, %get3A_1436] {strides = array<i32>} : memref<4x64xf32, #tpu.memory_space<vmem>>, vector<16xf32>,
    %get3A_1438 = arith.constant 1 : i32
    %get3A_1439 = arith.index_cast %get3A_1438 : i32 to index
    %get3A_1440 = arith.constant 48 : index
    %get3A_1441 = tpu.vector_load %arg10[%get3A_1439, %get3A_1440] {strides = array<i32>} : memref<4x64xf32, #tpu.memory_space<vmem>>, vector<16xf32>,
    %sub3A_1442 = arith.subf %get3A_1437, %get3A_1441 : vector<16xf32>
    %abs3A_1443 = math.absf %sub3A_1442 : vector<16xf32>
    %mul3A_1444 = arith.mulf %select_n3A_1420, %abs3A_1443 : vector<16xf32>
    %add3A_1445 = arith.addf %add3A_1433, %mul3A_1444 : vector<16xf32>
    %get3A_1446 = arith.constant 2 : i32
    %get3A_1447 = arith.index_cast %get3A_1446 : i32 to index
    %get3A_1448 = arith.constant 48 : index
    %get3A_1449 = tpu.vector_load %arg12[%get3A_1447, %get3A_1448] {strides = array<i32>} : memref<4x64xf32, #tpu.memory_space<vmem>>, vector<16xf32>,
    %get3A_1450 = arith.constant 2 : i32
    %get3A_1451 = arith.index_cast %get3A_1450 : i32 to index
    %get3A_1452 = arith.constant 48 : index
    %get3A_1453 = tpu.vector_load %arg10[%get3A_1451, %get3A_1452] {strides = array<i32>} : memref<4x64xf32, #tpu.memory_space<vmem>>, vector<16xf32>,
    %sub3A_1454 = arith.subf %get3A_1449, %get3A_1453 : vector<16xf32>
    %abs3A_1455 = math.absf %sub3A_1454 : vector<16xf32>
    %mul3A_1456 = arith.mulf %select_n3A_1420, %abs3A_1455 : vector<16xf32>
    %add3A_1457 = arith.addf %add3A_1445, %mul3A_1456 : vector<16xf32>
    %get3A_1458 = arith.constant 3 : i32
    %get3A_1459 = arith.index_cast %get3A_1458 : i32 to index
    %get3A_1460 = arith.constant 48 : index
    %get3A_1461 = tpu.vector_load %arg12[%get3A_1459, %get3A_1460] {strides = array<i32>} : memref<4x64xf32, #tpu.memory_space<vmem>>, vector<16xf32>,
    %get3A_1462 = arith.constant 3 : i32
    %get3A_1463 = arith.index_cast %get3A_1462 : i32 to index
    %get3A_1464 = arith.constant 48 : index
    %get3A_1465 = tpu.vector_load %arg10[%get3A_1463, %get3A_1464] {strides = array<i32>} : memref<4x64xf32, #tpu.memory_space<vmem>>, vector<16xf32>,
    %sub3A_1466 = arith.subf %get3A_1461, %get3A_1465 : vector<16xf32>
    %abs3A_1467 = math.absf %sub3A_1466 : vector<16xf32>
    %mul3A_1468 = arith.mulf %select_n3A_1420, %abs3A_1467 : vector<16xf32>
    %add3A_1469 = arith.addf %add3A_1457, %mul3A_1468 : vector<16xf32>
    %swap3A_1470 = arith.constant 0 : i32
    %swap3A_1471 = arith.index_cast %swap3A_1470 : i32 to index
    %swap3A_1472 = arith.constant 0 : index
    %swap3A_1473 = tpu.vector_load %arg13[%swap3A_1471, %swap3A_1472] {strides = array<i32>} : memref<2x16xf32, #tpu.memory_space<vmem>>, vector<16xf32>,
    tpu.vector_store %arg13[%swap3A_1471, %swap3A_1472], %add3A_1469 {strides = array<i32>} : memref<2x16xf32, #tpu.memory_space<vmem>>, vector<16xf32>,
    %swap3A_1474 = arith.constant 1 : i32
    %swap3A_1475 = arith.index_cast %swap3A_1474 : i32 to index
    %swap3A_1476 = arith.constant 0 : index
    %swap3A_1477 = tpu.vector_load %arg13[%swap3A_1475, %swap3A_1476] {strides = array<i32>} : memref<2x16xf32, #tpu.memory_space<vmem>>, vector<16xf32>,
    tpu.vector_store %arg13[%swap3A_1475, %swap3A_1476], %add3A_1421 {strides = array<i32>} : memref<2x16xf32, #tpu.memory_space<vmem>>, vector<16xf32>,
    "tpu.region"() ({
      %run_scoped3A = tpu.sem_alloc : memref<!tpu.dma_semaphore, #tpu.memory_space<semaphore_mem>>
      %dma_start3A_1478 = arith.constant 0 : i32
      %dma_start3A_1479 = arith.constant 0 : i32
      %dma_start3A_1480 = tpu.memref_slice %arg5[%add3A, %dma_start3A_1478, %dma_start3A_1479] : memref<32x2x16xf32, #tpu.memory_space<hbm>> -> memref<1x2x16xf32, #tpu.memory_space<hbm>>
      %dma_start3A_1481 = tpu.memref_squeeze %dma_start3A_1480 : memref<1x2x16xf32, #tpu.memory_space<hbm>> -> memref<2x16xf32, #tpu.memory_space<hbm>>
      %dma_start3A_1482 = arith.constant 0 : i32
      %dma_start3A_1483 = arith.constant 0 : i32
      %dma_start3A_1484 = tpu.memref_slice %arg5[%add3A, %dma_start3A_1482, %dma_start3A_1483] : memref<32x2x16xf32, #tpu.memory_space<hbm>> -> memref<1x2x16xf32, #tpu.memory_space<hbm>>
      %dma_start3A_1485 = tpu.memref_squeeze %dma_start3A_1484 : memref<1x2x16xf32, #tpu.memory_space<hbm>> -> memref<2x16xf32, #tpu.memory_space<hbm>>
      tpu.enqueue_dma source(%arg13 : memref<2x16xf32, #tpu.memory_space<vmem>>) target(%dma_start3A_1485 : memref<2x16xf32, #tpu.memory_space<hbm>>) target_semaphore(%run_scoped3A : memref<!tpu.dma_semaphore, #tpu.memory_space<semaphore_mem>>)
      %dma_wait3A_1486 = arith.constant 0 : i32
      %dma_wait3A_1487 = arith.constant 0 : i32
      %dma_wait3A_1488 = tpu.memref_slice %arg5[%add3A, %dma_wait3A_1486, %dma_wait3A_1487] : memref<32x2x16xf32, #tpu.memory_space<hbm>> -> memref<1x2x16xf32, #tpu.memory_space<hbm>>
      %dma_wait3A_1489 = tpu.memref_squeeze %dma_wait3A_1488 : memref<1x2x16xf32, #tpu.memory_space<hbm>> -> memref<2x16xf32, #tpu.memory_space<hbm>>
      %dma_wait3A_1490 = arith.constant 0 : i32
      %dma_wait3A_1491 = arith.constant 0 : i32
      %dma_wait3A_1492 = tpu.memref_slice %arg5[%add3A, %dma_wait3A_1490, %dma_wait3A_1491] : memref<32x2x16xf32, #tpu.memory_space<hbm>> -> memref<1x2x16xf32, #tpu.memory_space<hbm>>
      %dma_wait3A_1493 = tpu.memref_squeeze %dma_wait3A_1492 : memref<1x2x16xf32, #tpu.memory_space<hbm>> -> memref<2x16xf32, #tpu.memory_space<hbm>>
      tpu.wait_dma2 semaphore(%run_scoped3A : memref<!tpu.dma_semaphore, #tpu.memory_space<semaphore_mem>>) src(%arg13 : memref<2x16xf32, #tpu.memory_space<vmem>>) dst(%dma_wait3A_1493 : memref<2x16xf32, #tpu.memory_space<hbm>>)
      tpu.yield
    }) : () -> ()
    return
  }
}

module attributes {stable_mosaic.version = 14 : i64} {
  func.func @_heat_body(%arg0: i32, %arg1: memref<4x8x64xf32, #tpu.memory_space<vmem>>, %arg2: memref<8x64xi32, #tpu.memory_space<vmem>>, %arg3: memref<1x1x160x160xf32, #tpu.memory_space<vmem>>, %arg4: memref<1x6880x160xf32, #tpu.memory_space<vmem>>, %arg5: memref<1x4xf32, #tpu.memory_space<smem>>) attributes {dimension_semantics = [#tpu.dimension_semantics<arbitrary>], iteration_bounds = array<i64: 8>, scalar_prefetch = 0 : i64, scratch_operands = 0 : i64, tpu.core_type = #tpu.core_type<tc>, window_params = [{pipeline_mode = #tpu.pipeline_mode<synchronous>, transform_indices = @transform_0, window_bounds = array<i64: 4, 8, 64>}, {pipeline_mode = #tpu.pipeline_mode<synchronous>, transform_indices = @transform_1, window_bounds = array<i64: 8, 64>}, {transform_indices = @transform_2, window_bounds = array<i64: 1, 1, 160, 160>}, {transform_indices = @transform_3, window_bounds = array<i64: 1, 6880, 160>}, {transform_indices = @transform_4, window_bounds = array<i64: 1, 4>}]} {
    %iota3A = tpu.iota {dimensions = array<i32: 0>} : vector<8x64xi32>
    %eq3A = vector.broadcast %arg0 : i32 to vector<8x64xi32>
    %eq3A_0 = arith.cmpi eq, %iota3A, %eq3A : vector<8x64xi32>
    %get3A = arith.constant 0 : index
    %get3A_1 = arith.constant 0 : index
    %get3A_2 = arith.constant 0 : index
    %get3A_3 = vector.load %arg1[%get3A, %get3A_1, %get3A_2] : memref<4x8x64xf32, #tpu.memory_space<vmem>>, vector<1x8x64xf32>
    %get3A_4 = vector.shape_cast %get3A_3 : vector<1x8x64xf32> to vector<8x64xf32>
    %jit3A = arith.constant 0 : i32
    %convert_element_type3A = arith.sitofp %jit3A : i32 to f32
    %broadcast_in_dim3A = vector.broadcast %convert_element_type3A : f32 to vector<8x64xf32>
    %select_n3A = arith.select %eq3A_0, %get3A_4, %broadcast_in_dim3A : vector<8x64xi1>, vector<8x64xf32>
    %reduce_sum3A = arith.constant dense<0.000000e+00> : vector<64xf32>
    %reduce_sum3A_5 = vector.multi_reduction <add>, %select_n3A, %reduce_sum3A [0] : vector<8x64xf32> to vector<64xf32>
    %broadcast_in_dim3A_6 = vector.shape_cast %reduce_sum3A_5 : vector<64xf32> to vector<1x64xf32>
    %get3A_7 = arith.constant 1 : index
    %get3A_8 = arith.constant 0 : index
    %get3A_9 = arith.constant 0 : index
    %get3A_10 = vector.load %arg1[%get3A_7, %get3A_8, %get3A_9] : memref<4x8x64xf32, #tpu.memory_space<vmem>>, vector<1x8x64xf32>
    %get3A_11 = vector.shape_cast %get3A_10 : vector<1x8x64xf32> to vector<8x64xf32>
    %jit3A_12 = arith.constant 0 : i32
    %convert_element_type3A_13 = arith.sitofp %jit3A_12 : i32 to f32
    %broadcast_in_dim3A_14 = vector.broadcast %convert_element_type3A_13 : f32 to vector<8x64xf32>
    %select_n3A_15 = arith.select %eq3A_0, %get3A_11, %broadcast_in_dim3A_14 : vector<8x64xi1>, vector<8x64xf32>
    %reduce_sum3A_16 = arith.constant dense<0.000000e+00> : vector<64xf32>
    %reduce_sum3A_17 = vector.multi_reduction <add>, %select_n3A_15, %reduce_sum3A_16 [0] : vector<8x64xf32> to vector<64xf32>
    %broadcast_in_dim3A_18 = vector.shape_cast %reduce_sum3A_17 : vector<64xf32> to vector<1x64xf32>
    %get3A_19 = arith.constant 2 : index
    %get3A_20 = arith.constant 0 : index
    %get3A_21 = arith.constant 0 : index
    %get3A_22 = vector.load %arg1[%get3A_19, %get3A_20, %get3A_21] : memref<4x8x64xf32, #tpu.memory_space<vmem>>, vector<1x8x64xf32>
    %get3A_23 = vector.shape_cast %get3A_22 : vector<1x8x64xf32> to vector<8x64xf32>
    %jit3A_24 = arith.constant 0 : i32
    %convert_element_type3A_25 = arith.sitofp %jit3A_24 : i32 to f32
    %broadcast_in_dim3A_26 = vector.broadcast %convert_element_type3A_25 : f32 to vector<8x64xf32>
    %select_n3A_27 = arith.select %eq3A_0, %get3A_23, %broadcast_in_dim3A_26 : vector<8x64xi1>, vector<8x64xf32>
    %reduce_sum3A_28 = arith.constant dense<0.000000e+00> : vector<64xf32>
    %reduce_sum3A_29 = vector.multi_reduction <add>, %select_n3A_27, %reduce_sum3A_28 [0] : vector<8x64xf32> to vector<64xf32>
    %broadcast_in_dim3A_30 = vector.shape_cast %reduce_sum3A_29 : vector<64xf32> to vector<1x64xf32>
    %get3A_31 = arith.constant 3 : index
    %get3A_32 = arith.constant 0 : index
    %get3A_33 = arith.constant 0 : index
    %get3A_34 = vector.load %arg1[%get3A_31, %get3A_32, %get3A_33] : memref<4x8x64xf32, #tpu.memory_space<vmem>>, vector<1x8x64xf32>
    %get3A_35 = vector.shape_cast %get3A_34 : vector<1x8x64xf32> to vector<8x64xf32>
    %jit3A_36 = arith.constant 0 : i32
    %convert_element_type3A_37 = arith.sitofp %jit3A_36 : i32 to f32
    %broadcast_in_dim3A_38 = vector.broadcast %convert_element_type3A_37 : f32 to vector<8x64xf32>
    %select_n3A_39 = arith.select %eq3A_0, %get3A_35, %broadcast_in_dim3A_38 : vector<8x64xi1>, vector<8x64xf32>
    %reduce_sum3A_40 = arith.constant dense<0.000000e+00> : vector<64xf32>
    %reduce_sum3A_41 = vector.multi_reduction <add>, %select_n3A_39, %reduce_sum3A_40 [0] : vector<8x64xf32> to vector<64xf32>
    %broadcast_in_dim3A_42 = vector.shape_cast %reduce_sum3A_41 : vector<64xf32> to vector<1x64xf32>
    %get3A_43 = arith.constant 0 : index
    %get3A_44 = arith.constant 0 : index
    %get3A_45 = vector.load %arg2[%get3A_43, %get3A_44] : memref<8x64xi32, #tpu.memory_space<vmem>>, vector<8x64xi32>
    %jit3A_46 = arith.constant 0 : i32
    %broadcast_in_dim3A_47 = vector.broadcast %jit3A_46 : i32 to vector<8x64xi32>
    %select_n3A_48 = arith.select %eq3A_0, %get3A_45, %broadcast_in_dim3A_47 : vector<8x64xi1>, vector<8x64xi32>
    %reduce_sum3A_49 = arith.constant dense<0> : vector<64xi32>
    %reduce_sum3A_50 = vector.multi_reduction <add>, %select_n3A_48, %reduce_sum3A_49 [0] : vector<8x64xi32> to vector<64xi32>
    %broadcast_in_dim3A_51 = vector.shape_cast %reduce_sum3A_50 : vector<64xi32> to vector<1x64xi32>
    %reshape3A = vector.shape_cast %broadcast_in_dim3A_6 : vector<1x64xf32> to vector<64x1xf32>
    %reshape3A_52 = vector.shape_cast %broadcast_in_dim3A_18 : vector<1x64xf32> to vector<64x1xf32>
    %reshape3A_53 = vector.shape_cast %broadcast_in_dim3A_30 : vector<1x64xf32> to vector<64x1xf32>
    %reshape3A_54 = vector.shape_cast %broadcast_in_dim3A_42 : vector<1x64xf32> to vector<64x1xf32>
    %reshape3A_55 = vector.shape_cast %broadcast_in_dim3A_51 : vector<1x64xi32> to vector<64x1xi32>
    %add3A = arith.addf %reshape3A, %reshape3A_53 : vector<64x1xf32>
    %mul3A = arith.constant 5.000000e-01 : f32
    %mul3A_56 = vector.broadcast %mul3A : f32 to vector<64x1xf32>
    %mul3A_57 = arith.mulf %add3A, %mul3A_56 : vector<64x1xf32>
    %add3A_58 = arith.addf %reshape3A_52, %reshape3A_54 : vector<64x1xf32>
    %mul3A_59 = arith.constant 5.000000e-01 : f32
    %mul3A_60 = vector.broadcast %mul3A_59 : f32 to vector<64x1xf32>
    %mul3A_61 = arith.mulf %add3A_58, %mul3A_60 : vector<64x1xf32>
    %sub3A = arith.subf %reshape3A_53, %reshape3A : vector<64x1xf32>
    %sub3A_62 = arith.subf %reshape3A_54, %reshape3A_52 : vector<64x1xf32>
    %add3A_63 = arith.addf %reshape3A, %reshape3A_52 : vector<64x1xf32>
    %add3A_64 = arith.addf %add3A_63, %reshape3A_53 : vector<64x1xf32>
    %add3A_65 = arith.addf %add3A_64, %reshape3A_54 : vector<64x1xf32>
    %ge3A = arith.constant 0 : i32
    %ge3A_66 = vector.broadcast %ge3A : i32 to vector<64x1xi32>
    %ge3A_67 = arith.cmpi sge, %reshape3A_55, %ge3A_66 : vector<64x1xi32>
    %gt3A = arith.constant 0.000000e+00 : f32
    %gt3A_68 = vector.broadcast %gt3A : f32 to vector<64x1xf32>
    %gt3A_69 = arith.cmpf ogt, %add3A_65, %gt3A_68 : vector<64x1xf32>
    %and3A = arith.andi %ge3A_67, %gt3A_69 : vector<64x1xi1>
    %gt3A_70 = arith.constant 0.000000e+00 : f32
    %gt3A_71 = vector.broadcast %gt3A_70 : f32 to vector<64x1xf32>
    %gt3A_72 = arith.cmpf ogt, %sub3A, %gt3A_71 : vector<64x1xf32>
    %and3A_73 = arith.andi %and3A, %gt3A_72 : vector<64x1xi1>
    %gt3A_74 = arith.constant 0.000000e+00 : f32
    %gt3A_75 = vector.broadcast %gt3A_74 : f32 to vector<64x1xf32>
    %gt3A_76 = arith.cmpf ogt, %sub3A_62, %gt3A_75 : vector<64x1xf32>
    %and3A_77 = arith.andi %and3A_73, %gt3A_76 : vector<64x1xi1>
    %mul3A_78 = arith.constant 2.500000e-01 : f32
    %mul3A_79 = vector.broadcast %mul3A_78 : f32 to vector<64x1xf32>
    %mul3A_80 = arith.mulf %mul3A_57, %mul3A_79 : vector<64x1xf32>
    %convert_element_type3A_81 = arith.fptosi %mul3A_80 : vector<64x1xf32> to vector<64x1xi32>
    %jit3A_82 = arith.constant 0 : i32
    %jit3A_83 = arith.constant 159 : i32
    %max3A = vector.broadcast %jit3A_82 : i32 to vector<64x1xi32>
    %max3A_84 = arith.maxsi %max3A, %convert_element_type3A_81 : vector<64x1xi32>
    %min3A = vector.broadcast %jit3A_83 : i32 to vector<64x1xi32>
    %min3A_85 = arith.minsi %min3A, %max3A_84 : vector<64x1xi32>
    %mul3A_86 = arith.constant 2.500000e-01 : f32
    %mul3A_87 = vector.broadcast %mul3A_86 : f32 to vector<64x1xf32>
    %mul3A_88 = arith.mulf %mul3A_61, %mul3A_87 : vector<64x1xf32>
    %convert_element_type3A_89 = arith.fptosi %mul3A_88 : vector<64x1xf32> to vector<64x1xi32>
    %jit3A_90 = arith.constant 0 : i32
    %jit3A_91 = arith.constant 159 : i32
    %max3A_92 = vector.broadcast %jit3A_90 : i32 to vector<64x1xi32>
    %max3A_93 = arith.maxsi %max3A_92, %convert_element_type3A_89 : vector<64x1xi32>
    %min3A_94 = vector.broadcast %jit3A_91 : i32 to vector<64x1xi32>
    %min3A_95 = arith.minsi %min3A_94, %max3A_93 : vector<64x1xi32>
    %mul3A_96 = arith.mulf %sub3A, %sub3A_62 : vector<64x1xf32>
    %sqrt3A = math.sqrt %mul3A_96 : vector<64x1xf32>
    %mul3A_97 = arith.constant 2.500000e-01 : f32
    %mul3A_98 = vector.broadcast %mul3A_97 : f32 to vector<64x1xf32>
    %mul3A_99 = arith.mulf %sqrt3A, %mul3A_98 : vector<64x1xf32>
    %max3A_100 = arith.constant 2.000000e+00 : f32
    %max3A_101 = vector.broadcast %max3A_100 : f32 to vector<64x1xf32>
    %max3A_102 = arith.maximumf %mul3A_99, %max3A_101 : vector<64x1xf32>
    %convert_element_type3A_103 = arith.fptosi %max3A_102 : vector<64x1xf32> to vector<64x1xi32>
    %convert_element_type3A_104 = arith.sitofp %convert_element_type3A_103 : vector<64x1xi32> to vector<64x1xf32>
    %mul3A_105 = arith.constant 5.000000e-01 : f32
    %mul3A_106 = vector.broadcast %mul3A_105 : f32 to vector<64x1xf32>
    %mul3A_107 = arith.mulf %convert_element_type3A_104, %mul3A_106 : vector<64x1xf32>
    %mul3A_108 = arith.constant 5.000000e-01 : f32
    %mul3A_109 = vector.broadcast %mul3A_108 : f32 to vector<64x1xf32>
    %mul3A_110 = arith.mulf %convert_element_type3A_104, %mul3A_109 : vector<64x1xf32>
    %mul3A_111 = arith.mulf %mul3A_107, %mul3A_110 : vector<64x1xf32>
    %div3A = arith.constant 5.000000e-01 : f32
    %div3A_112 = vector.broadcast %div3A : f32 to vector<64x1xf32>
    %div3A_113 = arith.divf %div3A_112, %mul3A_111 : vector<64x1xf32>
    %jit3A_114 = arith.constant 0.000000e+00 : f32
    %jit3A_115 = arith.constant 1.000000e+09 : f32
    %broadcast_in_dim3A_116 = vector.broadcast %jit3A_114 : f32 to vector<64x1xf32>
    %broadcast_in_dim3A_117 = vector.broadcast %jit3A_115 : f32 to vector<64x1xf32>
    %select_n3A_118 = arith.select %and3A_77, %broadcast_in_dim3A_116, %broadcast_in_dim3A_117 : vector<64x1xi1>, vector<64x1xf32>
    %iota3A_119 = tpu.iota {dimensions = array<i32: 1>} : vector<1x160xi32>
    %convert_element_type3A_120 = arith.sitofp %iota3A_119 : vector<1x160xi32> to vector<1x160xf32>
    %iota3A_121 = tpu.iota {dimensions = array<i32: 1>} : vector<1x160xi32>
    %convert_element_type3A_122 = arith.sitofp %iota3A_121 : vector<1x160xi32> to vector<1x160xf32>
    %convert_element_type3A_123 = arith.sitofp %min3A_85 : vector<64x1xi32> to vector<64x1xf32>
    %sub3A_124 = vector.broadcast %convert_element_type3A_120 : vector<1x160xf32> to vector<64x160xf32>
    %sub3A_125 = vector.broadcast %convert_element_type3A_123 : vector<64x1xf32> to vector<64x160xf32>
    %sub3A_126 = arith.subf %sub3A_124, %sub3A_125 : vector<64x160xf32>
    %integer_pow3A = arith.mulf %sub3A_126, %sub3A_126 : vector<64x160xf32>
    %mul3A_127 = vector.broadcast %div3A_113 : vector<64x1xf32> to vector<64x160xf32>
    %mul3A_128 = arith.mulf %integer_pow3A, %mul3A_127 : vector<64x160xf32>
    %add3A_129 = vector.broadcast %select_n3A_118 : vector<64x1xf32> to vector<64x160xf32>
    %add3A_130 = arith.addf %mul3A_128, %add3A_129 : vector<64x160xf32>
    %convert_element_type3A_131 = arith.sitofp %min3A_95 : vector<64x1xi32> to vector<64x1xf32>
    %sub3A_132 = vector.broadcast %convert_element_type3A_122 : vector<1x160xf32> to vector<64x160xf32>
    %sub3A_133 = vector.broadcast %convert_element_type3A_131 : vector<64x1xf32> to vector<64x160xf32>
    %sub3A_134 = arith.subf %sub3A_132, %sub3A_133 : vector<64x160xf32>
    %integer_pow3A_135 = arith.mulf %sub3A_134, %sub3A_134 : vector<64x160xf32>
    %mul3A_136 = vector.broadcast %div3A_113 : vector<64x1xf32> to vector<64x160xf32>
    %mul3A_137 = arith.mulf %integer_pow3A_135, %mul3A_136 : vector<64x160xf32>
    %slice3A = vector.extract_strided_slice %add3A_130 {offsets = [0, 0], sizes = [16, 160], strides = [1, 1]} : vector<64x160xf32> to vector<16x160xf32>
    %slice3A_138 = vector.extract_strided_slice %mul3A_137 {offsets = [0, 0], sizes = [16, 160], strides = [1, 1]} : vector<64x160xf32> to vector<16x160xf32>
    %broadcast_in_dim3A_139 = vector.shape_cast %slice3A : vector<16x160xf32> to vector<16x1x160xf32>
    %broadcast_in_dim3A_140 = vector.shape_cast %slice3A_138 : vector<16x160xf32> to vector<16x160x1xf32>
    %add3A_141 = vector.broadcast %broadcast_in_dim3A_139 : vector<16x1x160xf32> to vector<16x160x160xf32>
    %add3A_142 = vector.broadcast %broadcast_in_dim3A_140 : vector<16x160x1xf32> to vector<16x160x160xf32>
    %add3A_143 = arith.addf %add3A_141, %add3A_142 : vector<16x160x160xf32>
    %reduce_min3A = arith.constant dense<0x7F800000> : vector<160x160xf32>
    %reduce_min3A_144 = vector.multi_reduction <minimumf>, %add3A_143, %reduce_min3A [0] : vector<16x160x160xf32> to vector<160x160xf32>
    %slice3A_145 = vector.extract_strided_slice %add3A_130 {offsets = [16, 0], sizes = [16, 160], strides = [1, 1]} : vector<64x160xf32> to vector<16x160xf32>
    %slice3A_146 = vector.extract_strided_slice %mul3A_137 {offsets = [16, 0], sizes = [16, 160], strides = [1, 1]} : vector<64x160xf32> to vector<16x160xf32>
    %broadcast_in_dim3A_147 = vector.shape_cast %slice3A_145 : vector<16x160xf32> to vector<16x1x160xf32>
    %broadcast_in_dim3A_148 = vector.shape_cast %slice3A_146 : vector<16x160xf32> to vector<16x160x1xf32>
    %add3A_149 = vector.broadcast %broadcast_in_dim3A_147 : vector<16x1x160xf32> to vector<16x160x160xf32>
    %add3A_150 = vector.broadcast %broadcast_in_dim3A_148 : vector<16x160x1xf32> to vector<16x160x160xf32>
    %add3A_151 = arith.addf %add3A_149, %add3A_150 : vector<16x160x160xf32>
    %reduce_min3A_152 = arith.constant dense<0x7F800000> : vector<160x160xf32>
    %reduce_min3A_153 = vector.multi_reduction <minimumf>, %add3A_151, %reduce_min3A_152 [0] : vector<16x160x160xf32> to vector<160x160xf32>
    %min3A_154 = arith.minimumf %reduce_min3A_144, %reduce_min3A_153 : vector<160x160xf32>
    %slice3A_155 = vector.extract_strided_slice %add3A_130 {offsets = [32, 0], sizes = [16, 160], strides = [1, 1]} : vector<64x160xf32> to vector<16x160xf32>
    %slice3A_156 = vector.extract_strided_slice %mul3A_137 {offsets = [32, 0], sizes = [16, 160], strides = [1, 1]} : vector<64x160xf32> to vector<16x160xf32>
    %broadcast_in_dim3A_157 = vector.shape_cast %slice3A_155 : vector<16x160xf32> to vector<16x1x160xf32>
    %broadcast_in_dim3A_158 = vector.shape_cast %slice3A_156 : vector<16x160xf32> to vector<16x160x1xf32>
    %add3A_159 = vector.broadcast %broadcast_in_dim3A_157 : vector<16x1x160xf32> to vector<16x160x160xf32>
    %add3A_160 = vector.broadcast %broadcast_in_dim3A_158 : vector<16x160x1xf32> to vector<16x160x160xf32>
    %add3A_161 = arith.addf %add3A_159, %add3A_160 : vector<16x160x160xf32>
    %reduce_min3A_162 = arith.constant dense<0x7F800000> : vector<160x160xf32>
    %reduce_min3A_163 = vector.multi_reduction <minimumf>, %add3A_161, %reduce_min3A_162 [0] : vector<16x160x160xf32> to vector<160x160xf32>
    %min3A_164 = arith.minimumf %min3A_154, %reduce_min3A_163 : vector<160x160xf32>
    %slice3A_165 = vector.extract_strided_slice %add3A_130 {offsets = [48, 0], sizes = [16, 160], strides = [1, 1]} : vector<64x160xf32> to vector<16x160xf32>
    %slice3A_166 = vector.extract_strided_slice %mul3A_137 {offsets = [48, 0], sizes = [16, 160], strides = [1, 1]} : vector<64x160xf32> to vector<16x160xf32>
    %broadcast_in_dim3A_167 = vector.shape_cast %slice3A_165 : vector<16x160xf32> to vector<16x1x160xf32>
    %broadcast_in_dim3A_168 = vector.shape_cast %slice3A_166 : vector<16x160xf32> to vector<16x160x1xf32>
    %add3A_169 = vector.broadcast %broadcast_in_dim3A_167 : vector<16x1x160xf32> to vector<16x160x160xf32>
    %add3A_170 = vector.broadcast %broadcast_in_dim3A_168 : vector<16x160x1xf32> to vector<16x160x160xf32>
    %add3A_171 = arith.addf %add3A_169, %add3A_170 : vector<16x160x160xf32>
    %reduce_min3A_172 = arith.constant dense<0x7F800000> : vector<160x160xf32>
    %reduce_min3A_173 = vector.multi_reduction <minimumf>, %add3A_171, %reduce_min3A_172 [0] : vector<16x160x160xf32> to vector<160x160xf32>
    %min3A_174 = arith.minimumf %min3A_164, %reduce_min3A_173 : vector<160x160xf32>
    %neg3A = arith.constant 0.000000e+00 : f32
    %neg3A_175 = vector.broadcast %neg3A : f32 to vector<160x160xf32>
    %neg3A_176 = arith.subf %neg3A_175, %min3A_174 : vector<160x160xf32>
    %exp3A = math.exp %neg3A_176 : vector<160x160xf32>
    %get3A_177 = arith.constant 0 : index
    %get3A_178 = arith.constant 0 : index
    %get3A_179 = arith.constant 0 : index
    %get3A_180 = arith.constant 0 : index
    %get3A_181 = vector.load %arg3[%get3A_177, %get3A_178, %get3A_179, %get3A_180] : memref<1x1x160x160xf32, #tpu.memory_space<vmem>>, vector<1x1x160x160xf32>
    %get3A_182 = vector.shape_cast %get3A_181 : vector<1x1x160x160xf32> to vector<160x160xf32>
    %jit3A_183 = arith.constant 1.000000e-07 : f32
    %jit3A_184 = arith.constant 0.99999988 : f32
    %max3A_185 = vector.broadcast %jit3A_183 : f32 to vector<160x160xf32>
    %max3A_186 = arith.maximumf %max3A_185, %get3A_182 : vector<160x160xf32>
    %min3A_187 = vector.broadcast %jit3A_184 : f32 to vector<160x160xf32>
    %min3A_188 = arith.minimumf %min3A_187, %max3A_186 : vector<160x160xf32>
    %gt3A_189 = arith.constant 5.000000e-01 : f32
    %gt3A_190 = vector.broadcast %gt3A_189 : f32 to vector<160x160xf32>
    %gt3A_191 = arith.cmpf ogt, %exp3A, %gt3A_190 : vector<160x160xf32>
    %sub3A_192 = arith.constant 1.000000e+00 : f32
    %sub3A_193 = vector.broadcast %sub3A_192 : f32 to vector<160x160xf32>
    %sub3A_194 = arith.subf %sub3A_193, %min3A_188 : vector<160x160xf32>
    %mul3A_195 = arith.constant -2.500000e-01 : f32
    %mul3A_196 = vector.broadcast %mul3A_195 : f32 to vector<160x160xf32>
    %mul3A_197 = arith.mulf %mul3A_196, %sub3A_194 : vector<160x160xf32>
    %sub3A_198 = arith.constant 1.000000e+00 : f32
    %sub3A_199 = vector.broadcast %sub3A_198 : f32 to vector<160x160xf32>
    %sub3A_200 = arith.subf %sub3A_199, %min3A_188 : vector<160x160xf32>
    %mul3A_201 = arith.mulf %mul3A_197, %sub3A_200 : vector<160x160xf32>
    %log3A = math.log %min3A_188 : vector<160x160xf32>
    %mul3A_202 = arith.mulf %mul3A_201, %log3A : vector<160x160xf32>
    %mul3A_203 = arith.mulf %mul3A_202, %exp3A : vector<160x160xf32>
    %mul3A_204 = arith.constant -7.500000e-01 : f32
    %mul3A_205 = vector.broadcast %mul3A_204 : f32 to vector<160x160xf32>
    %mul3A_206 = arith.mulf %mul3A_205, %min3A_188 : vector<160x160xf32>
    %mul3A_207 = arith.mulf %mul3A_206, %min3A_188 : vector<160x160xf32>
    %sub3A_208 = arith.constant 1.000000e+00 : f32
    %sub3A_209 = vector.broadcast %sub3A_208 : f32 to vector<160x160xf32>
    %sub3A_210 = arith.subf %sub3A_209, %min3A_188 : vector<160x160xf32>
    %log3A_211 = math.log %sub3A_210 : vector<160x160xf32>
    %mul3A_212 = arith.mulf %mul3A_207, %log3A_211 : vector<160x160xf32>
    %sub3A_213 = arith.constant 1.000000e+00 : f32
    %sub3A_214 = vector.broadcast %sub3A_213 : f32 to vector<160x160xf32>
    %sub3A_215 = arith.subf %sub3A_214, %exp3A : vector<160x160xf32>
    %mul3A_216 = arith.mulf %mul3A_212, %sub3A_215 : vector<160x160xf32>
    %select_n3A_217 = arith.select %gt3A_191, %mul3A_203, %mul3A_216 : vector<160x160xi1>, vector<160x160xf32>
    %reduce_sum3A_218 = vector.shape_cast %select_n3A_217 : vector<160x160xf32> to vector<1x160x160xf32>
    %reduce_sum3A_219 = arith.constant dense<0.000000e+00> : vector<1xf32>
    %reduce_sum3A_220 = vector.multi_reduction <add>, %reduce_sum3A_218, %reduce_sum3A_219 [1, 2] : vector<1x160x160xf32> to vector<1xf32>
    %reduce_sum3A_221 = vector.shape_cast %reduce_sum3A_220 : vector<1xf32> to vector<1x1x1xf32>
    %reduce_sum3A_222 = vector.extract %reduce_sum3A_221[0, 0, 0] : f32 from vector<1x1x1xf32>
    %convert_element_type3A_223 = arith.extui %gt3A_191 : vector<160x160xi1> to vector<160x160xi32>
    %convert_element_type3A_224 = arith.sitofp %convert_element_type3A_223 : vector<160x160xi32> to vector<160x160xf32>
    %reduce_sum3A_225 = vector.shape_cast %convert_element_type3A_224 : vector<160x160xf32> to vector<1x160x160xf32>
    %reduce_sum3A_226 = arith.constant dense<0.000000e+00> : vector<1xf32>
    %reduce_sum3A_227 = vector.multi_reduction <add>, %reduce_sum3A_225, %reduce_sum3A_226 [1, 2] : vector<1x160x160xf32> to vector<1xf32>
    %reduce_sum3A_228 = vector.shape_cast %reduce_sum3A_227 : vector<1xf32> to vector<1x1x1xf32>
    %reduce_sum3A_229 = vector.extract %reduce_sum3A_228[0, 0, 0] : f32 from vector<1x1x1xf32>
    %add3A_230 = arith.addf %broadcast_in_dim3A_6, %broadcast_in_dim3A_30 : vector<1x64xf32>
    %mul3A_231 = arith.constant 5.000000e-01 : f32
    %mul3A_232 = vector.broadcast %mul3A_231 : f32 to vector<1x64xf32>
    %mul3A_233 = arith.mulf %add3A_230, %mul3A_232 : vector<1x64xf32>
    %add3A_234 = arith.addf %broadcast_in_dim3A_18, %broadcast_in_dim3A_42 : vector<1x64xf32>
    %mul3A_235 = arith.constant 5.000000e-01 : f32
    %mul3A_236 = vector.broadcast %mul3A_235 : f32 to vector<1x64xf32>
    %mul3A_237 = arith.mulf %add3A_234, %mul3A_236 : vector<1x64xf32>
    %sub3A_238 = arith.subf %broadcast_in_dim3A_30, %broadcast_in_dim3A_6 : vector<1x64xf32>
    %sub3A_239 = arith.subf %broadcast_in_dim3A_42, %broadcast_in_dim3A_18 : vector<1x64xf32>
    %add3A_240 = arith.addf %broadcast_in_dim3A_6, %broadcast_in_dim3A_18 : vector<1x64xf32>
    %add3A_241 = arith.addf %add3A_240, %broadcast_in_dim3A_30 : vector<1x64xf32>
    %add3A_242 = arith.addf %add3A_241, %broadcast_in_dim3A_42 : vector<1x64xf32>
    %ge3A_243 = arith.constant 0 : i32
    %ge3A_244 = vector.broadcast %ge3A_243 : i32 to vector<1x64xi32>
    %ge3A_245 = arith.cmpi sge, %broadcast_in_dim3A_51, %ge3A_244 : vector<1x64xi32>
    %gt3A_246 = arith.constant 0.000000e+00 : f32
    %gt3A_247 = vector.broadcast %gt3A_246 : f32 to vector<1x64xf32>
    %gt3A_248 = arith.cmpf ogt, %add3A_242, %gt3A_247 : vector<1x64xf32>
    %and3A_249 = arith.andi %ge3A_245, %gt3A_248 : vector<1x64xi1>
    %gt3A_250 = arith.constant 0.000000e+00 : f32
    %gt3A_251 = vector.broadcast %gt3A_250 : f32 to vector<1x64xf32>
    %gt3A_252 = arith.cmpf ogt, %sub3A_238, %gt3A_251 : vector<1x64xf32>
    %and3A_253 = arith.andi %and3A_249, %gt3A_252 : vector<1x64xi1>
    %gt3A_254 = arith.constant 0.000000e+00 : f32
    %gt3A_255 = vector.broadcast %gt3A_254 : f32 to vector<1x64xf32>
    %gt3A_256 = arith.cmpf ogt, %sub3A_239, %gt3A_255 : vector<1x64xf32>
    %and3A_257 = arith.andi %and3A_253, %gt3A_256 : vector<1x64xi1>
    %mul3A_258 = arith.constant 2.500000e-01 : f32
    %mul3A_259 = vector.broadcast %mul3A_258 : f32 to vector<1x64xf32>
    %mul3A_260 = arith.mulf %mul3A_233, %mul3A_259 : vector<1x64xf32>
    %convert_element_type3A_261 = arith.fptosi %mul3A_260 : vector<1x64xf32> to vector<1x64xi32>
    %jit3A_262 = arith.constant 0 : i32
    %jit3A_263 = arith.constant 159 : i32
    %max3A_264 = vector.broadcast %jit3A_262 : i32 to vector<1x64xi32>
    %max3A_265 = arith.maxsi %max3A_264, %convert_element_type3A_261 : vector<1x64xi32>
    %min3A_266 = vector.broadcast %jit3A_263 : i32 to vector<1x64xi32>
    %min3A_267 = arith.minsi %min3A_266, %max3A_265 : vector<1x64xi32>
    %mul3A_268 = arith.constant 2.500000e-01 : f32
    %mul3A_269 = vector.broadcast %mul3A_268 : f32 to vector<1x64xf32>
    %mul3A_270 = arith.mulf %mul3A_237, %mul3A_269 : vector<1x64xf32>
    %convert_element_type3A_271 = arith.fptosi %mul3A_270 : vector<1x64xf32> to vector<1x64xi32>
    %jit3A_272 = arith.constant 0 : i32
    %jit3A_273 = arith.constant 159 : i32
    %max3A_274 = vector.broadcast %jit3A_272 : i32 to vector<1x64xi32>
    %max3A_275 = arith.maxsi %max3A_274, %convert_element_type3A_271 : vector<1x64xi32>
    %min3A_276 = vector.broadcast %jit3A_273 : i32 to vector<1x64xi32>
    %min3A_277 = arith.minsi %min3A_276, %max3A_275 : vector<1x64xi32>
    %mul3A_278 = arith.constant 160 : i32
    %mul3A_279 = vector.broadcast %mul3A_278 : i32 to vector<1x64xi32>
    %mul3A_280 = arith.muli %min3A_277, %mul3A_279 : vector<1x64xi32>
    %add3A_281 = arith.addi %mul3A_280, %min3A_267 : vector<1x64xi32>
    %mul3A_282 = arith.constant 160 : i32
    %mul3A_283 = vector.broadcast %mul3A_282 : i32 to vector<64x1xi32>
    %mul3A_284 = arith.muli %min3A_95, %mul3A_283 : vector<64x1xi32>
    %add3A_285 = arith.addi %mul3A_284, %min3A_85 : vector<64x1xi32>
    %eq3A_286 = vector.broadcast %add3A_285 : vector<64x1xi32> to vector<64x64xi32>
    %eq3A_287 = vector.broadcast %add3A_281 : vector<1x64xi32> to vector<64x64xi32>
    %eq3A_288 = arith.cmpi eq, %eq3A_286, %eq3A_287 : vector<64x64xi32>
    %eq3A_289 = vector.broadcast %reshape3A_55 : vector<64x1xi32> to vector<64x64xi32>
    %eq3A_290 = vector.broadcast %broadcast_in_dim3A_51 : vector<1x64xi32> to vector<64x64xi32>
    %eq3A_291 = arith.cmpi eq, %eq3A_289, %eq3A_290 : vector<64x64xi32>
    %iota3A_292 = tpu.iota {dimensions = array<i32: 0>} : vector<64x64xi32>
    %iota3A_293 = tpu.iota {dimensions = array<i32: 1>} : vector<64x64xi32>
    %and3A_294 = vector.broadcast %and3A_77 : vector<64x1xi1> to vector<64x64xi1>
    %and3A_295 = arith.andi %eq3A_288, %and3A_294 : vector<64x64xi1>
    %gt3A_296 = arith.cmpi sgt, %iota3A_292, %iota3A_293 : vector<64x64xi32>
    %and3A_297 = arith.andi %and3A_295, %gt3A_296 : vector<64x64xi1>
    %reduce_or3A = arith.constant 1.000000e+00 : f32
    %reduce_or3A_298 = arith.constant 0.000000e+00 : f32
    %reduce_or3A_299 = vector.broadcast %reduce_or3A : f32 to vector<64x64xf32>
    %reduce_or3A_300 = vector.broadcast %reduce_or3A_298 : f32 to vector<64x64xf32>
    %reduce_or3A_301 = arith.select %and3A_297, %reduce_or3A_299, %reduce_or3A_300 : vector<64x64xi1>, vector<64x64xf32>
    %reduce_or3A_302 = arith.constant dense<0xFF800000> : vector<64xf32>
    %reduce_or3A_303 = vector.multi_reduction <maximumf>, %reduce_or3A_301, %reduce_or3A_302 [0] : vector<64x64xf32> to vector<64xf32>
    %reduce_or3A_304 = arith.constant 0.000000e+00 : f32
    %reduce_or3A_305 = vector.broadcast %reduce_or3A_304 : f32 to vector<64xf32>
    %reduce_or3A_306 = arith.cmpf ogt, %reduce_or3A_303, %reduce_or3A_305 : vector<64xf32>
    %broadcast_in_dim3A_307 = vector.shape_cast %reduce_or3A_306 : vector<64xi1> to vector<1x64xi1>
    %and3A_308 = arith.andi %eq3A_288, %eq3A_291 : vector<64x64xi1>
    %and3A_309 = vector.broadcast %and3A_77 : vector<64x1xi1> to vector<64x64xi1>
    %and3A_310 = arith.andi %and3A_308, %and3A_309 : vector<64x64xi1>
    %lt3A = arith.cmpi slt, %iota3A_292, %iota3A_293 : vector<64x64xi32>
    %and3A_311 = arith.andi %and3A_310, %lt3A : vector<64x64xi1>
    %reduce_or3A_312 = arith.constant 1.000000e+00 : f32
    %reduce_or3A_313 = arith.constant 0.000000e+00 : f32
    %reduce_or3A_314 = vector.broadcast %reduce_or3A_312 : f32 to vector<64x64xf32>
    %reduce_or3A_315 = vector.broadcast %reduce_or3A_313 : f32 to vector<64x64xf32>
    %reduce_or3A_316 = arith.select %and3A_311, %reduce_or3A_314, %reduce_or3A_315 : vector<64x64xi1>, vector<64x64xf32>
    %reduce_or3A_317 = arith.constant dense<0xFF800000> : vector<64xf32>
    %reduce_or3A_318 = vector.multi_reduction <maximumf>, %reduce_or3A_316, %reduce_or3A_317 [0] : vector<64x64xf32> to vector<64xf32>
    %reduce_or3A_319 = arith.constant 0.000000e+00 : f32
    %reduce_or3A_320 = vector.broadcast %reduce_or3A_319 : f32 to vector<64xf32>
    %reduce_or3A_321 = arith.cmpf ogt, %reduce_or3A_318, %reduce_or3A_320 : vector<64xf32>
    %broadcast_in_dim3A_322 = vector.shape_cast %reduce_or3A_321 : vector<64xi1> to vector<1x64xi1>
    %not3A = arith.constant dense<true> : vector<1x64xi1>
    %not3A_323 = arith.xori %broadcast_in_dim3A_307, %not3A : vector<1x64xi1>
    %and3A_324 = arith.andi %and3A_257, %not3A_323 : vector<1x64xi1>
    %jit3A_325 = arith.constant 1.000000e+00 : f32
    %jit3A_326 = arith.constant 0.000000e+00 : f32
    %broadcast_in_dim3A_327 = vector.broadcast %jit3A_325 : f32 to vector<1x64xf32>
    %broadcast_in_dim3A_328 = vector.broadcast %jit3A_326 : f32 to vector<1x64xf32>
    %select_n3A_329 = arith.select %and3A_324, %broadcast_in_dim3A_327, %broadcast_in_dim3A_328 : vector<1x64xi1>, vector<1x64xf32>
    %not3A_330 = arith.constant dense<true> : vector<1x64xi1>
    %not3A_331 = arith.xori %broadcast_in_dim3A_322, %not3A_330 : vector<1x64xi1>
    %and3A_332 = arith.andi %and3A_257, %not3A_331 : vector<1x64xi1>
    %jit3A_333 = arith.constant 1.000000e+00 : f32
    %jit3A_334 = arith.constant 0.000000e+00 : f32
    %broadcast_in_dim3A_335 = vector.broadcast %jit3A_333 : f32 to vector<1x64xf32>
    %broadcast_in_dim3A_336 = vector.broadcast %jit3A_334 : f32 to vector<1x64xf32>
    %select_n3A_337 = arith.select %and3A_332, %broadcast_in_dim3A_335, %broadcast_in_dim3A_336 : vector<1x64xi1>, vector<1x64xf32>
    %iota3A_338 = tpu.iota {dimensions = array<i32: 0>} : vector<160x64xi32>
    %eq3A_339 = vector.broadcast %min3A_267 : vector<1x64xi32> to vector<160x64xi32>
    %eq3A_340 = arith.cmpi eq, %iota3A_338, %eq3A_339 : vector<160x64xi32>
    %convert_element_type3A_341 = arith.extui %eq3A_340 : vector<160x64xi1> to vector<160x64xi32>
    %convert_element_type3A_342 = arith.sitofp %convert_element_type3A_341 : vector<160x64xi32> to vector<160x64xf32>
    %iota3A_343 = tpu.iota {dimensions = array<i32: 0>} : vector<160x64xi32>
    %eq3A_344 = vector.broadcast %min3A_277 : vector<1x64xi32> to vector<160x64xi32>
    %eq3A_345 = arith.cmpi eq, %iota3A_343, %eq3A_344 : vector<160x64xi32>
    %convert_element_type3A_346 = arith.extui %eq3A_345 : vector<160x64xi1> to vector<160x64xi32>
    %convert_element_type3A_347 = arith.sitofp %convert_element_type3A_346 : vector<160x64xi32> to vector<160x64xf32>
    %get3A_348 = arith.constant 0 : index
    %get3A_349 = arith.constant 0 : index
    %get3A_350 = arith.constant 0 : index
    %get3A_351 = vector.load %arg4[%get3A_348, %get3A_349, %get3A_350] : memref<1x6880x160xf32, #tpu.memory_space<vmem>>, vector<1x6880x160xf32>
    %get3A_352 = vector.shape_cast %get3A_351 : vector<1x6880x160xf32> to vector<6880x160xf32>
    %dot_general3A = arith.constant dense<0.000000e+00> : vector<6880x64xf32>
    %dot_general3A_353 = tpu.matmul %get3A_352, %convert_element_type3A_342, %dot_general3A {dimension_numbers = #tpu.dot_dimension_numbers<[1], [0], [0], [1], [0, 0, 1, 1], [], []>, transpose_lhs_hint = false} : vector<6880x160xf32>, vector<160x64xf32>, vector<6880x64xf32> -> vector<6880x64xf32>
    %reshape3A_354 = vector.shape_cast %dot_general3A_353 : vector<6880x64xf32> to vector<43x160x64xf32>
    %broadcast_in_dim3A_355 = vector.shape_cast %convert_element_type3A_347 : vector<160x64xf32> to vector<1x160x64xf32>
    %mul3A_356 = vector.broadcast %broadcast_in_dim3A_355 : vector<1x160x64xf32> to vector<43x160x64xf32>
    %mul3A_357 = arith.mulf %reshape3A_354, %mul3A_356 : vector<43x160x64xf32>
    %reduce_sum3A_358 = arith.constant dense<0.000000e+00> : vector<43x64xf32>
    %reduce_sum3A_359 = vector.multi_reduction <add>, %mul3A_357, %reduce_sum3A_358 [1] : vector<43x160x64xf32> to vector<43x64xf32>
    %neg3A_360 = arith.constant 0.000000e+00 : f32
    %neg3A_361 = vector.broadcast %neg3A_360 : f32 to vector<43x64xf32>
    %neg3A_362 = arith.subf %neg3A_361, %reduce_sum3A_359 : vector<43x64xf32>
    %exp3A_363 = math.exp %neg3A_362 : vector<43x64xf32>
    %add3A_364 = arith.constant 1.000000e+00 : f32
    %add3A_365 = vector.broadcast %add3A_364 : f32 to vector<43x64xf32>
    %add3A_366 = arith.addf %add3A_365, %exp3A_363 : vector<43x64xf32>
    %div3A_367 = arith.constant 1.000000e+00 : f32
    %div3A_368 = vector.broadcast %div3A_367 : f32 to vector<43x64xf32>
    %div3A_369 = arith.divf %div3A_368, %add3A_366 : vector<43x64xf32>
    %jit3A_370 = arith.constant 1.000000e-07 : f32
    %jit3A_371 = arith.constant 0.99999988 : f32
    %max3A_372 = vector.broadcast %jit3A_370 : f32 to vector<43x64xf32>
    %max3A_373 = arith.maximumf %max3A_372, %div3A_369 : vector<43x64xf32>
    %min3A_374 = vector.broadcast %jit3A_371 : f32 to vector<43x64xf32>
    %min3A_375 = arith.minimumf %min3A_374, %max3A_373 : vector<43x64xf32>
    %mul3A_376 = arith.constant -7.500000e-01 : f32
    %mul3A_377 = vector.broadcast %mul3A_376 : f32 to vector<43x64xf32>
    %mul3A_378 = arith.mulf %mul3A_377, %min3A_375 : vector<43x64xf32>
    %mul3A_379 = arith.mulf %mul3A_378, %min3A_375 : vector<43x64xf32>
    %sub3A_380 = arith.constant 1.000000e+00 : f32
    %sub3A_381 = vector.broadcast %sub3A_380 : f32 to vector<43x64xf32>
    %sub3A_382 = arith.subf %sub3A_381, %min3A_375 : vector<43x64xf32>
    %log3A_383 = math.log %sub3A_382 : vector<43x64xf32>
    %mul3A_384 = arith.mulf %mul3A_379, %log3A_383 : vector<43x64xf32>
    %mul3A_385 = vector.broadcast %select_n3A_329 : vector<1x64xf32> to vector<43x64xf32>
    %mul3A_386 = arith.mulf %mul3A_385, %mul3A_384 : vector<43x64xf32>
    %reduce_sum3A_387 = vector.shape_cast %mul3A_386 : vector<43x64xf32> to vector<1x43x64xf32>
    %reduce_sum3A_388 = arith.constant dense<0.000000e+00> : vector<1xf32>
    %reduce_sum3A_389 = vector.multi_reduction <add>, %reduce_sum3A_387, %reduce_sum3A_388 [1, 2] : vector<1x43x64xf32> to vector<1xf32>
    %reduce_sum3A_390 = vector.shape_cast %reduce_sum3A_389 : vector<1xf32> to vector<1x1x1xf32>
    %reduce_sum3A_391 = vector.extract %reduce_sum3A_390[0, 0, 0] : f32 from vector<1x1x1xf32>
    %iota3A_392 = tpu.iota {dimensions = array<i32: 0>} : vector<43x64xi32>
    %eq3A_393 = vector.broadcast %broadcast_in_dim3A_51 : vector<1x64xi32> to vector<43x64xi32>
    %eq3A_394 = arith.cmpi eq, %iota3A_392, %eq3A_393 : vector<43x64xi32>
    %convert_element_type3A_395 = arith.extui %eq3A_394 : vector<43x64xi1> to vector<43x64xi32>
    %convert_element_type3A_396 = arith.sitofp %convert_element_type3A_395 : vector<43x64xi32> to vector<43x64xf32>
    %mul3A_397 = arith.mulf %reduce_sum3A_359, %convert_element_type3A_396 : vector<43x64xf32>
    %reduce_sum3A_398 = arith.constant dense<0.000000e+00> : vector<64xf32>
    %reduce_sum3A_399 = vector.multi_reduction <add>, %mul3A_397, %reduce_sum3A_398 [0] : vector<43x64xf32> to vector<64xf32>
    %broadcast_in_dim3A_400 = vector.shape_cast %reduce_sum3A_399 : vector<64xf32> to vector<1x64xf32>
    %neg3A_401 = arith.constant 0.000000e+00 : f32
    %neg3A_402 = vector.broadcast %neg3A_401 : f32 to vector<1x64xf32>
    %neg3A_403 = arith.subf %neg3A_402, %broadcast_in_dim3A_400 : vector<1x64xf32>
    %exp3A_404 = math.exp %neg3A_403 : vector<1x64xf32>
    %add3A_405 = arith.constant 1.000000e+00 : f32
    %add3A_406 = vector.broadcast %add3A_405 : f32 to vector<1x64xf32>
    %add3A_407 = arith.addf %add3A_406, %exp3A_404 : vector<1x64xf32>
    %div3A_408 = arith.constant 1.000000e+00 : f32
    %div3A_409 = vector.broadcast %div3A_408 : f32 to vector<1x64xf32>
    %div3A_410 = arith.divf %div3A_409, %add3A_407 : vector<1x64xf32>
    %jit3A_411 = arith.constant 1.000000e-07 : f32
    %jit3A_412 = arith.constant 0.99999988 : f32
    %max3A_413 = vector.broadcast %jit3A_411 : f32 to vector<1x64xf32>
    %max3A_414 = arith.maximumf %max3A_413, %div3A_410 : vector<1x64xf32>
    %min3A_415 = vector.broadcast %jit3A_412 : f32 to vector<1x64xf32>
    %min3A_416 = arith.minimumf %min3A_415, %max3A_414 : vector<1x64xf32>
    %sub3A_417 = arith.constant 1.000000e+00 : f32
    %sub3A_418 = vector.broadcast %sub3A_417 : f32 to vector<1x64xf32>
    %sub3A_419 = arith.subf %sub3A_418, %min3A_416 : vector<1x64xf32>
    %mul3A_420 = arith.constant -2.500000e-01 : f32
    %mul3A_421 = vector.broadcast %mul3A_420 : f32 to vector<1x64xf32>
    %mul3A_422 = arith.mulf %mul3A_421, %sub3A_419 : vector<1x64xf32>
    %sub3A_423 = arith.constant 1.000000e+00 : f32
    %sub3A_424 = vector.broadcast %sub3A_423 : f32 to vector<1x64xf32>
    %sub3A_425 = arith.subf %sub3A_424, %min3A_416 : vector<1x64xf32>
    %mul3A_426 = arith.mulf %mul3A_422, %sub3A_425 : vector<1x64xf32>
    %log3A_427 = math.log %min3A_416 : vector<1x64xf32>
    %mul3A_428 = arith.mulf %mul3A_426, %log3A_427 : vector<1x64xf32>
    %mul3A_429 = arith.constant -7.500000e-01 : f32
    %mul3A_430 = vector.broadcast %mul3A_429 : f32 to vector<1x64xf32>
    %mul3A_431 = arith.mulf %mul3A_430, %min3A_416 : vector<1x64xf32>
    %mul3A_432 = arith.mulf %mul3A_431, %min3A_416 : vector<1x64xf32>
    %sub3A_433 = arith.constant 1.000000e+00 : f32
    %sub3A_434 = vector.broadcast %sub3A_433 : f32 to vector<1x64xf32>
    %sub3A_435 = arith.subf %sub3A_434, %min3A_416 : vector<1x64xf32>
    %log3A_436 = math.log %sub3A_435 : vector<1x64xf32>
    %mul3A_437 = arith.mulf %mul3A_432, %log3A_436 : vector<1x64xf32>
    %sub3A_438 = arith.subf %mul3A_428, %mul3A_437 : vector<1x64xf32>
    %mul3A_439 = arith.mulf %select_n3A_337, %sub3A_438 : vector<1x64xf32>
    %reduce_sum3A_440 = vector.shape_cast %mul3A_439 : vector<1x64xf32> to vector<1x1x64xf32>
    %reduce_sum3A_441 = arith.constant dense<0.000000e+00> : vector<1xf32>
    %reduce_sum3A_442 = vector.multi_reduction <add>, %reduce_sum3A_440, %reduce_sum3A_441 [1, 2] : vector<1x1x64xf32> to vector<1xf32>
    %reduce_sum3A_443 = vector.shape_cast %reduce_sum3A_442 : vector<1xf32> to vector<1x1x1xf32>
    %reduce_sum3A_444 = vector.extract %reduce_sum3A_443[0, 0, 0] : f32 from vector<1x1x1xf32>
    %add3A_445 = arith.addf %reduce_sum3A_391, %reduce_sum3A_444 : f32
    %reduce_sum3A_446 = vector.shape_cast %select_n3A_337 : vector<1x64xf32> to vector<1x1x64xf32>
    %reduce_sum3A_447 = arith.constant dense<0.000000e+00> : vector<1xf32>
    %reduce_sum3A_448 = vector.multi_reduction <add>, %reduce_sum3A_446, %reduce_sum3A_447 [1, 2] : vector<1x1x64xf32> to vector<1xf32>
    %reduce_sum3A_449 = vector.shape_cast %reduce_sum3A_448 : vector<1xf32> to vector<1x1x1xf32>
    %reduce_sum3A_450 = vector.extract %reduce_sum3A_449[0, 0, 0] : f32 from vector<1x1x1xf32>
    %eq3A_451 = arith.constant 0 : i32
    %eq3A_452 = arith.cmpi eq, %arg0, %eq3A_451 : i32
    %convert_element_type3A_453 = arith.extui %eq3A_452 : i1 to i32
    %cond3A = arith.constant 0 : i32
    %cond3A_454 = arith.cmpi ne, %convert_element_type3A_453, %cond3A : i32
    scf.if %cond3A_454 {
      %swap3A = arith.constant 0 : index
      %swap3A_460 = arith.constant 0 : index
      %swap3A_461 = memref.load %arg5[%swap3A, %swap3A_460] : memref<1x4xf32, #tpu.memory_space<smem>>
      memref.store %reduce_sum3A_222, %arg5[%swap3A, %swap3A_460] : memref<1x4xf32, #tpu.memory_space<smem>>
      %swap3A_462 = arith.constant 0 : index
      %swap3A_463 = arith.constant 1 : index
      %swap3A_464 = memref.load %arg5[%swap3A_462, %swap3A_463] : memref<1x4xf32, #tpu.memory_space<smem>>
      memref.store %reduce_sum3A_229, %arg5[%swap3A_462, %swap3A_463] : memref<1x4xf32, #tpu.memory_space<smem>>
      %swap3A_465 = arith.constant 0 : index
      %swap3A_466 = arith.constant 2 : index
      %swap3A_467 = memref.load %arg5[%swap3A_465, %swap3A_466] : memref<1x4xf32, #tpu.memory_space<smem>>
      memref.store %add3A_445, %arg5[%swap3A_465, %swap3A_466] : memref<1x4xf32, #tpu.memory_space<smem>>
      %swap3A_468 = arith.constant 0 : index
      %swap3A_469 = arith.constant 3 : index
      %swap3A_470 = memref.load %arg5[%swap3A_468, %swap3A_469] : memref<1x4xf32, #tpu.memory_space<smem>>
      memref.store %reduce_sum3A_450, %arg5[%swap3A_468, %swap3A_469] : memref<1x4xf32, #tpu.memory_space<smem>>
    } else {
    }
    %gt3A_455 = arith.constant 0 : i32
    %gt3A_456 = arith.cmpi sgt, %arg0, %gt3A_455 : i32
    %convert_element_type3A_457 = arith.extui %gt3A_456 : i1 to i32
    %cond3A_458 = arith.constant 0 : i32
    %cond3A_459 = arith.cmpi ne, %convert_element_type3A_457, %cond3A_458 : i32
    scf.if %cond3A_459 {
      %get3A_460 = arith.constant 0 : index
      %get3A_461 = arith.constant 0 : index
      %get3A_462 = memref.load %arg5[%get3A_460, %get3A_461] : memref<1x4xf32, #tpu.memory_space<smem>>
      %add3A_463 = arith.addf %get3A_462, %reduce_sum3A_222 : f32
      %swap3A = arith.constant 0 : index
      %swap3A_464 = arith.constant 0 : index
      %swap3A_465 = memref.load %arg5[%swap3A, %swap3A_464] : memref<1x4xf32, #tpu.memory_space<smem>>
      memref.store %add3A_463, %arg5[%swap3A, %swap3A_464] : memref<1x4xf32, #tpu.memory_space<smem>>
      %get3A_466 = arith.constant 0 : index
      %get3A_467 = arith.constant 1 : index
      %get3A_468 = memref.load %arg5[%get3A_466, %get3A_467] : memref<1x4xf32, #tpu.memory_space<smem>>
      %add3A_469 = arith.addf %get3A_468, %reduce_sum3A_229 : f32
      %swap3A_470 = arith.constant 0 : index
      %swap3A_471 = arith.constant 1 : index
      %swap3A_472 = memref.load %arg5[%swap3A_470, %swap3A_471] : memref<1x4xf32, #tpu.memory_space<smem>>
      memref.store %add3A_469, %arg5[%swap3A_470, %swap3A_471] : memref<1x4xf32, #tpu.memory_space<smem>>
      %get3A_473 = arith.constant 0 : index
      %get3A_474 = arith.constant 2 : index
      %get3A_475 = memref.load %arg5[%get3A_473, %get3A_474] : memref<1x4xf32, #tpu.memory_space<smem>>
      %add3A_476 = arith.addf %get3A_475, %add3A_445 : f32
      %swap3A_477 = arith.constant 0 : index
      %swap3A_478 = arith.constant 2 : index
      %swap3A_479 = memref.load %arg5[%swap3A_477, %swap3A_478] : memref<1x4xf32, #tpu.memory_space<smem>>
      memref.store %add3A_476, %arg5[%swap3A_477, %swap3A_478] : memref<1x4xf32, #tpu.memory_space<smem>>
      %get3A_480 = arith.constant 0 : index
      %get3A_481 = arith.constant 3 : index
      %get3A_482 = memref.load %arg5[%get3A_480, %get3A_481] : memref<1x4xf32, #tpu.memory_space<smem>>
      %add3A_483 = arith.addf %get3A_482, %reduce_sum3A_450 : f32
      %swap3A_484 = arith.constant 0 : index
      %swap3A_485 = arith.constant 3 : index
      %swap3A_486 = memref.load %arg5[%swap3A_484, %swap3A_485] : memref<1x4xf32, #tpu.memory_space<smem>>
      memref.store %add3A_483, %arg5[%swap3A_484, %swap3A_485] : memref<1x4xf32, #tpu.memory_space<smem>>
    } else {
    }
    return
  }
  func.func @transform_0(%arg0: i32) -> (i32, i32, i32) {
    %c0_i32 = arith.constant 0 : i32
    %c0_i32_0 = arith.constant 0 : i32
    %c0_i32_1 = arith.constant 0 : i32
    %c0_i32_2 = arith.constant 0 : i32
    return %c0_i32, %c0_i32_0, %c0_i32_1 : i32, i32, i32
  }
  func.func @transform_1(%arg0: i32) -> (i32, i32) {
    %c0_i32 = arith.constant 0 : i32
    %c0_i32_0 = arith.constant 0 : i32
    %c0_i32_1 = arith.constant 0 : i32
    return %c0_i32, %c0_i32_0 : i32, i32
  }
  func.func @transform_2(%arg0: i32) -> (i32, i32, i32, i32) {
    %c0_i32 = arith.constant 0 : i32
    %c0_i32_0 = arith.constant 0 : i32
    %c0_i32_1 = arith.constant 0 : i32
    %c0_i32_2 = arith.constant 0 : i32
    return %arg0, %c0_i32, %c0_i32_0, %c0_i32_1 : i32, i32, i32, i32
  }
  func.func @transform_3(%arg0: i32) -> (i32, i32, i32) {
    %c0_i32 = arith.constant 0 : i32
    %c0_i32_0 = arith.constant 0 : i32
    %c0_i32_1 = arith.constant 0 : i32
    return %arg0, %c0_i32, %c0_i32_0 : i32, i32, i32
  }
  func.func @transform_4(%arg0: i32) -> (i32, i32) {
    %c0_i32 = arith.constant 0 : i32
    %c0_i32_0 = arith.constant 0 : i32
    %c0_i32_1 = arith.constant 0 : i32
    return %c0_i32, %c0_i32_0 : i32, i32
  }
}

</mosaic_0001>

<sc_bundles>
// kernel: kernel.4.cloned.1.call-start
scs
__scs_entry_jumppad:
0x0: {  	(pc) =	sbr.rel $0x88, $3  }
0x1: {  	(tag) =	ssettag $0x0;
	lr =	simm.s32 $0x1  }
0x2: {  	[smem:$0x3F9C] =	sst lr;
	_ =	strace $0xD0000000  }
0x3: {  	_ = 	snop  }
0x4: {  	_ = 	snop  }
0x5: {  	_ = 	snop  }
0x6: {  	_ = 	snop  }
0x7: {  	_ = 	snop  }
__scs_overlays_trampoline_lowered:
0x8: {  	[smem:$0x3FAB] =	sst s0  }
0x9: {  	[smem:$0x3FAC] =	sst s1  }
0xa: {  	[smem:$0x3FAD] =	sst s2  }
0xb: {  	[smem:$0x3FAE] =	sst s3  }
0xc: {  	[smem:$0x3FAF] =	sst s4  }
0xd: {  	[smem:$0x3FB0] =	sst s5  }
0xe: {  	[smem:$0x3FB1] =	sst s6  }
0xf: {  	[smem:$0x3FB2] =	sst s7  }
0x10: {  	[smem:$0x3FB3] =	sst s8  }
0x11: {  	[smem:$0x3FB4] =	sst s9;
	s0 =	simm.s32 @!p0 $0x0  }
0x12: {  	s1 =	sld [smem:$0x3F9A];
	s0 =	simm.s32 @p0 $0x1  }
0x13: {  	[smem:$0x3FB5] =	sst s0;
	s0 =	simm.s32 @!p1 $0x0  }
0x14: {  	s2 =	sld [smem:$0x3F99];
	s0 =	simm.s32 @p1 $0x1  }
0x15: {  	[smem:$0x3FB6] =	sst s0;
	s0 =	simm.s32 @!p2 $0x0  }
0x16: {  	s3 =	sld [smem:$0x3FDB];
	s0 =	simm.s32 @p2 $0x1  }
0x17: {  	s4 =	simm.s32 $0x1BF5;
	[smem:$0x3FB8] =	sst s0  }
0x18: {  	s0 =	sld [smem:$0x3F9B];
	_ =	swait.ge [sflag:s4], $0x0  }
0x19: {  	s7 =	sld [smem:$0x3F9C]  }
0x1a: {  	s8 =	sadd.s32 $0xFFFFE003, lr  }
0x1b: {  	s9 =	sadd.s32 $0xFFFFFEF7, lr;
	s5 =	simm.s32 $0xFFFFFFFF;
	p2 =	slt.u32 s8, $0xFFFFF086  }
0x1c: {  	p1 =	slt.u32 s9, $0xF7A;
	s5 =	simm.s32 @!p2 $0x0  }
0x1d: {  	s5 =	simm.s32 @p1 $0x1;
	p0 =	seq.s32 s7, s2  }
0x1e: {  	s7 =	smul.u32 @!p0 $0xF7A, s2;
	p2 =	seq.s32 @!p0 s5, $0x0  }
0x1f: {  	s9 =	smul.u32 $0xF7A, s1;
	s8 =	simm.s32 @!p0 $0x1BF5;
	p2 =	por !p2, p0  }
0x20: {  	[sflag:s8] =	ssyncset.s32 @!p0 $0xFFFFF086;
	s6 =	sadd.s32 @!p0 s3, s7;
	s7 =	simm.s32 @!p0 $0x108  }
0x21: {  	s3 =	sadd.s32 s3, s9;
	s6 =	sadd.s32 @!p0 $0x88, s6;
	s7 =	simm.s32 @p2 $0x1082  }
0x22: {  	[simem:s7], [sflag:s8] =	dma.local @!p0 [hbm:s6], $0xF7A  }
0x23: {  	s9 =	sor.u32 $0xD0000000, s2;
	s6 =	simm.s32 $0x108;
	_ =	swait.ge @!p0 [sflag:s8], $0x0  }
0x24: {  	s3 =	sadd.s32 $0x88, s3;
	s6 =	simm.s32 @!p1 $0x1082;
	[sflag:s4] =	ssyncset.s32 $0xFFFFF086  }
0x25: {  	[simem:s6], [sflag:s4] =	dma.local [hbm:s3], $0xF7A  }
0x26: {  	[smem:$0x3F9C] =	sst s1;
	(tag) =	ssettag s2;
	_ =	strace s9  }
0x27: {  	s1 =	sld [smem:$0x3FAC]  }
0x28: {  	s2 =	sld [smem:$0x3FAD]  }
0x29: {  	s4 =	sld [smem:$0x3FAF]  }
0x2a: {  	p0 =	seq.s32 s5, $0x0;
	s5 =	sld [smem:$0x3FB0]  }
0x2b: {  	s6 =	sld [smem:$0x3FB1]  }
0x2c: {  	s7 =	sld [smem:$0x3FB2]  }
0x2d: {  	s3 =	simm.s32 $0x108;
	s8 =	sld [smem:$0x3FB3]  }
0x2e: {  	s3 =	simm.s32 @!p0 $0x1082;
	s9 =	sld [smem:$0x3FB4]  }
0x2f: {  	lr =	sadd.s32 s0, s3;
	s0 =	sld [smem:$0x3FAB]  }
0x30: {  	s3 =	sld [smem:$0x3FAE]  }
0x31: {  	[smem:$0x3FB7] =	sst s10  }
0x32: {  	s10 =	sld [smem:$0x3FB5];
	_ =	sdelay $0x3  }
0x33: {  	p0 =	seq.s32 s10, $0x1;
	s10 =	sld [smem:$0x3FB7];
	_ =	sdelay $0x3  }
0x34: {  	[smem:$0x3FB7] =	sst s10  }
0x35: {  	s10 =	sld [smem:$0x3FB6];
	_ =	sdelay $0x3  }
0x36: {  	p1 =	seq.s32 s10, $0x1;
	s10 =	sld [smem:$0x3FB7];
	_ =	sdelay $0x3  }
0x37: {  	[smem:$0x3FB7] =	sst s10  }
0x38: {  	s10 =	sld [smem:$0x3FB8]  }
0x39: {  	_ = 	snop;
	(pc) =	sbr.ind lr, $3  }
0x3a: {  	_ = 	snop  }
0x3b: {  	_ = 	snop  }
0x3c: {  	p2 =	seq.s32 s10, $0x1;
	s10 =	sld [smem:$0x3FB7]  }
0x3d: {  	_ =	shalt  }
0x3e: {  	_ =	shalt  }
0x3f: {  	_ =	shalt  }
0x40: {  	_ =	shalt  }
0x41: {  	_ =	shalt  }
0x42: {  	_ =	shalt  }
0x43: {  	_ =	shalt  }
0x44: {  	_ =	shalt  }
0x45: {  	_ =	shalt  }
0x46: {  	_ =	shalt  }
0x47: {  	_ =	shalt  }
0x48: {  	_ =	shalt  }
0x49: {  	_ =	shalt  }
0x4a: {  	_ =	shalt  }
0x4b: {  	_ =	shalt  }
0x4c: {  	_ =	shalt  }
0x4d: {  	_ =	shalt  }
0x4e: {  	_ =	shalt  }
0x4f: {  	_ =	shalt  }
0x50: {  	_ =	shalt  }
0x51: {  	_ =	shalt  }
0x52: {  	_ =	shalt  }
0x53: {  	_ =	shalt  }
0x54: {  	_ =	shalt  }
0x55: {  	_ =	shalt  }
0x56: {  	_ =	shalt  }
0x57: {  	_ =	shalt  }
0x58: {  	_ =	shalt  }
0x59: {  	_ =	shalt  }
0x5a: {  	_ =	shalt  }
0x5b: {  	_ =	shalt  }
0x5c: {  	_ =	shalt  }
0x5d: {  	_ =	shalt  }
0x5e: {  	_ =	shalt  }
0x5f: {  	_ =	shalt  }
0x60: {  	_ =	shalt  }
0x61: {  	_ =	shalt  }
0x62: {  	_ =	shalt  }
0x63: {  	_ =	shalt  }
0x64: {  	_ =	shalt  }
0x65: {  	_ =	shalt  }
0x66: {  	_ =	shalt  }
0x67: {  	_ =	shalt  }
0x68: {  	_ =	shalt  }
0x69: {  	_ =	shalt  }
0x6a: {  	_ =	shalt  }
0x6b: {  	_ =	shalt  }
0x6c: {  	_ =	shalt  }
0x6d: {  	_ =	shalt  }
0x6e: {  	_ =	shalt  }
0x6f: {  	_ =	shalt  }
0x70: {  	_ =	shalt  }
0x71: {  	_ =	shalt  }
0x72: {  	_ =	shalt  }
0x73: {  	_ =	shalt  }
0x74: {  	_ =	shalt  }
0x75: {  	_ =	shalt  }
0x76: {  	_ =	shalt  }
0x77: {  	_ =	shalt  }
0x78: {  	_ =	shalt  }
0x79: {  	_ =	shalt  }
0x7a: {  	_ =	shalt  }
0x7b: {  	_ =	shalt  }
0x7c: {  	_ =	shalt  }
0x7d: {  	_ =	shalt  }
0x7e: {  	_ =	shalt  }
0x7f: {  	_ =	shalt  }
0x80: {  	_ =	shalt  }
0x81: {  	_ =	shalt  }
0x82: {  	_ =	shalt  }
0x83: {  	_ =	shalt  }
0x84: {  	_ =	shalt  }
0x85: {  	_ =	shalt  }
0x86: {  	_ =	shalt  }
0x87: {  	_ =	shalt  }
.Lfunc_end0:
.L_simem_size_0:
called_computation_lowered:
.L_overlay_start_0:
0x88: {  	s2 =	sld [smem:$0x3FD9]  }
0x89: {  	s3 =	sld [smem:$0x3FFE];
	_ =	sdelay $0x1  }
0x8a: {  	s1 =	srdreg.scid  }
0x8b: {  	s0 =	sand.u32 $0x1, s1  }
0x8c: {  	s16 =	sshll.u32 s0, $0xA;
	s2 =	sadd.s32 s3, s2  }
0x8d: {  	s2 =	sadd.s32 s2, s16  }
0x8e: {  	[smem:$0x3FC3] =	sst s2  }
0x8f: {  	_ = 	snop  }
0x90: {  	(tm) =	ssettm $0x1  }
0x91: {  	s17 =	sld [smem:$0x3FFB];
	_ =	sdelay $0x3  }
0x92: {  	_ =	strace s17  }
0x93: {  	s2 =	sld [smem:$0x3FFC];
	_ =	sdelay $0x3  }
0x94: {  	_ =	strace s2  }
0x95: {  	s2 =	sld [smem:$0x3FFD];
	_ =	sdelay $0x3  }
0x96: {  	_ =	strace s2  }
0x97: {  	_ =	strace $0x8FFFFFFF  }
0x98: {  	s18 =	sld [smem:$0x3FDB];
	_ =	sdelay $0x1  }
0x99: {  	s19 =	simm.s32 $_scs_section_size  }
0x9a: {  	s4 =	simm.s32 $_size__tile_overlayer_lowered;
	s5 =	simm.s32 $_tile_overlayer_lowered  }
0x9b: {  	s22 =	simm.s32 $0x1BFF;
	s21 =	sshll.u32 s5, $0x1;
	s2 =	sadd.s32 s19, s18  }
0x9c: {  	s6 =	simm.s32 $0x0;
	s20 =	sshll.u32 s4, $0x1;
	s4 =	sadd.s32 s21, s2  }
0x9d: {  	[timem:s6], [sflag:s22] =	dma.local [hbm:s4], s20  }
0x9e: {  	_ =	swait.ge [sflag:s22], s20  }
0x9f: {  	s3 =	ssub.s32 $0x0, s20;
	[sflag:s22] =	ssyncset.done $0x0  }
0xa0: {  	[sflag:s22] =	ssyncadd.s32 s3;
	_ =	sdelay $0x1  }
0xa1: {  	s23 =	simm.s32 $0x1B8B  }
0xa2: {  	_ =	swait.ge [sflag:s23], $0x1  }
0xa3: {  	[sflag:s23] =	ssyncset.done $0x0  }
0xa4: {  	s25 =	simm.s32 $0x1B8E;
	s24 =	sld [smem:$0x3FFE];
	[sflag:s23] =	ssyncadd.s32 $0xFFFFFFFF  }
0xa5: {  	s26 =	simm.s32 $execute0_lowered;
	[smem:$0x3FD2] =	sst s25  }
0xa6: {  	s4 =	sshll.u32 s26, $0x1;
	_ =	strace $0x80000046;
	[dreg:$0x1] =	wrdreg $0xFFFFFFFF  }
0xa7: {  	s28 =	simm.s32 $_size_execute0_lowered;
	s2 =	sadd.s32 s2, s4;
	[dreg:$0x0] =	wrdreg $0x0  }
0xa8: {  	s4 =	sshll.u32 s28, $0x1;
	[dreg:$0x2] =	wrdreg s2  }
0xa9: {  	[dreg:$0x3] =	wrdreg s4  }
0xaa: {  	[dreg:$0x4] =	wrdreg $0xC0  }
0xab: {  	_ =	task [dreg:s6], $0x5FFFF  }
0xac: {  	[dreg:$0x1] =	wrdreg $0xFFFFFFFF  }
0xad: {  	[dreg:$0x0] =	wrdreg $0x60  }
0xae: {  	[dreg:$0x2] =	wrdreg s24  }
0xaf: {  	[dreg:$0x3] =	wrdreg $0x9  }
0xb0: {  	_ =	task.clear_ibuf [dreg:s6], $0x4FFFF;
	_ =	strace $0x90000046  }
0xb1: {  	s29 =	simm.s32 $0x9;
	_ =	strace $0x80000048  }
0xb2: {  	_ =	swait.ge [sflag:s29], $0x1  }
0xb3: {  	[sflag:s29] =	ssyncadd.s32 $0xFFFFFFFF  }
0xb4: {  	_ =	strace $0x90000048  }
0xb5: {  	_ =	sfence  }
0xb6: {  	s30 =	sld [smem:$0x0];
	_ =	sdelay $0x2  }
0xb7: {  	s31 =	sshll.u32 s1, $0xD;
	s1 =	sshrl.u32 s1, $0x2  }
0xb8: {  	s3 =	sand.u32 $0x4000, s31;
	s1 =	sadd.s32 s1, s30  }
0xb9: {  	s0 =	sor.u32 s3, s0;
	s1 =	sshll.u32 s1, $0x11  }
0xba: {  	s0 =	sor.u32 s1, s0  }
0xbb: {  	s0 =	sadd.s32 $0x8F2B, s0  }
0xbc: {  	[sflag:s0] =	ssyncadd.remote.s32 $0x1  }
0xbd: {  	_ =	sfence.sel $0xFFFF  }
0xbe: {  	[dreg:$0x0] =	wrdreg $0xFFFFFFFF;
	(pc) =	sbr.abs _section_cstart, $3  }
0xbf: {  	[dreg:$0x1] =	wrdreg $0xFFFFFFFF  }
0xc0: {  	_ =	task.clear_ibuf [dreg:s6], $0x2FFFF;
	_ =	strace $0x9FFFFFFF  }
0xc1: {  	(tm) =	ssettm $0x7FFFFFFF  }
tec
execute0_lowered:
.L_overlay_start_1:
0x0: {  	(tag) =	ssettag $0x1  }
0x1: {  	s6 =	rddreg [dreg:$0x0]  }
0x2: {  	s0 =	rddreg [dreg:$0x1];
	s2 =	simm.s32 $0x0  }
0x3: {  	s3 =	srdreg.scid;
	s1 =	stileid.u32;
	s12 =	simm.s32 $0x2  }
0x4: {  	s13 =	simm.s32 $0x1000;
	s14 =	simm.s32 $0x40;
	s15 =	simm.s32 $0x1700  }
0x5: {  	s16 =	simm.s32 $0x1900;
	s17 =	simm.s32 $0x1780;
	s18 =	simm.s32 $0x1980  }
0x6: {  	s19 =	simm.s32 $0x1800;
	s20 =	simm.s32 $0x1A00;
	s21 =	simm.s32 $0x1880  }
0x7: {  	s23 =	simm.s32 $0x1400;
	s24 =	simm.s32 $0x1480;
	s25 =	simm.s32 $0x1  }
0x8: {  	s26 =	simm.s32 $0x1B00;
	s28 =	simm.s32 $0x0;
	[smem:$0x7FF] =	sst s2  }
0x9: {  	s7 =	sand.u32 $0x1, s3;
	s5 =	sshll.u32 s1, $0x1;
	s3 =	sadd.s32 $0x19600, s6  }
0xa: {  	s4 =	sadd.s32 $0x19800, s6;
	_ =	strace $0x80000047;
	s8 =	sor.u32 s7, s5  }
0xb: {  	s5 =	sadd.s32 $0x600, s6;
	s7 =	ssub.s32 $0x2, s7;
	s9 =	sshll.u32 s8, $0x5  }
0xc: {  	s31 =	sshrl.u32 s7, $0x1;
	s8 =	sand.u32 $0x7, s8;
	s10 =	sadd.s32 s9, s6  }
0xd: {  	s11 =	ssub.s32 s7, s31;
	s6 =	sshll.u32 s8, $0x7;
	s22 =	smul.u32 $0x19000, s8  }
0xe: {  	v1 =	vimm.s32 $0x0;
	v2 =	vimm.s32 $0xFFFFFF81;
	s7 =	sor.u32 $0x10, s6;
	s8 =	sor.u32 $0x20, s6;
	s9 =	sor.u32 $0x30, s6  }
0xf: {  	v3 =	vlaneseq.u32;
	v4 =	vimm.f32 $0.0e+00;
	s10 =	sadd.s32 $0x19A00, s10;
	s11 =	smax.u32 s11, $0x1;
	v0 =	vmov s22;
	s22 =	simm.s32 $0x1A80  }
.LBB2_1:
0x10: {  	[tilespmem:s2], [sflag:$0x2] =	stream.linear.gather [hbm4b:s3+s2], $0x1000, $0x38;
	[tilespmem:$0x1C00] =	vst v63  }
0x11: {  	_ =	swait.ge [sflag:s12], $0x1000  }
0x12: {  	[sflag:s12] =	ssyncset.done $0x0  }
0x13: {  	[sflag:s12] =	ssyncadd.s32 $0xFFFFF000  }
0x14: {  	[tilespmem:s13], [sflag:$0x2] =	stream.linear.gather [hbm4b:s4+s2], $0x400, $0x38;
	[tilespmem:$0x1C00] =	vst v63  }
0x15: {  	_ =	swait.ge [sflag:s12], $0x400  }
0x16: {  	[sflag:s12] =	ssyncset.done $0x0  }
0x17: {  	[sflag:s12] =	ssyncadd.s32 $0xFFFFFC00  }
0x18: {  	v5 =	vld [tilespmem:s6+$0x0]  }
0x19: {  	v6 =	vld [tilespmem:s6+$0x400]  }
0x1a: {  	v7 =	vld [tilespmem:s6+$0x800]  }
0x1b: {  	v8 =	vld [tilespmem:s6+$0xC00];
	_ =	sdelay $0x3  }
0x1c: {  	v9 =	vsub.f32 v7, v5  }
0x1d: {  	v10 =	vsub.f32 v8, v6  }
0x1e: {  	v11 =	vmul.f32 $2.500000000e-01, v9  }
0x1f: {  	v12 =	vmul.f32 $2.500000000e-01, v10  }
0x20: {  	v11 =	vadd.f32 $9.999999970e-07, v11  }
0x21: {  	v12 =	vadd.f32 $9.999999970e-07, v12  }
0x22: {  	v13 =	vand.u32 $0x7FFFFF, v11  }
0x23: {  	v14 =	vand.u32 $0x7FFFFF, v12;
	v13 =	vor.u32 $0x3F800000, v13  }
0x24: {  	v14 =	vor.u32 $0x3F800000, v14;
	v15 =	vmul.f32 $5.000000000e-01, v13  }
0x25: {  	vm1 =	vgt.f32 v13, $1.414213540e+00;
	v16 =	vmul.f32 $5.000000000e-01, v14  }
0x26: {  	vm0 =	vgt.f32 v14, $1.414213540e+00;
	v13 =	vsel vm1, v15, v13  }
0x27: {  	v14 =	vsel vm0, v16, v14;
	v15 =	vadd.f32 $1.000000000e+00, v13  }
0x28: {  	v16 =	vadd.f32 $1.000000000e+00, v14  }
0x29: {  	(erf) = vrcp.f32 v15  }
0x2a: {  	(erf) = vrcp.f32 v16;
	_ =	sdelay $0x4  }
0x2b: {  	v17 =	vadd.f32 v8, v6;
	v13 =	vadd.f32 $-1.000000000e+00, v13  }
0x2c: {  	v15 =	vadd.f32 v7, v5;
	v5 =	vadd.f32 v6, v5;
	v16 =	vld [tilespmem:s6+$0x1000]  }
0x2d: {  	v14 =	vadd.f32 $-1.000000000e+00, v14  }
0x2e: {  	v6 =	vmul.f32 $5.000000000e-01, v15;
	v15 =	vmul.f32 $5.000000000e-01, v17;
	v5 =	vadd.f32 v7, v5;
	v7 =	vpop (erf)  }
0x2f: {  	vm4 =	vgt.f32 v9, $0.0e+00;
	v7 =	vmul.f32 v7, v13;
	v13 =	vpop (erf)  }
0x30: {  	v5 =	vadd.f32 v8, v5;
	v8 =	vmul.f32 $2.500000000e-01, v15;
	v13 =	vmul.f32 v13, v14  }
0x31: {  	v6 =	vmul.f32 $2.500000000e-01, v6;
	vm2 =	vgt.s32 v16, $0xFFFFFFFF;
	v15 =	vmul.f32 v7, v7  }
0x32: {  	vm3 =	vgt.f32 v5, $0.0e+00;
	v5 =	vtrunc.f32 v8;
	v16 =	vmul.f32 v13, v13  }
0x33: {  	v5 =	vcvt.f32.s32 v5;
	vm3 =	vmand vm3, vm4;
	v9 =	vmul.f32 $1.111111120e-01, v15  }
0x34: {  	vm2 =	vmand vm3, vm2;
	v14 =	vtrunc.f32 v6;
	v17 =	vmul.f32 $1.111111120e-01, v16  }
0x35: {  	vm3 =	vgt.s32 v5, $0x0;
	v14 =	vcvt.f32.s32 v14;
	v9 =	vadd.f32 $1.428571490e-01, v9  }
0x36: {  	v5 =	vnsel vm3, $0x0, v5;
	vm3 =	vgt.f32 v10, $0.0e+00;
	v17 =	vadd.f32 $1.428571490e-01, v17  }
0x37: {  	v5 =	vmin.u32 v5, $0x9F;
	vm4 =	vgt.s32 v14, $0x0;
	v9 =	vmul.f32 v9, v15  }
0x38: {  	vm2 =	vmand vm3, vm2;
	v14 =	vnsel vm4, $0x0, v14;
	v17 =	vmul.f32 v17, v16  }
0x39: {  	v18 =	vmul.u32 $0xA0, v5;
	v14 =	vmin.u32 v14, $0x9F;
	v9 =	vadd.f32 $2.000000030e-01, v9  }
0x3a: {  	v58 =	vsel vm2, $0x1, v1;
	v10 =	vcvt.s32.f32 v14;
	v17 =	vadd.f32 $2.000000030e-01, v17  }
0x3b: {  	v5 =	vcvt.s32.f32 v5;
	v7 =	vadd.f32 v7, v7;
	v9 =	vmul.f32 v9, v15  }
0x3c: {  	v6 =	vsub.f32 v6, v10;
	v10 =	vshrl.u32 v11, $0x17;
	v11 =	vmul.f32 v17, v16  }
0x3d: {  	v10 =	vand.u32 $0xFF, v10;
	v17 =	vsel vm1, $0xFFFFFF82, v2;
	v9 =	vadd.f32 $3.333333430e-01, v9  }
0x3e: {  	v5 =	vsub.f32 v8, v5;
	v8 =	vadd.s32 v10, v17;
	v10 =	vadd.f32 $3.333333430e-01, v11  }
0x3f: {  	v14 =	vadd.s32 v14, v18;
	v11 =	vshrl.u32 v12, $0x17;
	v9 =	vmul.f32 v9, v15  }
0x40: {  	v12 =	vsel vm0, $0xFFFFFF82, v2;
	v11 =	vand.u32 $0xFF, v11;
	v10 =	vmul.f32 v10, v16  }
0x41: {  	v8 =	vcvt.s32.f32 v8;
	v11 =	vadd.s32 v11, v12;
	v9 =	vadd.f32 $1.000000000e+00, v9  }
0x42: {  	v12 =	vadd.f32 v13, v13;
	v11 =	vcvt.s32.f32 v11;
	v10 =	vadd.f32 $1.000000000e+00, v10  }
0x43: {  	[tilespmem:$0x1480] =	vst v58;
	v6 =	vadd.f32 $-5.000000000e-01, v6;
	v8 =	vmul.f32 $6.931471820e-01, v8;
	v7 =	vmul.f32 v9, v7  }
0x44: {  	v5 =	vadd.f32 $-5.000000000e-01, v5;
	[tilespmem:$0x1400] =	vst v14;
	v9 =	vmul.f32 v10, v12;
	v10 =	vmul.f32 $6.931471820e-01, v11  }
0x45: {  	[tilespmem:$0x1500] =	vst v6;
	v6 =	vadd.f32 v7, v8  }
0x46: {  	[tilespmem:$0x1580] =	vst v5;
	v5 =	vadd.f32 v9, v10  }
0x47: {  	[tilespmem:$0x1600] =	vst v6  }
0x48: {  	[tilespmem:$0x1680] =	vst v5;
	v5 =	vadd.s32 v0, v14  }
0x49: {  	[tilespmem:$0x1700] =	vst v5;
	v6 =	vadd.s32 $0x6400, v5  }
0x4a: {  	[tilespmem:$0x1780] =	vst v6;
	v6 =	vadd.s32 $0xC800, v5  }
0x4b: {  	v5 =	vadd.s32 $0x12C00, v5;
	[tilespmem:$0x1800] =	vst v6  }
0x4c: {  	[tilespmem:$0x1880] =	vst v5  }
0x4d: {  	v5 =	vld [tilespmem:s7+$0x0]  }
0x4e: {  	v6 =	vld [tilespmem:s6+$0x410]  }
0x4f: {  	v7 =	vld [tilespmem:s6+$0x810]  }
0x50: {  	v8 =	vld [tilespmem:s6+$0xC10];
	_ =	sdelay $0x3  }
0x51: {  	v9 =	vsub.f32 v7, v5  }
0x52: {  	v10 =	vsub.f32 v8, v6  }
0x53: {  	v11 =	vmul.f32 $2.500000000e-01, v9  }
0x54: {  	v12 =	vmul.f32 $2.500000000e-01, v10  }
0x55: {  	v11 =	vadd.f32 $9.999999970e-07, v11  }
0x56: {  	v12 =	vadd.f32 $9.999999970e-07, v12  }
0x57: {  	v13 =	vand.u32 $0x7FFFFF, v11  }
0x58: {  	v14 =	vand.u32 $0x7FFFFF, v12;
	v13 =	vor.u32 $0x3F800000, v13  }
0x59: {  	v14 =	vor.u32 $0x3F800000, v14;
	v15 =	vmul.f32 $5.000000000e-01, v13  }
0x5a: {  	vm1 =	vgt.f32 v13, $1.414213540e+00;
	v16 =	vmul.f32 $5.000000000e-01, v14  }
0x5b: {  	vm0 =	vgt.f32 v14, $1.414213540e+00;
	v13 =	vsel vm1, v15, v13  }
0x5c: {  	v14 =	vsel vm0, v16, v14;
	v15 =	vadd.f32 $1.000000000e+00, v13  }
0x5d: {  	v16 =	vadd.f32 $1.000000000e+00, v14  }
0x5e: {  	(erf) = vrcp.f32 v15  }
0x5f: {  	(erf) = vrcp.f32 v16;
	_ =	sdelay $0x4  }
0x60: {  	v17 =	vadd.f32 v8, v6;
	v13 =	vadd.f32 $-1.000000000e+00, v13  }
0x61: {  	v15 =	vadd.f32 v7, v5;
	v5 =	vadd.f32 v6, v5;
	v16 =	vld [tilespmem:s7+$0x1000]  }
0x62: {  	v14 =	vadd.f32 $-1.000000000e+00, v14  }
0x63: {  	v6 =	vmul.f32 $5.000000000e-01, v15;
	v15 =	vmul.f32 $5.000000000e-01, v17;
	v5 =	vadd.f32 v7, v5;
	v7 =	vpop (erf)  }
0x64: {  	vm4 =	vgt.f32 v9, $0.0e+00;
	v7 =	vmul.f32 v7, v13;
	v13 =	vpop (erf)  }
0x65: {  	v5 =	vadd.f32 v8, v5;
	v8 =	vmul.f32 $2.500000000e-01, v15;
	v13 =	vmul.f32 v13, v14  }
0x66: {  	v6 =	vmul.f32 $2.500000000e-01, v6;
	vm2 =	vgt.s32 v16, $0xFFFFFFFF;
	v15 =	vmul.f32 v7, v7  }
0x67: {  	vm3 =	vgt.f32 v5, $0.0e+00;
	v5 =	vtrunc.f32 v8;
	v16 =	vmul.f32 v13, v13  }
0x68: {  	v5 =	vcvt.f32.s32 v5;
	vm3 =	vmand vm3, vm4;
	v9 =	vmul.f32 $1.111111120e-01, v15  }
0x69: {  	vm2 =	vmand vm3, vm2;
	v14 =	vtrunc.f32 v6;
	v17 =	vmul.f32 $1.111111120e-01, v16  }
0x6a: {  	vm3 =	vgt.s32 v5, $0x0;
	v14 =	vcvt.f32.s32 v14;
	v9 =	vadd.f32 $1.428571490e-01, v9  }
0x6b: {  	v5 =	vnsel vm3, $0x0, v5;
	vm3 =	vgt.f32 v10, $0.0e+00;
	v17 =	vadd.f32 $1.428571490e-01, v17  }
0x6c: {  	v5 =	vmin.u32 v5, $0x9F;
	vm4 =	vgt.s32 v14, $0x0;
	v9 =	vmul.f32 v9, v15  }
0x6d: {  	vm2 =	vmand vm3, vm2;
	v14 =	vnsel vm4, $0x0, v14;
	v17 =	vmul.f32 v17, v16  }
0x6e: {  	v59 =	vmul.u32 $0xA0, v5;
	v14 =	vmin.u32 v14, $0x9F;
	v9 =	vadd.f32 $2.000000030e-01, v9  }
0x6f: {  	v60 =	vsel vm2, $0x1, v1;
	v10 =	vcvt.s32.f32 v14;
	v17 =	vadd.f32 $2.000000030e-01, v17  }
0x70: {  	v5 =	vcvt.s32.f32 v5;
	v7 =	vadd.f32 v7, v7;
	v9 =	vmul.f32 v9, v15  }
0x71: {  	v6 =	vsub.f32 v6, v10;
	v10 =	vshrl.u32 v11, $0x17;
	v11 =	vmul.f32 v17, v16  }
0x72: {  	v10 =	vand.u32 $0xFF, v10;
	v17 =	vsel vm1, $0xFFFFFF82, v2;
	v9 =	vadd.f32 $3.333333430e-01, v9  }
0x73: {  	v5 =	vsub.f32 v8, v5;
	v8 =	vadd.s32 v10, v17;
	v10 =	vadd.f32 $3.333333430e-01, v11  }
0x74: {  	v14 =	vadd.s32 v14, v59;
	v11 =	vshrl.u32 v12, $0x17;
	v9 =	vmul.f32 v9, v15  }
0x75: {  	v12 =	vsel vm0, $0xFFFFFF82, v2;
	v11 =	vand.u32 $0xFF, v11;
	v10 =	vmul.f32 v10, v16  }
0x76: {  	v8 =	vcvt.s32.f32 v8;
	v11 =	vadd.s32 v11, v12;
	v9 =	vadd.f32 $1.000000000e+00, v9  }
0x77: {  	v12 =	vadd.f32 v13, v13;
	v11 =	vcvt.s32.f32 v11;
	v10 =	vadd.f32 $1.000000000e+00, v10  }
0x78: {  	[tilespmem:$0x1490] =	vst v60;
	v6 =	vadd.f32 $-5.000000000e-01, v6;
	v8 =	vmul.f32 $6.931471820e-01, v8;
	v7 =	vmul.f32 v9, v7  }
0x79: {  	v5 =	vadd.f32 $-5.000000000e-01, v5;
	[tilespmem:$0x1410] =	vst v14;
	v9 =	vmul.f32 v10, v12;
	v10 =	vmul.f32 $6.931471820e-01, v11  }
0x7a: {  	[tilespmem:$0x1510] =	vst v6;
	v6 =	vadd.f32 v7, v8  }
0x7b: {  	[tilespmem:$0x1590] =	vst v5;
	v5 =	vadd.f32 v9, v10  }
0x7c: {  	[tilespmem:$0x1610] =	vst v6  }
0x7d: {  	[tilespmem:$0x1690] =	vst v5;
	v5 =	vadd.s32 v0, v14  }
0x7e: {  	[tilespmem:$0x1710] =	vst v5;
	v6 =	vadd.s32 $0x6400, v5  }
0x7f: {  	[tilespmem:$0x1790] =	vst v6;
	v6 =	vadd.s32 $0xC800, v5  }
0x80: {  	v5 =	vadd.s32 $0x12C00, v5;
	[tilespmem:$0x1810] =	vst v6  }
0x81: {  	[tilespmem:$0x1890] =	vst v5  }
0x82: {  	v5 =	vld [tilespmem:s8+$0x0]  }
0x83: {  	v6 =	vld [tilespmem:s6+$0x420]  }
0x84: {  	v7 =	vld [tilespmem:s6+$0x820]  }
0x85: {  	v8 =	vld [tilespmem:s6+$0xC20];
	_ =	sdelay $0x3  }
0x86: {  	v9 =	vsub.f32 v7, v5  }
0x87: {  	v10 =	vsub.f32 v8, v6  }
0x88: {  	v11 =	vmul.f32 $2.500000000e-01, v9  }
0x89: {  	v12 =	vmul.f32 $2.500000000e-01, v10  }
0x8a: {  	v11 =	vadd.f32 $9.999999970e-07, v11  }
0x8b: {  	v12 =	vadd.f32 $9.999999970e-07, v12  }
0x8c: {  	v13 =	vand.u32 $0x7FFFFF, v11  }
0x8d: {  	v14 =	vand.u32 $0x7FFFFF, v12;
	v13 =	vor.u32 $0x3F800000, v13  }
0x8e: {  	v14 =	vor.u32 $0x3F800000, v14;
	v15 =	vmul.f32 $5.000000000e-01, v13  }
0x8f: {  	vm1 =	vgt.f32 v13, $1.414213540e+00;
	v16 =	vmul.f32 $5.000000000e-01, v14  }
0x90: {  	vm0 =	vgt.f32 v14, $1.414213540e+00;
	v13 =	vsel vm1, v15, v13  }
0x91: {  	v14 =	vsel vm0, v16, v14;
	v15 =	vadd.f32 $1.000000000e+00, v13  }
0x92: {  	v16 =	vadd.f32 $1.000000000e+00, v14  }
0x93: {  	(erf) = vrcp.f32 v15  }
0x94: {  	(erf) = vrcp.f32 v16;
	_ =	sdelay $0x4  }
0x95: {  	v17 =	vadd.f32 v8, v6;
	v13 =	vadd.f32 $-1.000000000e+00, v13  }
0x96: {  	v15 =	vadd.f32 v7, v5;
	v5 =	vadd.f32 v6, v5;
	v16 =	vld [tilespmem:s8+$0x1000]  }
0x97: {  	v14 =	vadd.f32 $-1.000000000e+00, v14  }
0x98: {  	v6 =	vmul.f32 $5.000000000e-01, v15;
	v15 =	vmul.f32 $5.000000000e-01, v17;
	v5 =	vadd.f32 v7, v5;
	v7 =	vpop (erf)  }
0x99: {  	vm4 =	vgt.f32 v9, $0.0e+00;
	v7 =	vmul.f32 v7, v13;
	v13 =	vpop (erf)  }
0x9a: {  	v5 =	vadd.f32 v8, v5;
	v8 =	vmul.f32 $2.500000000e-01, v15;
	v13 =	vmul.f32 v13, v14  }
0x9b: {  	v6 =	vmul.f32 $2.500000000e-01, v6;
	vm2 =	vgt.s32 v16, $0xFFFFFFFF;
	v15 =	vmul.f32 v7, v7  }
0x9c: {  	vm3 =	vgt.f32 v5, $0.0e+00;
	v5 =	vtrunc.f32 v8;
	v16 =	vmul.f32 v13, v13  }
0x9d: {  	v5 =	vcvt.f32.s32 v5;
	vm3 =	vmand vm3, vm4;
	v9 =	vmul.f32 $1.111111120e-01, v15  }
0x9e: {  	vm2 =	vmand vm3, vm2;
	v14 =	vtrunc.f32 v6;
	v17 =	vmul.f32 $1.111111120e-01, v16  }
0x9f: {  	vm3 =	vgt.s32 v5, $0x0;
	v14 =	vcvt.f32.s32 v14;
	v9 =	vadd.f32 $1.428571490e-01, v9  }
0xa0: {  	v5 =	vnsel vm3, $0x0, v5;
	vm3 =	vgt.f32 v10, $0.0e+00;
	v17 =	vadd.f32 $1.428571490e-01, v17  }
0xa1: {  	v5 =	vmin.u32 v5, $0x9F;
	vm4 =	vgt.s32 v14, $0x0;
	v9 =	vmul.f32 v9, v15  }
0xa2: {  	vm2 =	vmand vm3, vm2;
	v14 =	vnsel vm4, $0x0, v14;
	v17 =	vmul.f32 v17, v16  }
0xa3: {  	v61 =	vmul.u32 $0xA0, v5;
	v14 =	vmin.u32 v14, $0x9F;
	v9 =	vadd.f32 $2.000000030e-01, v9  }
0xa4: {  	v62 =	vsel vm2, $0x1, v1;
	v10 =	vcvt.s32.f32 v14;
	v17 =	vadd.f32 $2.000000030e-01, v17  }
0xa5: {  	v5 =	vcvt.s32.f32 v5;
	v7 =	vadd.f32 v7, v7;
	v9 =	vmul.f32 v9, v15  }
0xa6: {  	v6 =	vsub.f32 v6, v10;
	v10 =	vshrl.u32 v11, $0x17;
	v11 =	vmul.f32 v17, v16  }
0xa7: {  	v10 =	vand.u32 $0xFF, v10;
	v17 =	vsel vm1, $0xFFFFFF82, v2;
	v9 =	vadd.f32 $3.333333430e-01, v9  }
0xa8: {  	v5 =	vsub.f32 v8, v5;
	v8 =	vadd.s32 v10, v17;
	v10 =	vadd.f32 $3.333333430e-01, v11  }
0xa9: {  	v14 =	vadd.s32 v14, v61;
	v11 =	vshrl.u32 v12, $0x17;
	v9 =	vmul.f32 v9, v15  }
0xaa: {  	v12 =	vsel vm0, $0xFFFFFF82, v2;
	v11 =	vand.u32 $0xFF, v11;
	v10 =	vmul.f32 v10, v16  }
0xab: {  	v8 =	vcvt.s32.f32 v8;
	v11 =	vadd.s32 v11, v12;
	v9 =	vadd.f32 $1.000000000e+00, v9  }
0xac: {  	v12 =	vadd.f32 v13, v13;
	v11 =	vcvt.s32.f32 v11;
	v10 =	vadd.f32 $1.000000000e+00, v10  }
0xad: {  	[tilespmem:$0x14A0] =	vst v62;
	v6 =	vadd.f32 $-5.000000000e-01, v6;
	v8 =	vmul.f32 $6.931471820e-01, v8;
	v7 =	vmul.f32 v9, v7  }
0xae: {  	v5 =	vadd.f32 $-5.000000000e-01, v5;
	[tilespmem:$0x1420] =	vst v14;
	v9 =	vmul.f32 v10, v12;
	v10 =	vmul.f32 $6.931471820e-01, v11  }
0xaf: {  	[tilespmem:$0x1520] =	vst v6;
	v6 =	vadd.f32 v7, v8  }
0xb0: {  	[tilespmem:$0x15A0] =	vst v5;
	v5 =	vadd.f32 v9, v10  }
0xb1: {  	[tilespmem:$0x1620] =	vst v6  }
0xb2: {  	[tilespmem:$0x16A0] =	vst v5;
	v5 =	vadd.s32 v0, v14  }
0xb3: {  	[tilespmem:$0x1720] =	vst v5;
	v6 =	vadd.s32 $0x6400, v5  }
0xb4: {  	[tilespmem:$0x17A0] =	vst v6;
	v6 =	vadd.s32 $0xC800, v5  }
0xb5: {  	v5 =	vadd.s32 $0x12C00, v5;
	[tilespmem:$0x1820] =	vst v6  }
0xb6: {  	[tilespmem:$0x18A0] =	vst v5  }
0xb7: {  	v5 =	vld [tilespmem:s9+$0x0]  }
0xb8: {  	v6 =	vld [tilespmem:s6+$0x830]  }
0xb9: {  	v7 =	vld [tilespmem:s6+$0x430]  }
0xba: {  	v8 =	vld [tilespmem:s6+$0xC30];
	_ =	sdelay $0x2  }
0xbb: {  	v9 =	vsub.f32 v6, v5;
	_ =	sdelay $0x1  }
0xbc: {  	v10 =	vsub.f32 v8, v7;
	v11 =	vmul.f32 $2.500000000e-01, v9;
	_ =	sdelay $0x1  }
0xbd: {  	v12 =	vmul.f32 $2.500000000e-01, v10;
	v11 =	vadd.f32 $9.999999970e-07, v11;
	_ =	sdelay $0x1  }
0xbe: {  	v12 =	vadd.f32 $9.999999970e-07, v12;
	v13 =	vand.u32 $0x7FFFFF, v11  }
0xbf: {  	v13 =	vor.u32 $0x3F800000, v13  }
0xc0: {  	v15 =	vand.u32 $0x7FFFFF, v12;
	v14 =	vmul.f32 $5.000000000e-01, v13  }
0xc1: {  	v15 =	vor.u32 $0x3F800000, v15;
	vm1 =	vgt.f32 v13, $1.414213540e+00  }
0xc2: {  	v13 =	vsel vm1, v14, v13;
	v14 =	vmul.f32 $5.000000000e-01, v15  }
0xc3: {  	vm0 =	vgt.f32 v15, $1.414213540e+00;
	v16 =	vadd.f32 $1.000000000e+00, v13  }
0xc4: {  	v14 =	vsel vm0, v14, v15  }
0xc5: {  	(erf) = vrcp.f32 v16;
	v15 =	vadd.f32 $1.000000000e+00, v14;
	_ =	sdelay $0x1  }
0xc6: {  	(erf) = vrcp.f32 v15;
	_ =	sdelay $0x1  }
0xc7: {  	v15 =	vadd.f32 v8, v7  }
0xc8: {  	v16 =	vadd.f32 v6, v5  }
0xc9: {  	v15 =	vmul.f32 $5.000000000e-01, v15  }
0xca: {  	v5 =	vadd.f32 v7, v5;
	v16 =	vmul.f32 $5.000000000e-01, v16  }
0xcb: {  	v13 =	vadd.f32 $-1.000000000e+00, v13;
	v7 =	vmul.f32 $2.500000000e-01, v15  }
0xcc: {  	v5 =	vadd.f32 v6, v5;
	v6 =	vmul.f32 $2.500000000e-01, v16;
	v17 =	vpop (erf)  }
0xcd: {  	v14 =	vadd.f32 $-1.000000000e+00, v14;
	v15 =	vld [tilespmem:s9+$0x1000];
	v16 =	vtrunc.f32 v7;
	v13 =	vmul.f32 v17, v13  }
0xce: {  	v5 =	vadd.f32 v8, v5;
	v8 =	vtrunc.f32 v6;
	v16 =	vcvt.f32.s32 v16;
	v17 =	vpop (erf)  }
0xcf: {  	v63 =	vmul.f32 v13, v13;
	v14 =	vmul.f32 v17, v14  }
0xd0: {  	vm5 =	vgt.f32 v9, $0.0e+00;
	vm3 =	vgt.f32 v5, $0.0e+00;
	v5 =	vcvt.f32.s32 v8  }
0xd1: {  	vm4 =	vgt.s32 v16, $0x0;
	v17 =	vmul.f32 $1.111111120e-01, v63;
	v19 =	vmul.f32 v14, v14  }
0xd2: {  	vm2 =	vgt.s32 v15, $0xFFFFFFFF;
	v9 =	vnsel vm4, $0x0, v16;
	vm4 =	vgt.s32 v5, $0x0  }
0xd3: {  	v9 =	vmin.u32 v9, $0x9F;
	v8 =	vadd.f32 $1.428571490e-01, v17;
	v15 =	vmul.f32 $1.111111120e-01, v19  }
0xd4: {  	vm6 =	vgt.f32 v10, $0.0e+00;
	v5 =	vnsel vm4, $0x0, v5;
	v10 =	vmul.u32 $0xA0, v9  }
0xd5: {  	v5 =	vmin.u32 v5, $0x9F;
	v8 =	vmul.f32 v8, v63;
	v15 =	vadd.f32 $1.428571490e-01, v15  }
0xd6: {  	v12 =	vshrl.u32 v12, $0x17;
	v10 =	vadd.s32 v5, v10  }
0xd7: {  	v5 =	vcvt.s32.f32 v5;
	v8 =	vadd.f32 $2.000000030e-01, v8;
	v15 =	vmul.f32 v15, v19  }
0xd8: {  	v11 =	vshrl.u32 v11, $0x17;
	v12 =	vand.u32 $0xFF, v12;
	vm3 =	vmand vm3, vm5  }
0xd9: {  	v5 =	vsub.f32 v6, v5;
	v8 =	vmul.f32 v8, v63;
	v15 =	vadd.f32 $2.000000030e-01, v15  }
0xda: {  	v6 =	vcvt.s32.f32 v9;
	v9 =	vand.u32 $0xFF, v11;
	v11 =	vsel vm1, $0xFFFFFF82, v2  }
0xdb: {  	vm1 =	vmand vm3, vm2;
	v8 =	vadd.f32 $3.333333430e-01, v8;
	v15 =	vmul.f32 v15, v19  }
0xdc: {  	v13 =	vadd.f32 v13, v13;
	vm1 =	vmand vm6, vm1;
	v6 =	vsub.f32 v7, v6  }
0xdd: {  	v7 =	vadd.s32 v9, v11;
	v8 =	vmul.f32 v8, v63;
	v9 =	vadd.f32 $3.333333430e-01, v15  }
0xde: {  	v14 =	vadd.f32 v14, v14;
	v11 =	vsel vm1, $0x1, v1;
	v7 =	vcvt.s32.f32 v7  }
0xdf: {  	v15 =	vsel vm0, $0xFFFFFF82, v2;
	v9 =	vmul.f32 v9, v19;
	v8 =	vadd.f32 $1.000000000e+00, v8  }
0xe0: {  	v5 =	vadd.f32 $-5.000000000e-01, v5;
	v7 =	vmul.f32 $6.931471820e-01, v7;
	v12 =	vadd.s32 v12, v15  }
0xe1: {  	[tilespmem:$0x1430] =	vst v10;
	v12 =	vcvt.s32.f32 v12;
	v9 =	vadd.f32 $1.000000000e+00, v9;
	v8 =	vmul.f32 v8, v13  }
0xe2: {  	[tilespmem:$0x14B0] =	vst v11;
	v6 =	vadd.f32 $-5.000000000e-01, v6  }
0xe3: {  	[tilespmem:$0x1530] =	vst v5;
	v11 =	vmul.f32 $6.931471820e-01, v12;
	v9 =	vmul.f32 v9, v14;
	v5 =	vadd.f32 v8, v7  }
0xe4: {  	[tilespmem:$0x15B0] =	vst v6  }
0xe5: {  	v6 =	vadd.f32 v9, v11;
	[tilespmem:$0x1630] =	vst v5;
	v5 =	vadd.s32 v0, v10  }
0xe6: {  	[tilespmem:$0x1730] =	vst v5  }
0xe7: {  	[tilespmem:$0x16B0] =	vst v6;
	v6 =	vadd.s32 $0x6400, v5  }
0xe8: {  	[tilespmem:$0x17B0] =	vst v6;
	v6 =	vadd.s32 $0xC800, v5  }
0xe9: {  	v5 =	vadd.s32 $0x12C00, v5;
	[tilespmem:$0x1830] =	vst v6  }
0xea: {  	[tilespmem:$0x18B0] =	vst v5  }
0xeb: {  	[tilespmem:s16], [sflag:$0x1] =	stream.indirect.gather [hbm4b:s5+s14], $0x1, s15, s14, $0xb8;
	[tilespmem:$0x1C00] =	vst v63  }
0xec: {  	_ = 	snop  }
0xed: {  	[tilespmem:s18], [sflag:$0x1] =	stream.indirect.gather [hbm4b:s5+s14], $0x1, s17, s14, $0xb8;
	[tilespmem:$0x1C00] =	vst v63  }
0xee: {  	v8 =	vmov s2  }
0xef: {  	[tilespmem:s20], [sflag:$0x1] =	stream.indirect.gather [hbm4b:s5+s14], $0x1, s19, s14, $0xb8;
	[tilespmem:$0x1C00] =	vst v63  }
0xf0: {  	_ = 	snop  }
0xf1: {  	[tilespmem:s22], [sflag:$0x1] =	stream.indirect.gather [hbm4b:s5+s14], $0x1, s21, s14, $0xb8;
	[tilespmem:$0x1C00] =	vst v63  }
0xf2: {  	v10 =	vld [tilespmem:$0x1410]  }
0xf3: {  	v11 =	vld.idx.msk [tilespmem:v8+s23+$0x0], $0xffff;
	_ =	sdelay $0x1  }
0xf4: {  	v9 =	vld [tilespmem:$0x1400]  }
0xf5: {  	s29 =	simm.s32 $0x1;
	v12 =	vld [tilespmem:$0x1420]  }
0xf6: {  	v15 =	vmov s29;
	v7 =	vor.u32 $0x10, v3;
	v13 =	vld [tilespmem:$0x1430]  }
0xf7: {  	v14 =	vimm.s32 $0x0;
	vm1 =	vgt.u32 v8, v3;
	vm4 =	veq.s32 v10, v11;
	v10 =	vld.idx.msk [tilespmem:v8+s24+$0x0], $0xffff  }
0xf8: {  	vm2 =	vgt.u32 v8, v7;
	v6 =	vor.u32 $0x20, v3;
	v5 =	vor.u32 $0x30, v3  }
0xf9: {  	vm3 =	vgt.u32 v8, v6;
	vm0 =	vgt.u32 v8, v5;
	vm5 =	veq.s32 v9, v11  }
0xfa: {  	v8 =	vimm.s32 $0x0;
	vm6 =	vmand vm1, vm5;
	vm5 =	veq.s32 v12, v11  }
0xfb: {  	s29 =	simm.s32 $0x2;
	v9 =	vmovc v15;
	vm1 =	veq.s32 v13, v11;
	v11 =	vld [tilespmem:$0x1400];
	v12 =	vimm.s32 $0x0;
	v13 =	vimm.s32 $0x0  }
.LBB2_2:
0xfc: {  	p0 =	sne.s32 s29, $0x31;
	v16 =	vld [tilespmem:$0x1410];
	v17 =	vnsel vm6, $0x0, v10;
	vm2 =	vmand vm2, vm4;
	vm3 =	vmand vm3, vm5  }
0xfd: {  	vm0 =	vmand vm0, vm1;
	v18 =	vld [tilespmem:$0x1420];
	vm4 =	vgt.s32 v14, v17;
	v19 =	vnsel vm2, $0x0, v10  }
0xfe: {  	v20 =	vld.idx.msk [tilespmem:v15+s23+$0x0], $0xffff;
	v14 =	vsel vm4, v14, v17;
	v15 =	vnsel vm3, $0x0, v10;
	v17 =	vnsel vm0, $0x0, v10  }
0xff: {  	vm0 =	vgt.s32 v12, v19;
	v21 =	vld [tilespmem:$0x1430];
	vm1 =	vgt.s32 v13, v15;
	vm2 =	vgt.s32 v8, v17  }
0x100: {  	v12 =	vsel vm0, v12, v19;
	v10 =	vld.idx.msk [tilespmem:v9+s24+$0x0], $0xffff;
	v13 =	vsel vm1, v13, v15;
	v8 =	vsel vm2, v8, v17  }
.Ltmp0:
0x101: {  	(pc) =	sbr.rel @p0 .LBB2_2-.Ltmp0, $4  }
0x102: {  	v15 =	vmov s29  }
0x103: {  	vm3 =	vgt.u32 v9, v6;
	vm1 =	vgt.u32 v9, v3;
	vm2 =	vgt.u32 v9, v7  }
0x104: {  	vm0 =	vgt.u32 v9, v5;
	v9 =	vmovc v15;
	vm5 =	veq.s32 v11, v20;
	vm4 =	veq.s32 v16, v20  }
0x105: {  	s29 =	sadd.s32 $0x1, s29;
	vm6 =	vmand vm1, vm5;
	vm5 =	veq.s32 v18, v20;
	vm1 =	veq.s32 v21, v20;
	v11 =	vld [tilespmem:$0x1400]  }
0x106: {  	_ =	sdelay $0x1  }
0x107: {  	v16 =	vld [tilespmem:$0x1410]  }
0x108: {  	v17 =	vld [tilespmem:$0x1420]  }
0x109: {  	v15 =	vld.idx.msk [tilespmem:v15+s23+$0x0], $0xffff  }
0x10a: {  	v18 =	vld [tilespmem:$0x1430]  }
0x10b: {  	v19 =	vld.idx.msk [tilespmem:v9+s24+$0x0], $0xffff;
	_ =	swait.ge [sflag:s25], $0x40  }
0x10c: {  	[sflag:s25] =	ssyncset.done $0x0  }
0x10d: {  	[sflag:s25] =	ssyncadd.s32 $0xFFFFFFC0  }
0x10e: {  	_ =	swait.ge [sflag:s25], $0x40  }
0x10f: {  	[sflag:s25] =	ssyncset.done $0x0  }
0x110: {  	[sflag:s25] =	ssyncadd.s32 $0xFFFFFFC0  }
0x111: {  	_ =	swait.ge [sflag:s25], $0x40  }
0x112: {  	[sflag:s25] =	ssyncset.done $0x0  }
0x113: {  	[sflag:s25] =	ssyncadd.s32 $0xFFFFFFC0  }
0x114: {  	_ =	swait.ge [sflag:s25], $0x40  }
0x115: {  	[sflag:s25] =	ssyncset.done $0x0  }
0x116: {  	[sflag:s25] =	ssyncadd.s32 $0xFFFFFFC0  }
0x117: {  	v20 =	vld [tilespmem:$0x1480]  }
0x118: {  	v21 =	vld [tilespmem:$0x1900]  }
0x119: {  	v22 =	vnsel vm6, $0x0, v10;
	vm2 =	vmand vm2, vm4;
	v23 =	vld [tilespmem:$0x1500]  }
0x11a: {  	vm3 =	vmand vm3, vm5;
	vm9 =	vgt.u32 v9, v7;
	vm0 =	vmand vm0, vm1;
	v26 =	vld [tilespmem:$0x1980]  }
0x11b: {  	vm10 =	vgt.u32 v9, v3;
	vm8 =	vgt.s32 v14, v22;
	v24 =	vnsel vm2, $0x0, v10;
	v58 =	vld [tilespmem:$0x1580]  }
0x11c: {  	v25 =	vnsel vm3, $0x0, v10;
	v60 =	vnsel vm0, $0x0, v10;
	vm0 =	vgt.u32 v9, v5;
	v7 =	vld [tilespmem:$0x1A00]  }
0x11d: {  	v14 =	vsel vm8, v14, v22;
	vm2 =	vgt.s32 v12, v24;
	vm11 =	veq.s32 v11, v15;
	v59 =	vld [tilespmem:$0x1600]  }
0x11e: {  	v12 =	vsel vm2, v12, v24;
	vm2 =	vgt.u32 v9, v6;
	vm1 =	vmand vm10, vm11;
	v6 =	vld [tilespmem:$0x1A80]  }
0x11f: {  	vm3 =	vgt.s32 v13, v25;
	vm12 =	vgt.s32 v8, v60;
	v5 =	vnsel vm1, $0x0, v19;
	v61 =	vld [tilespmem:$0x1680]  }
0x120: {  	v13 =	vsel vm3, v13, v25;
	v8 =	vsel vm12, v8, v60;
	vm14 =	vgt.s32 v14, v5;
	v62 =	vld [tilespmem:$0x1490]  }
0x121: {  	vm13 =	veq.s32 v16, v15;
	vm15 =	veq.s32 v17, v15;
	v5 =	vsel vm14, v14, v5;
	v63 =	vld [tilespmem:$0x1910]  }
0x122: {  	vm10 =	veq.s32 v18, v15;
	vm1 =	vmand vm9, vm13;
	vm9 =	veq.s32 v5, $0x0;
	v24 =	vld [tilespmem:$0x1510]  }
0x123: {  	v28 =	vld [tilespmem:$0x1990];
	vm8 =	vgt.s32 v20, $0x0;
	v5 =	vsub.f32 v21, v23;
	v27 =	vsub.f32 v26, v58  }
0x124: {  	v25 =	vnsel vm1, $0x0, v19;
	v30 =	vld [tilespmem:$0x1590];
	v7 =	vsub.f32 v7, v59;
	vm3 =	vmand vm9, vm8  }
0x125: {  	v31 =	vld [tilespmem:$0x1A10];
	v29 =	vsel vm3, $0x3F800000, v4;
	v5 =	vand.u32 $0x7FFFFFFF, v5;
	v20 =	vand.u32 $0x7FFFFFFF, v27  }
0x126: {  	vm11 =	vgt.s32 v12, v25;
	v32 =	vld [tilespmem:$0x1610];
	v5 =	vmul.f32 v5, v29;
	v20 =	vmul.f32 v20, v29  }
0x127: {  	v12 =	vsel vm11, v12, v25;
	v33 =	vld [tilespmem:$0x1A90];
	v6 =	vsub.f32 v6, v61;
	v7 =	vand.u32 $0x7FFFFFFF, v7  }
0x128: {  	vm4 =	veq.s32 v12, $0x0;
	v34 =	vld [tilespmem:$0x1690];
	v7 =	vmul.f32 v7, v29;
	v5 =	vadd.f32 v20, v5  }
0x129: {  	v36 =	vld [tilespmem:$0x14A0];
	vm12 =	vgt.s32 v62, $0x0;
	v35 =	vsub.f32 v63, v24;
	v6 =	vand.u32 $0x7FFFFFFF, v6  }
0x12a: {  	v39 =	vld [tilespmem:$0x1520];
	vm3 =	vmand vm4, vm12;
	v6 =	vmul.f32 v6, v29;
	v5 =	vadd.f32 v7, v5  }
0x12b: {  	v41 =	vld [tilespmem:$0x19A0];
	v38 =	vsub.f32 v28, v30;
	v10 =	vand.u32 $0x7FFFFFFF, v35;
	v37 =	vsel vm3, $0x3F800000, v4  }
0x12c: {  	vm2 =	vmand vm2, vm15;
	v7 =	vld [tilespmem:$0x1920];
	v5 =	vadd.f32 v6, v5;
	v6 =	vmul.f32 v10, v37  }
0x12d: {  	v40 =	vnsel vm2, $0x0, v19;
	v42 =	vld [tilespmem:$0x15A0];
	v9 =	vsub.f32 v31, v32;
	v16 =	vand.u32 $0x7FFFFFFF, v38  }
0x12e: {  	vm2 =	vgt.s32 v13, v40;
	v44 =	vld [tilespmem:$0x1A20];
	v5 =	vadd.f32 v6, v5;
	v6 =	vmul.f32 v16, v37  }
0x12f: {  	v13 =	vsel vm2, v13, v40;
	v45 =	vld [tilespmem:$0x1620];
	v43 =	vsub.f32 v33, v34;
	v9 =	vand.u32 $0x7FFFFFFF, v9  }
0x130: {  	vm2 =	veq.s32 v13, $0x0;
	v47 =	vld [tilespmem:$0x1AA0];
	v5 =	vadd.f32 v6, v5;
	v6 =	vmul.f32 v9, v37  }
0x131: {  	v48 =	vld [tilespmem:$0x16A0];
	vm13 =	vgt.s32 v36, $0x0;
	v46 =	vand.u32 $0x7FFFFFFF, v43;
	v7 =	vsub.f32 v7, v39  }
0x132: {  	v49 =	vld [tilespmem:$0x14B0];
	vm1 =	vmand vm2, vm13;
	v5 =	vadd.f32 v6, v5;
	v6 =	vmul.f32 v46, v37  }
0x133: {  	v51 =	vld [tilespmem:$0x1930];
	v50 =	vsel vm1, $0x3F800000, v4;
	v10 =	vsub.f32 v41, v42;
	v7 =	vand.u32 $0x7FFFFFFF, v7  }
0x134: {  	vm0 =	vmand vm0, vm10;
	v5 =	vadd.f32 v6, v5;
	v6 =	vmul.f32 v7, v50;
	v7 =	vld [tilespmem:$0x1530]  }
0x135: {  	v52 =	vnsel vm0, $0x0, v19;
	v53 =	vld [tilespmem:$0x19B0];
	v17 =	vsub.f32 v44, v45;
	v10 =	vand.u32 $0x7FFFFFFF, v10  }
0x136: {  	vm0 =	vgt.s32 v8, v52;
	v55 =	vld [tilespmem:$0x15B0];
	v5 =	vadd.f32 v6, v5;
	v6 =	vmul.f32 v10, v50  }
0x137: {  	v8 =	vsel vm0, v8, v52;
	v57 =	vld [tilespmem:$0x1A30];
	v54 =	vsub.f32 v47, v48;
	v56 =	vand.u32 $0x7FFFFFFF, v17  }
0x138: {  	vm15 =	veq.s32 v8, $0x0;
	v58 =	vld [tilespmem:$0x1630];
	v5 =	vadd.f32 v6, v5;
	v6 =	vmul.f32 v56, v50  }
0x139: {  	v60 =	vld [tilespmem:$0x16B0];
	vm14 =	vgt.s32 v49, $0x0;
	v10 =	vand.u32 $0x7FFFFFFF, v54;
	v7 =	vsub.f32 v51, v7  }
0x13a: {  	v59 =	vld [tilespmem:$0x1AB0];
	vm0 =	vmand vm15, vm14;
	v5 =	vadd.f32 v6, v5;
	v6 =	vmul.f32 v10, v50  }
0x13b: {  	v62 =	vsub.f32 v53, v55;
	v61 =	vsel vm0, $0x3F800000, v4;
	v7 =	vand.u32 $0x7FFFFFFF, v7  }
0x13c: {  	v5 =	vadd.f32 v6, v5;
	v6 =	vmul.f32 v7, v61  }
0x13d: {  	v63 =	vsub.f32 v57, v58;
	v7 =	vand.u32 $0x7FFFFFFF, v62  }
0x13e: {  	v5 =	vadd.f32 v6, v5;
	v6 =	vmul.f32 v7, v61  }
0x13f: {  	v8 =	vsub.f32 v59, v60;
	v7 =	vand.u32 $0x7FFFFFFF, v63  }
0x140: {  	v5 =	vadd.f32 v6, v5;
	v6 =	vmul.f32 v7, v61  }
0x141: {  	v8 =	vand.u32 $0x7FFFFFFF, v8;
	v7 =	vadd.f32 v37, v29  }
0x142: {  	v5 =	vadd.f32 v6, v5;
	v6 =	vmul.f32 v8, v61  }
0x143: {  	v7 =	vadd.f32 v50, v7  }
0x144: {  	v5 =	vadd.f32 v6, v5  }
0x145: {  	s28 =	sadd.s32 $0x1, s28;
	v6 =	vadd.f32 v61, v7  }
0x146: {  	p0 =	sne.s32 s28, s11;
	[tilespmem:$0x1B00] =	vst v5  }
.Ltmp1:
0x147: {  	[tilespmem:$0x1B80] =	vst v6;
	(pc) =	sbr.rel @p0 .LBB2_1-.Ltmp1, $4  }
0x148: {  	[hbm4b:s10+s2] =	stream.linear.scatter [tilespmem:s26], [sflag:$0x2], $0x100, $0x38;
	[tilespmem:$0x1C00] =	vst v63  }
0x149: {  	_ =	swait.ge [sflag:s12], $0x100  }
0x14a: {  	[sflag:s12] =	ssyncset.done $0x0  }
0x14b: {  	[sflag:s12] =	ssyncadd.s32 $0xFFFFFF00  }
0x14c: {  	_ =	sfence.sel $0x180000  }
0x14d: {  	[bflag:$0x0] =	sbarrier.arrive $0xFFFF  }
0x14e: {  	p0 =	sne.s32 s1, $0x0;
	_ =	strace $0x90000047  }
0x14f: {  	s0 =	sadd.s32 @!p0 $0x100000, s0;
	[bflag:$0x2] =	sbarrier.arrive $0xFFFF  }
0x150: {  	[sflag:s0] =	ssyncadd.tile.s32 @!p0 $0x1;
	_ =	shalt  }
.Lfunc_end2:
_tile_overlayer_lowered:
.L_overlay_start_2:
0x151: {  	(tag) =	ssettag $0x2  }
0x152: {  	s0 =	rddreg [dreg:$0x0];
	s2 =	stileid.u32  }
0x153: {  	s1 =	rddreg [dreg:$0x1];
	p0 =	sne.s32 s2, $0x0  }
0x154: {  	s3 =	rddreg [dreg:$0x2];
	[bflag:$0x3] =	sbarrier.arrive $0xFFFF;
	s2 =	simm.s32 @!p0 $0x1C02  }
0x155: {  	[timem:s3], [sflag:s2] =	dma.local @!p0 [hbm:s0], s1  }
0x156: {  	s0 =	simm.s32 @!p0 $0x2  }
0x157: {  	_ =	swait.ge @!p0 [sflag:s0], s1  }
0x158: {  	s1 =	ssub.s32 @!p0 $0x0, s1;
	[sflag:s0] =	ssyncset.done @!p0 $0x0  }
0x159: {  	[sflag:s0] =	ssyncadd.s32 @!p0 s1  }
0x15a: {  	[bflag:$0x3] =	sbarrier.arrive $0xFFFF  }
0x15b: {  	_ =	shalt  }

</sc_bundles>
